<compile_context>
chip_gen: v7x
topology: tpu7x:2x2x1
jax: 0.10.2.dev20260603
libtpu: 0.0.44.dev20260713+nightly
codegen_flags: <defaults>
</compile_context>

<pallas_src>
import functools

import jax
import jax.numpy as jnp
from jax import lax
from jax.experimental import pallas as pl
from jax.experimental.pallas import tpu as pltpu
from jax.experimental.pallas import tpu_sc as plsc

NC = 2
NS = 16
LANES = 16
NW = NC * NS


def _transform_body(e_ref, w_ref, tr_ref):
    tr_ref[0] = jnp.dot(e_ref[...], w_ref[0], preferred_element_type=jnp.float32)


def _transform(entity_emb, weight):
    n, d = entity_emb.shape
    r = weight.shape[0]
    nblk = 5
    bn = n // nblk
    tr = pl.pallas_call(
        _transform_body,
        grid=(nblk, r),
        in_specs=[
            pl.BlockSpec((bn, d), lambda i, j: (i, 0)),
            pl.BlockSpec((1, d, d), lambda i, j: (j, 0, 0)),
        ],
        out_specs=pl.BlockSpec((1, bn, d), lambda i, j: (j, i, 0)),
        out_shape=jax.ShapeDtypeStruct((r, n, d), jnp.float32),
    )(entity_emb, weight)
    return tr.reshape(r * n, d)


def _make_scatter(n, d, e, chunk):
    mesh = plsc.VectorSubcoreMesh(core_axis_name="c", subcore_axis_name="s", num_cores=NC, num_subcores=NS)
    echunks = e // chunk
    rbase = (n // NS) & ~7
    zstep = 16

    @functools.partial(
        pl.kernel,
        out_type=jax.ShapeDtypeStruct((NC, n, d), jnp.float32),
        mesh=mesh,
        scratch_types=[
            pltpu.VMEM_SHARED((n, d), jnp.float32),
            pltpu.VMEM((chunk,), jnp.int32),
            pltpu.VMEM((chunk,), jnp.int32),
            pltpu.VMEM((chunk,), jnp.int32),
            pltpu.VMEM((chunk,), jnp.int32),
            pltpu.VMEM((chunk, d), jnp.float32),
            pltpu.VMEM((zstep, d), jnp.float32),
            pltpu.SemaphoreType.DMA,
        ],
    )
    def scatter_k(tr_hbm, src_hbm, tgt_hbm, et_hbm, out_hbm,
                  acc, srcb, etb, idxb, tgtb, rowsb, zbuf, sem):
        cid = lax.axis_index("c")
        sid = lax.axis_index("s")
        wid = sid * NC + cid

        base = sid * rbase
        myrows = jnp.where(sid == NS - 1, n - (NS - 1) * rbase, rbase)
        nz = myrows // zstep

        for i in range(zstep):
            for s in range(d // LANES):
                zbuf[i, pl.ds(s * LANES, LANES)] = jnp.zeros((LANES,), jnp.float32)

        def _zcopy(z, carry):
            pltpu.sync_copy(zbuf, acc.at[pl.ds(base + z * zstep, zstep)])
            return carry
        lax.fori_loop(0, nz, _zcopy, 0)
        plsc.subcore_barrier()

        nfull = echunks // NW
        nchunks = jnp.where(wid < echunks % NW, nfull + 1, nfull)

        def _edge_chunk(j, carry):
            off = (wid + j * NW) * chunk
            pltpu.sync_copy(src_hbm.at[pl.ds(off, chunk)], srcb)
            pltpu.sync_copy(et_hbm.at[pl.ds(off, chunk)], etb)
            pltpu.sync_copy(tgt_hbm.at[pl.ds(off, chunk)], tgtb)
            for s in range(chunk // LANES):
                sl = pl.ds(s * LANES, LANES)
                idxb[sl] = etb[sl] * n + srcb[sl]
            pltpu.async_copy(tr_hbm.at[idxb], rowsb, sem).wait()
            pltpu.sync_copy(rowsb, acc.at[tgtb], add=True)
            return carry
        lax.fori_loop(0, nchunks, _edge_chunk, 0)
        plsc.subcore_barrier()

        def _wcopy(z, carry):
            pltpu.sync_copy(acc.at[pl.ds(base + z * zstep, zstep)],
                            out_hbm.at[cid, pl.ds(base + z * zstep, zstep)])
            return carry
        lax.fori_loop(0, nz, _wcopy, 0)

    return scatter_k


def _combine_body(p_ref, u_ref):
    u_ref[...] = jnp.maximum(p_ref[0] + p_ref[1], 0.0)


def _combine(partial):
    _, n, d = partial.shape
    nblk = 5
    bn = n // nblk
    return pl.pallas_call(
        _combine_body,
        grid=(nblk,),
        in_specs=[pl.BlockSpec((2, bn, d), lambda i: (0, i, 0))],
        out_specs=pl.BlockSpec((bn, d), lambda i: (i, 0)),
        out_shape=jax.ShapeDtypeStruct((n, d), jnp.float32),
    )(partial)


def _make_score(n, d, r, t, chunk):
    mesh = plsc.VectorSubcoreMesh(core_axis_name="c", subcore_axis_name="s", num_cores=NC, num_subcores=NS)
    tchunks = t // chunk
    rows_per_w = tchunks // NW
    pb = chunk * LANES

    @functools.partial(
        pl.kernel,
        out_type=(jax.ShapeDtypeStruct((t * LANES,), jnp.float32),
                  jax.ShapeDtypeStruct((t * LANES,), jnp.float32)),
        mesh=mesh,
        scratch_types=[
            pltpu.VMEM((chunk,), jnp.int32),
            pltpu.VMEM((chunk,), jnp.int32),
            pltpu.VMEM((chunk,), jnp.int32),
            pltpu.VMEM((chunk, d), jnp.float32),
            pltpu.VMEM((chunk, d), jnp.float32),
            pltpu.VMEM((chunk, d), jnp.float32),
            pltpu.VMEM((pb,), jnp.float32),
            pltpu.SemaphoreType.DMA,
        ],
    )
    def score_k(upd_hbm, rel_hbm, ph, pr, pt, nh, nr, nt, pos_out, neg_out,
                hidx, ridx, tidx, hrows, rrows, trows_b, partb, sem):
        cid = lax.axis_index("c")
        sid = lax.axis_index("s")
        wid = sid * NC + cid

        for (hsrc, rsrc, tsrc, out_hbm) in ((ph, pr, pt, pos_out),
                                            (nh, nr, nt, neg_out)):
            def _row(q, carry, hsrc=hsrc, rsrc=rsrc, tsrc=tsrc, out_hbm=out_hbm):
                rowid = wid * rows_per_w + q
                toff = rowid * chunk
                pltpu.sync_copy(hsrc.at[pl.ds(toff, chunk)], hidx)
                pltpu.sync_copy(rsrc.at[pl.ds(toff, chunk)], ridx)
                pltpu.sync_copy(tsrc.at[pl.ds(toff, chunk)], tidx)
                pltpu.async_copy(upd_hbm.at[hidx], hrows, sem).wait()
                pltpu.async_copy(rel_hbm.at[ridx], rrows, sem).wait()
                pltpu.async_copy(upd_hbm.at[tidx], trows_b, sem).wait()

                def _trip(i, c2):
                    acc = jnp.zeros((LANES,), jnp.float32)
                    for s in range(d // LANES):
                        sl = pl.ds(s * LANES, LANES)
                        dd = hrows[i, sl] + rrows[i, sl] - trows_b[i, sl]
                        acc = acc + dd * dd
                    partb[pl.ds(i * LANES, LANES)] = acc
                    return c2
                lax.fori_loop(0, chunk, _trip, 0)
                pltpu.sync_copy(partb, out_hbm.at[pl.ds(rowid * pb, pb)])
                return carry
            lax.fori_loop(0, rows_per_w, _row, 0)

    return score_k


def _loss_body(pp_ref, out_ref):
    p = pp_ref[0]
    q = pp_ref[1]
    ps = jnp.sqrt(jnp.sum(p, axis=1, keepdims=True))
    ns = jnp.sqrt(jnp.sum(q, axis=1, keepdims=True))
    hinge = jnp.maximum(ps - ns + 1.0, 0.0)
    out_ref[...] = jnp.sum(hinge, axis=(0, 1), keepdims=True) / p.shape[0]


def _loss(parts):
    return pl.pallas_call(
        _loss_body,
        in_specs=[pl.BlockSpec(parts.shape, lambda: (0, 0, 0))],
        out_specs=pl.BlockSpec((1, 1), lambda: (0, 0)),
        out_shape=jax.ShapeDtypeStruct((1, 1), jnp.float32),
    )(parts)


def kernel(entity_emb, relation_emb, weight, pos_triplets, neg_triplets,
           edge_index, edge_type):
    n, d = entity_emb.shape
    r = weight.shape[0]
    e = edge_type.shape[0]
    t = pos_triplets.shape[0]
    chunk = 128

    tr_flat = _transform(entity_emb, weight)

    partial = _make_scatter(n, d, e, chunk)(
        tr_flat, edge_index[0], edge_index[1], edge_type)

    updated = _combine(partial)

    pos_out, neg_out = _make_score(n, d, r, t, chunk)(
        updated, relation_emb,
        pos_triplets[:, 0], pos_triplets[:, 1], pos_triplets[:, 2],
        neg_triplets[:, 0], neg_triplets[:, 1], neg_triplets[:, 2])
    parts = jnp.stack([pos_out.reshape(t, LANES), neg_out.reshape(t, LANES)])

    loss = _loss(parts)
    return loss[0, 0]

# --- scband reference (transcript-rebuilt; emitter-appended) ---
"""Pipeline reference for scband-rgcn-33122787786776 (READ-ONLY COPY).

The authoritative reference and input builder live on the scoring server;
editing this copy changes nothing except your own understanding.
"""

import jax, jax.numpy as jnp
import numpy as np

N = 10000
R = 8
D = 128
E = 320000
T = 16384

def setup_inputs(seed: int = 0):
    key = jax.random.key(seed)
    ks = jax.random.split(key, 7)
    bound = 6.0 / np.sqrt(D)
    entity_emb = jax.random.uniform(ks[0], (N, D), minval=-bound, maxval=bound, dtype=jnp.float32)
    relation_emb = jax.random.uniform(ks[1], (R, D), minval=-bound, maxval=bound, dtype=jnp.float32)
    lim = np.sqrt(6.0 / (D + D))
    weight = jax.random.uniform(ks[2], (R, D, D), minval=-lim, maxval=lim, dtype=jnp.float32)
    pos_triplets = jax.random.randint(ks[3], (T, 3), 0, R)
    neg_triplets = jax.random.randint(ks[4], (T, 3), 0, R)
    edge_index = jax.random.randint(ks[5], (2, E), 0, N)
    edge_type = jax.random.randint(ks[6], (E,), 0, R)
    return {"entity_emb": entity_emb, "relation_emb": relation_emb, "weight": weight,
            "pos_triplets": pos_triplets, "neg_triplets": neg_triplets,
            "edge_index": edge_index, "edge_type": edge_type}

def reference(entity_emb, relation_emb, weight, pos_triplets, neg_triplets, edge_index, edge_type):
    num_entities = entity_emb.shape[0]
    src = edge_index[0]
    tgt = edge_index[1]
    h_src = entity_emb[src]
    msg = jnp.zeros((src.shape[0], weight.shape[2]), dtype=entity_emb.dtype)
    for r in range(weight.shape[0]):
        msg_r = h_src @ weight[r]
        msg = msg + jnp.where((edge_type == r)[:, None], msg_r, jnp.zeros_like(msg_r))
    messages = jax.ops.segment_sum(msg, tgt, num_segments=num_entities)
    updated = jax.nn.relu(messages)  # dropout treated as identity (eval mode)
    def _score(trip):
        h = updated[trip[:, 0]]
        rel = relation_emb[trip[:, 1]]
        t = updated[trip[:, 2]]
        return -jnp.sqrt(jnp.sum((h + rel - t) ** 2, axis=1))
    pos_scores = _score(pos_triplets)
    neg_scores = _score(neg_triplets)
    # MarginRankingLoss(margin=1.0) with target=+1: mean(max(0, -(pos - neg) + 1))
    loss = jnp.mean(jnp.maximum(0.0, -(pos_scores - neg_scores) + 1.0))
    return loss

if __name__ == "__main__":
    import jax
    _d = setup_inputs()
    print(jax.jit(kernel)(*tuple(_d.values())))

</pallas_src>

<mosaic_0001>
#map = affine_map<(d0, d1) -> (0, 0)>
#map1 = affine_map<(d0, d1) -> (0)>
#map2 = affine_map<(d0, d1) -> (0, 0, 0)>
module attributes {stable_mosaic.version = 14 : i64} {
  func.func @scatter_k(%arg0: i32, %arg1: i32, %arg2: memref<80000x128xf32, #tpu.memory_space<hbm>>, %arg3: memref<320000xi32, #tpu.memory_space<hbm>>, %arg4: memref<320000xi32, #tpu.memory_space<hbm>>, %arg5: memref<320000xi32, #tpu.memory_space<hbm>>, %arg6: memref<2x10000x128xf32, #tpu.memory_space<hbm>>, %arg7: memref<10000x128xf32, #tpu.memory_space<vmem_shared>>, %arg8: memref<128xi32, #tpu.memory_space<vmem>>, %arg9: memref<128xi32, #tpu.memory_space<vmem>>, %arg10: memref<128xi32, #tpu.memory_space<vmem>>, %arg11: memref<128xi32, #tpu.memory_space<vmem>>, %arg12: memref<128x128xf32, #tpu.memory_space<vmem>>, %arg13: memref<16x128xf32, #tpu.memory_space<vmem>>, %arg14: memref<!tpu.dma_semaphore, #tpu.memory_space<semaphore_mem>>) attributes {dimension_semantics = [#tpu.dimension_semantics<core_parallel>, #tpu.dimension_semantics<subcore_parallel>], iteration_bounds = array<i64: 2, 16>, scalar_prefetch = 0 : i64, scratch_operands = 8 : i64, tpu.core_type = #tpu.core_type<sc_vector_subcore>, window_params = [{transform_indices = #map}, {transform_indices = #map1}, {transform_indices = #map1}, {transform_indices = #map1}, {transform_indices = #map2}]} {
    %mul3A = arith.constant 2 : i32
    %mul3A_0 = arith.muli %arg1, %mul3A : i32
    %add3A = arith.addi %mul3A_0, %arg0 : i32
    %mul3A_1 = arith.constant 624 : i32
    %mul3A_2 = arith.muli %arg1, %mul3A_1 : i32
    %eq3A = arith.constant 15 : i32
    %eq3A_3 = arith.cmpi eq, %arg1, %eq3A : i32
    %jit3A = arith.constant 640 : i32
    %jit3A_4 = arith.constant 624 : i32
    %select_n3A = arith.select %eq3A_3, %jit3A, %jit3A_4 : i32
    %jit3A_5 = arith.constant 16 : i32
    %div3A = arith.divsi %select_n3A, %jit3A_5 : i32
    %sign3A = arith.constant 0 : i32
    %sign3A_6 = arith.cmpi sgt, %select_n3A, %sign3A : i32
    %sign3A_7 = arith.extui %sign3A_6 : i1 to i32
    %sign3A_8 = arith.constant 0 : i32
    %sign3A_9 = arith.cmpi slt, %select_n3A, %sign3A_8 : i32
    %sign3A_10 = arith.extui %sign3A_9 : i1 to i32
    %sign3A_11 = arith.subi %sign3A_7, %sign3A_10 : i32
    %sign3A_12 = arith.constant 0 : i32
    %sign3A_13 = arith.cmpi sgt, %jit3A_5, %sign3A_12 : i32
    %sign3A_14 = arith.extui %sign3A_13 : i1 to i32
    %sign3A_15 = arith.constant 0 : i32
    %sign3A_16 = arith.cmpi slt, %jit3A_5, %sign3A_15 : i32
    %sign3A_17 = arith.extui %sign3A_16 : i1 to i32
    %sign3A_18 = arith.subi %sign3A_14, %sign3A_17 : i32
    %ne3A = arith.cmpi ne, %sign3A_11, %sign3A_18 : i32
    %rem3A = arith.remsi %select_n3A, %jit3A_5 : i32
    %ne3A_19 = arith.constant 0 : i32
    %ne3A_20 = arith.cmpi ne, %rem3A, %ne3A_19 : i32
    %and3A = arith.andi %ne3A, %ne3A_20 : i1
    %sub3A = arith.constant 1 : i32
    %sub3A_21 = arith.subi %div3A, %sub3A : i32
    %select_n3A_22 = arith.select %and3A, %sub3A_21, %div3A : i32
    %broadcast_in_dim3A = arith.constant 0.000000e+00 : f32
    %broadcast_in_dim3A_23 = vector.broadcast %broadcast_in_dim3A : f32 to vector<16xf32>
    %swap3A = arith.constant 0 : i32
    %swap3A_24 = arith.index_cast %swap3A : i32 to index
    %swap3A_25 = arith.constant 0 : index
    %swap3A_26 = tpu.vector_load %arg13[%swap3A_24, %swap3A_25] {strides = array<i32>} : memref<16x128xf32, #tpu.memory_space<vmem>>, vector<1x16xf32>,
    %swap3A_27 = vector.shape_cast %swap3A_26 : vector<1x16xf32> to vector<16xf32>
    %swap3A_28 = vector.shape_cast %broadcast_in_dim3A_23 : vector<16xf32> to vector<1x16xf32>
    tpu.vector_store %arg13[%swap3A_24, %swap3A_25], %swap3A_28 {strides = array<i32>} : memref<16x128xf32, #tpu.memory_space<vmem>>, vector<1x16xf32>,
    %broadcast_in_dim3A_29 = arith.constant 0.000000e+00 : f32
    %broadcast_in_dim3A_30 = vector.broadcast %broadcast_in_dim3A_29 : f32 to vector<16xf32>
    %swap3A_31 = arith.constant 0 : i32
    %swap3A_32 = arith.index_cast %swap3A_31 : i32 to index
    %swap3A_33 = arith.constant 16 : index
    %swap3A_34 = tpu.vector_load %arg13[%swap3A_32, %swap3A_33] {strides = array<i32>} : memref<16x128xf32, #tpu.memory_space<vmem>>, vector<1x16xf32>,
    %swap3A_35 = vector.shape_cast %swap3A_34 : vector<1x16xf32> to vector<16xf32>
    %swap3A_36 = vector.shape_cast %broadcast_in_dim3A_30 : vector<16xf32> to vector<1x16xf32>
    tpu.vector_store %arg13[%swap3A_32, %swap3A_33], %swap3A_36 {strides = array<i32>} : memref<16x128xf32, #tpu.memory_space<vmem>>, vector<1x16xf32>,
    %broadcast_in_dim3A_37 = arith.constant 0.000000e+00 : f32
    %broadcast_in_dim3A_38 = vector.broadcast %broadcast_in_dim3A_37 : f32 to vector<16xf32>
    %swap3A_39 = arith.constant 0 : i32
    %swap3A_40 = arith.index_cast %swap3A_39 : i32 to index
    %swap3A_41 = arith.constant 32 : index
    %swap3A_42 = tpu.vector_load %arg13[%swap3A_40, %swap3A_41] {strides = array<i32>} : memref<16x128xf32, #tpu.memory_space<vmem>>, vector<1x16xf32>,
    %swap3A_43 = vector.shape_cast %swap3A_42 : vector<1x16xf32> to vector<16xf32>
    %swap3A_44 = vector.shape_cast %broadcast_in_dim3A_38 : vector<16xf32> to vector<1x16xf32>
    tpu.vector_store %arg13[%swap3A_40, %swap3A_41], %swap3A_44 {strides = array<i32>} : memref<16x128xf32, #tpu.memory_space<vmem>>, vector<1x16xf32>,
    %broadcast_in_dim3A_45 = arith.constant 0.000000e+00 : f32
    %broadcast_in_dim3A_46 = vector.broadcast %broadcast_in_dim3A_45 : f32 to vector<16xf32>
    %swap3A_47 = arith.constant 0 : i32
    %swap3A_48 = arith.index_cast %swap3A_47 : i32 to index
    %swap3A_49 = arith.constant 48 : index
    %swap3A_50 = tpu.vector_load %arg13[%swap3A_48, %swap3A_49] {strides = array<i32>} : memref<16x128xf32, #tpu.memory_space<vmem>>, vector<1x16xf32>,
    %swap3A_51 = vector.shape_cast %swap3A_50 : vector<1x16xf32> to vector<16xf32>
    %swap3A_52 = vector.shape_cast %broadcast_in_dim3A_46 : vector<16xf32> to vector<1x16xf32>
    tpu.vector_store %arg13[%swap3A_48, %swap3A_49], %swap3A_52 {strides = array<i32>} : memref<16x128xf32, #tpu.memory_space<vmem>>, vector<1x16xf32>,
    %broadcast_in_dim3A_53 = arith.constant 0.000000e+00 : f32
    %broadcast_in_dim3A_54 = vector.broadcast %broadcast_in_dim3A_53 : f32 to vector<16xf32>
    %swap3A_55 = arith.constant 0 : i32
    %swap3A_56 = arith.index_cast %swap3A_55 : i32 to index
    %swap3A_57 = arith.constant 64 : index
    %swap3A_58 = tpu.vector_load %arg13[%swap3A_56, %swap3A_57] {strides = array<i32>} : memref<16x128xf32, #tpu.memory_space<vmem>>, vector<1x16xf32>,
    %swap3A_59 = vector.shape_cast %swap3A_58 : vector<1x16xf32> to vector<16xf32>
    %swap3A_60 = vector.shape_cast %broadcast_in_dim3A_54 : vector<16xf32> to vector<1x16xf32>
    tpu.vector_store %arg13[%swap3A_56, %swap3A_57], %swap3A_60 {strides = array<i32>} : memref<16x128xf32, #tpu.memory_space<vmem>>, vector<1x16xf32>,
    %broadcast_in_dim3A_61 = arith.constant 0.000000e+00 : f32
    %broadcast_in_dim3A_62 = vector.broadcast %broadcast_in_dim3A_61 : f32 to vector<16xf32>
    %swap3A_63 = arith.constant 0 : i32
    %swap3A_64 = arith.index_cast %swap3A_63 : i32 to index
    %swap3A_65 = arith.constant 80 : index
    %swap3A_66 = tpu.vector_load %arg13[%swap3A_64, %swap3A_65] {strides = array<i32>} : memref<16x128xf32, #tpu.memory_space<vmem>>, vector<1x16xf32>,
    %swap3A_67 = vector.shape_cast %swap3A_66 : vector<1x16xf32> to vector<16xf32>
    %swap3A_68 = vector.shape_cast %broadcast_in_dim3A_62 : vector<16xf32> to vector<1x16xf32>
    tpu.vector_store %arg13[%swap3A_64, %swap3A_65], %swap3A_68 {strides = array<i32>} : memref<16x128xf32, #tpu.memory_space<vmem>>, vector<1x16xf32>,
    %broadcast_in_dim3A_69 = arith.constant 0.000000e+00 : f32
    %broadcast_in_dim3A_70 = vector.broadcast %broadcast_in_dim3A_69 : f32 to vector<16xf32>
    %swap3A_71 = arith.constant 0 : i32
    %swap3A_72 = arith.index_cast %swap3A_71 : i32 to index
    %swap3A_73 = arith.constant 96 : index
    %swap3A_74 = tpu.vector_load %arg13[%swap3A_72, %swap3A_73] {strides = array<i32>} : memref<16x128xf32, #tpu.memory_space<vmem>>, vector<1x16xf32>,
    %swap3A_75 = vector.shape_cast %swap3A_74 : vector<1x16xf32> to vector<16xf32>
    %swap3A_76 = vector.shape_cast %broadcast_in_dim3A_70 : vector<16xf32> to vector<1x16xf32>
    tpu.vector_store %arg13[%swap3A_72, %swap3A_73], %swap3A_76 {strides = array<i32>} : memref<16x128xf32, #tpu.memory_space<vmem>>, vector<1x16xf32>,
    %broadcast_in_dim3A_77 = arith.constant 0.000000e+00 : f32
    %broadcast_in_dim3A_78 = vector.broadcast %broadcast_in_dim3A_77 : f32 to vector<16xf32>
    %swap3A_79 = arith.constant 0 : i32
    %swap3A_80 = arith.index_cast %swap3A_79 : i32 to index
    %swap3A_81 = arith.constant 112 : index
    %swap3A_82 = tpu.vector_load %arg13[%swap3A_80, %swap3A_81] {strides = array<i32>} : memref<16x128xf32, #tpu.memory_space<vmem>>, vector<1x16xf32>,
    %swap3A_83 = vector.shape_cast %swap3A_82 : vector<1x16xf32> to vector<16xf32>
    %swap3A_84 = vector.shape_cast %broadcast_in_dim3A_78 : vector<16xf32> to vector<1x16xf32>
    tpu.vector_store %arg13[%swap3A_80, %swap3A_81], %swap3A_84 {strides = array<i32>} : memref<16x128xf32, #tpu.memory_space<vmem>>, vector<1x16xf32>,
    %broadcast_in_dim3A_85 = arith.constant 0.000000e+00 : f32
    %broadcast_in_dim3A_86 = vector.broadcast %broadcast_in_dim3A_85 : f32 to vector<16xf32>
    %swap3A_87 = arith.constant 1 : i32
    %swap3A_88 = arith.index_cast %swap3A_87 : i32 to index
    %swap3A_89 = arith.constant 0 : index
    %swap3A_90 = tpu.vector_load %arg13[%swap3A_88, %swap3A_89] {strides = array<i32>} : memref<16x128xf32, #tpu.memory_space<vmem>>, vector<1x16xf32>,
    %swap3A_91 = vector.shape_cast %swap3A_90 : vector<1x16xf32> to vector<16xf32>
    %swap3A_92 = vector.shape_cast %broadcast_in_dim3A_86 : vector<16xf32> to vector<1x16xf32>
    tpu.vector_store %arg13[%swap3A_88, %swap3A_89], %swap3A_92 {strides = array<i32>} : memref<16x128xf32, #tpu.memory_space<vmem>>, vector<1x16xf32>,
    %broadcast_in_dim3A_93 = arith.constant 0.000000e+00 : f32
    %broadcast_in_dim3A_94 = vector.broadcast %broadcast_in_dim3A_93 : f32 to vector<16xf32>
    %swap3A_95 = arith.constant 1 : i32
    %swap3A_96 = arith.index_cast %swap3A_95 : i32 to index
    %swap3A_97 = arith.constant 16 : index
    %swap3A_98 = tpu.vector_load %arg13[%swap3A_96, %swap3A_97] {strides = array<i32>} : memref<16x128xf32, #tpu.memory_space<vmem>>, vector<1x16xf32>,
    %swap3A_99 = vector.shape_cast %swap3A_98 : vector<1x16xf32> to vector<16xf32>
    %swap3A_100 = vector.shape_cast %broadcast_in_dim3A_94 : vector<16xf32> to vector<1x16xf32>
    tpu.vector_store %arg13[%swap3A_96, %swap3A_97], %swap3A_100 {strides = array<i32>} : memref<16x128xf32, #tpu.memory_space<vmem>>, vector<1x16xf32>,
    %broadcast_in_dim3A_101 = arith.constant 0.000000e+00 : f32
    %broadcast_in_dim3A_102 = vector.broadcast %broadcast_in_dim3A_101 : f32 to vector<16xf32>
    %swap3A_103 = arith.constant 1 : i32
    %swap3A_104 = arith.index_cast %swap3A_103 : i32 to index
    %swap3A_105 = arith.constant 32 : index
    %swap3A_106 = tpu.vector_load %arg13[%swap3A_104, %swap3A_105] {strides = array<i32>} : memref<16x128xf32, #tpu.memory_space<vmem>>, vector<1x16xf32>,
    %swap3A_107 = vector.shape_cast %swap3A_106 : vector<1x16xf32> to vector<16xf32>
    %swap3A_108 = vector.shape_cast %broadcast_in_dim3A_102 : vector<16xf32> to vector<1x16xf32>
    tpu.vector_store %arg13[%swap3A_104, %swap3A_105], %swap3A_108 {strides = array<i32>} : memref<16x128xf32, #tpu.memory_space<vmem>>, vector<1x16xf32>,
    %broadcast_in_dim3A_109 = arith.constant 0.000000e+00 : f32
    %broadcast_in_dim3A_110 = vector.broadcast %broadcast_in_dim3A_109 : f32 to vector<16xf32>
    %swap3A_111 = arith.constant 1 : i32
    %swap3A_112 = arith.index_cast %swap3A_111 : i32 to index
    %swap3A_113 = arith.constant 48 : index
    %swap3A_114 = tpu.vector_load %arg13[%swap3A_112, %swap3A_113] {strides = array<i32>} : memref<16x128xf32, #tpu.memory_space<vmem>>, vector<1x16xf32>,
    %swap3A_115 = vector.shape_cast %swap3A_114 : vector<1x16xf32> to vector<16xf32>
    %swap3A_116 = vector.shape_cast %broadcast_in_dim3A_110 : vector<16xf32> to vector<1x16xf32>
    tpu.vector_store %arg13[%swap3A_112, %swap3A_113], %swap3A_116 {strides = array<i32>} : memref<16x128xf32, #tpu.memory_space<vmem>>, vector<1x16xf32>,
    %broadcast_in_dim3A_117 = arith.constant 0.000000e+00 : f32
    %broadcast_in_dim3A_118 = vector.broadcast %broadcast_in_dim3A_117 : f32 to vector<16xf32>
    %swap3A_119 = arith.constant 1 : i32
    %swap3A_120 = arith.index_cast %swap3A_119 : i32 to index
    %swap3A_121 = arith.constant 64 : index
    %swap3A_122 = tpu.vector_load %arg13[%swap3A_120, %swap3A_121] {strides = array<i32>} : memref<16x128xf32, #tpu.memory_space<vmem>>, vector<1x16xf32>,
    %swap3A_123 = vector.shape_cast %swap3A_122 : vector<1x16xf32> to vector<16xf32>
    %swap3A_124 = vector.shape_cast %broadcast_in_dim3A_118 : vector<16xf32> to vector<1x16xf32>
    tpu.vector_store %arg13[%swap3A_120, %swap3A_121], %swap3A_124 {strides = array<i32>} : memref<16x128xf32, #tpu.memory_space<vmem>>, vector<1x16xf32>,
    %broadcast_in_dim3A_125 = arith.constant 0.000000e+00 : f32
    %broadcast_in_dim3A_126 = vector.broadcast %broadcast_in_dim3A_125 : f32 to vector<16xf32>
    %swap3A_127 = arith.constant 1 : i32
    %swap3A_128 = arith.index_cast %swap3A_127 : i32 to index
    %swap3A_129 = arith.constant 80 : index
    %swap3A_130 = tpu.vector_load %arg13[%swap3A_128, %swap3A_129] {strides = array<i32>} : memref<16x128xf32, #tpu.memory_space<vmem>>, vector<1x16xf32>,
    %swap3A_131 = vector.shape_cast %swap3A_130 : vector<1x16xf32> to vector<16xf32>
    %swap3A_132 = vector.shape_cast %broadcast_in_dim3A_126 : vector<16xf32> to vector<1x16xf32>
    tpu.vector_store %arg13[%swap3A_128, %swap3A_129], %swap3A_132 {strides = array<i32>} : memref<16x128xf32, #tpu.memory_space<vmem>>, vector<1x16xf32>,
    %broadcast_in_dim3A_133 = arith.constant 0.000000e+00 : f32
    %broadcast_in_dim3A_134 = vector.broadcast %broadcast_in_dim3A_133 : f32 to vector<16xf32>
    %swap3A_135 = arith.constant 1 : i32
    %swap3A_136 = arith.index_cast %swap3A_135 : i32 to index
    %swap3A_137 = arith.constant 96 : index
    %swap3A_138 = tpu.vector_load %arg13[%swap3A_136, %swap3A_137] {strides = array<i32>} : memref<16x128xf32, #tpu.memory_space<vmem>>, vector<1x16xf32>,
    %swap3A_139 = vector.shape_cast %swap3A_138 : vector<1x16xf32> to vector<16xf32>
    %swap3A_140 = vector.shape_cast %broadcast_in_dim3A_134 : vector<16xf32> to vector<1x16xf32>
    tpu.vector_store %arg13[%swap3A_136, %swap3A_137], %swap3A_140 {strides = array<i32>} : memref<16x128xf32, #tpu.memory_space<vmem>>, vector<1x16xf32>,
    %broadcast_in_dim3A_141 = arith.constant 0.000000e+00 : f32
    %broadcast_in_dim3A_142 = vector.broadcast %broadcast_in_dim3A_141 : f32 to vector<16xf32>
    %swap3A_143 = arith.constant 1 : i32
    %swap3A_144 = arith.index_cast %swap3A_143 : i32 to index
    %swap3A_145 = arith.constant 112 : index
    %swap3A_146 = tpu.vector_load %arg13[%swap3A_144, %swap3A_145] {strides = array<i32>} : memref<16x128xf32, #tpu.memory_space<vmem>>, vector<1x16xf32>,
    %swap3A_147 = vector.shape_cast %swap3A_146 : vector<1x16xf32> to vector<16xf32>
    %swap3A_148 = vector.shape_cast %broadcast_in_dim3A_142 : vector<16xf32> to vector<1x16xf32>
    tpu.vector_store %arg13[%swap3A_144, %swap3A_145], %swap3A_148 {strides = array<i32>} : memref<16x128xf32, #tpu.memory_space<vmem>>, vector<1x16xf32>,
    %broadcast_in_dim3A_149 = arith.constant 0.000000e+00 : f32
    %broadcast_in_dim3A_150 = vector.broadcast %broadcast_in_dim3A_149 : f32 to vector<16xf32>
    %swap3A_151 = arith.constant 2 : i32
    %swap3A_152 = arith.index_cast %swap3A_151 : i32 to index
    %swap3A_153 = arith.constant 0 : index
    %swap3A_154 = tpu.vector_load %arg13[%swap3A_152, %swap3A_153] {strides = array<i32>} : memref<16x128xf32, #tpu.memory_space<vmem>>, vector<1x16xf32>,
    %swap3A_155 = vector.shape_cast %swap3A_154 : vector<1x16xf32> to vector<16xf32>
    %swap3A_156 = vector.shape_cast %broadcast_in_dim3A_150 : vector<16xf32> to vector<1x16xf32>
    tpu.vector_store %arg13[%swap3A_152, %swap3A_153], %swap3A_156 {strides = array<i32>} : memref<16x128xf32, #tpu.memory_space<vmem>>, vector<1x16xf32>,
    %broadcast_in_dim3A_157 = arith.constant 0.000000e+00 : f32
    %broadcast_in_dim3A_158 = vector.broadcast %broadcast_in_dim3A_157 : f32 to vector<16xf32>
    %swap3A_159 = arith.constant 2 : i32
    %swap3A_160 = arith.index_cast %swap3A_159 : i32 to index
    %swap3A_161 = arith.constant 16 : index
    %swap3A_162 = tpu.vector_load %arg13[%swap3A_160, %swap3A_161] {strides = array<i32>} : memref<16x128xf32, #tpu.memory_space<vmem>>, vector<1x16xf32>,
    %swap3A_163 = vector.shape_cast %swap3A_162 : vector<1x16xf32> to vector<16xf32>
    %swap3A_164 = vector.shape_cast %broadcast_in_dim3A_158 : vector<16xf32> to vector<1x16xf32>
    tpu.vector_store %arg13[%swap3A_160, %swap3A_161], %swap3A_164 {strides = array<i32>} : memref<16x128xf32, #tpu.memory_space<vmem>>, vector<1x16xf32>,
    %broadcast_in_dim3A_165 = arith.constant 0.000000e+00 : f32
    %broadcast_in_dim3A_166 = vector.broadcast %broadcast_in_dim3A_165 : f32 to vector<16xf32>
    %swap3A_167 = arith.constant 2 : i32
    %swap3A_168 = arith.index_cast %swap3A_167 : i32 to index
    %swap3A_169 = arith.constant 32 : index
    %swap3A_170 = tpu.vector_load %arg13[%swap3A_168, %swap3A_169] {strides = array<i32>} : memref<16x128xf32, #tpu.memory_space<vmem>>, vector<1x16xf32>,
    %swap3A_171 = vector.shape_cast %swap3A_170 : vector<1x16xf32> to vector<16xf32>
    %swap3A_172 = vector.shape_cast %broadcast_in_dim3A_166 : vector<16xf32> to vector<1x16xf32>
    tpu.vector_store %arg13[%swap3A_168, %swap3A_169], %swap3A_172 {strides = array<i32>} : memref<16x128xf32, #tpu.memory_space<vmem>>, vector<1x16xf32>,
    %broadcast_in_dim3A_173 = arith.constant 0.000000e+00 : f32
    %broadcast_in_dim3A_174 = vector.broadcast %broadcast_in_dim3A_173 : f32 to vector<16xf32>
    %swap3A_175 = arith.constant 2 : i32
    %swap3A_176 = arith.index_cast %swap3A_175 : i32 to index
    %swap3A_177 = arith.constant 48 : index
    %swap3A_178 = tpu.vector_load %arg13[%swap3A_176, %swap3A_177] {strides = array<i32>} : memref<16x128xf32, #tpu.memory_space<vmem>>, vector<1x16xf32>,
    %swap3A_179 = vector.shape_cast %swap3A_178 : vector<1x16xf32> to vector<16xf32>
    %swap3A_180 = vector.shape_cast %broadcast_in_dim3A_174 : vector<16xf32> to vector<1x16xf32>
    tpu.vector_store %arg13[%swap3A_176, %swap3A_177], %swap3A_180 {strides = array<i32>} : memref<16x128xf32, #tpu.memory_space<vmem>>, vector<1x16xf32>,
    %broadcast_in_dim3A_181 = arith.constant 0.000000e+00 : f32
    %broadcast_in_dim3A_182 = vector.broadcast %broadcast_in_dim3A_181 : f32 to vector<16xf32>
    %swap3A_183 = arith.constant 2 : i32
    %swap3A_184 = arith.index_cast %swap3A_183 : i32 to index
    %swap3A_185 = arith.constant 64 : index
    %swap3A_186 = tpu.vector_load %arg13[%swap3A_184, %swap3A_185] {strides = array<i32>} : memref<16x128xf32, #tpu.memory_space<vmem>>, vector<1x16xf32>,
    %swap3A_187 = vector.shape_cast %swap3A_186 : vector<1x16xf32> to vector<16xf32>
    %swap3A_188 = vector.shape_cast %broadcast_in_dim3A_182 : vector<16xf32> to vector<1x16xf32>
    tpu.vector_store %arg13[%swap3A_184, %swap3A_185], %swap3A_188 {strides = array<i32>} : memref<16x128xf32, #tpu.memory_space<vmem>>, vector<1x16xf32>,
    %broadcast_in_dim3A_189 = arith.constant 0.000000e+00 : f32
    %broadcast_in_dim3A_190 = vector.broadcast %broadcast_in_dim3A_189 : f32 to vector<16xf32>
    %swap3A_191 = arith.constant 2 : i32
    %swap3A_192 = arith.index_cast %swap3A_191 : i32 to index
    %swap3A_193 = arith.constant 80 : index
    %swap3A_194 = tpu.vector_load %arg13[%swap3A_192, %swap3A_193] {strides = array<i32>} : memref<16x128xf32, #tpu.memory_space<vmem>>, vector<1x16xf32>,
    %swap3A_195 = vector.shape_cast %swap3A_194 : vector<1x16xf32> to vector<16xf32>
    %swap3A_196 = vector.shape_cast %broadcast_in_dim3A_190 : vector<16xf32> to vector<1x16xf32>
    tpu.vector_store %arg13[%swap3A_192, %swap3A_193], %swap3A_196 {strides = array<i32>} : memref<16x128xf32, #tpu.memory_space<vmem>>, vector<1x16xf32>,
    %broadcast_in_dim3A_197 = arith.constant 0.000000e+00 : f32
    %broadcast_in_dim3A_198 = vector.broadcast %broadcast_in_dim3A_197 : f32 to vector<16xf32>
    %swap3A_199 = arith.constant 2 : i32
    %swap3A_200 = arith.index_cast %swap3A_199 : i32 to index
    %swap3A_201 = arith.constant 96 : index
    %swap3A_202 = tpu.vector_load %arg13[%swap3A_200, %swap3A_201] {strides = array<i32>} : memref<16x128xf32, #tpu.memory_space<vmem>>, vector<1x16xf32>,
    %swap3A_203 = vector.shape_cast %swap3A_202 : vector<1x16xf32> to vector<16xf32>
    %swap3A_204 = vector.shape_cast %broadcast_in_dim3A_198 : vector<16xf32> to vector<1x16xf32>
    tpu.vector_store %arg13[%swap3A_200, %swap3A_201], %swap3A_204 {strides = array<i32>} : memref<16x128xf32, #tpu.memory_space<vmem>>, vector<1x16xf32>,
    %broadcast_in_dim3A_205 = arith.constant 0.000000e+00 : f32
    %broadcast_in_dim3A_206 = vector.broadcast %broadcast_in_dim3A_205 : f32 to vector<16xf32>
    %swap3A_207 = arith.constant 2 : i32
    %swap3A_208 = arith.index_cast %swap3A_207 : i32 to index
    %swap3A_209 = arith.constant 112 : index
    %swap3A_210 = tpu.vector_load %arg13[%swap3A_208, %swap3A_209] {strides = array<i32>} : memref<16x128xf32, #tpu.memory_space<vmem>>, vector<1x16xf32>,
    %swap3A_211 = vector.shape_cast %swap3A_210 : vector<1x16xf32> to vector<16xf32>
    %swap3A_212 = vector.shape_cast %broadcast_in_dim3A_206 : vector<16xf32> to vector<1x16xf32>
    tpu.vector_store %arg13[%swap3A_208, %swap3A_209], %swap3A_212 {strides = array<i32>} : memref<16x128xf32, #tpu.memory_space<vmem>>, vector<1x16xf32>,
    %broadcast_in_dim3A_213 = arith.constant 0.000000e+00 : f32
    %broadcast_in_dim3A_214 = vector.broadcast %broadcast_in_dim3A_213 : f32 to vector<16xf32>
    %swap3A_215 = arith.constant 3 : i32
    %swap3A_216 = arith.index_cast %swap3A_215 : i32 to index
    %swap3A_217 = arith.constant 0 : index
    %swap3A_218 = tpu.vector_load %arg13[%swap3A_216, %swap3A_217] {strides = array<i32>} : memref<16x128xf32, #tpu.memory_space<vmem>>, vector<1x16xf32>,
    %swap3A_219 = vector.shape_cast %swap3A_218 : vector<1x16xf32> to vector<16xf32>
    %swap3A_220 = vector.shape_cast %broadcast_in_dim3A_214 : vector<16xf32> to vector<1x16xf32>
    tpu.vector_store %arg13[%swap3A_216, %swap3A_217], %swap3A_220 {strides = array<i32>} : memref<16x128xf32, #tpu.memory_space<vmem>>, vector<1x16xf32>,
    %broadcast_in_dim3A_221 = arith.constant 0.000000e+00 : f32
    %broadcast_in_dim3A_222 = vector.broadcast %broadcast_in_dim3A_221 : f32 to vector<16xf32>
    %swap3A_223 = arith.constant 3 : i32
    %swap3A_224 = arith.index_cast %swap3A_223 : i32 to index
    %swap3A_225 = arith.constant 16 : index
    %swap3A_226 = tpu.vector_load %arg13[%swap3A_224, %swap3A_225] {strides = array<i32>} : memref<16x128xf32, #tpu.memory_space<vmem>>, vector<1x16xf32>,
    %swap3A_227 = vector.shape_cast %swap3A_226 : vector<1x16xf32> to vector<16xf32>
    %swap3A_228 = vector.shape_cast %broadcast_in_dim3A_222 : vector<16xf32> to vector<1x16xf32>
    tpu.vector_store %arg13[%swap3A_224, %swap3A_225], %swap3A_228 {strides = array<i32>} : memref<16x128xf32, #tpu.memory_space<vmem>>, vector<1x16xf32>,
    %broadcast_in_dim3A_229 = arith.constant 0.000000e+00 : f32
    %broadcast_in_dim3A_230 = vector.broadcast %broadcast_in_dim3A_229 : f32 to vector<16xf32>
    %swap3A_231 = arith.constant 3 : i32
    %swap3A_232 = arith.index_cast %swap3A_231 : i32 to index
    %swap3A_233 = arith.constant 32 : index
    %swap3A_234 = tpu.vector_load %arg13[%swap3A_232, %swap3A_233] {strides = array<i32>} : memref<16x128xf32, #tpu.memory_space<vmem>>, vector<1x16xf32>,
    %swap3A_235 = vector.shape_cast %swap3A_234 : vector<1x16xf32> to vector<16xf32>
    %swap3A_236 = vector.shape_cast %broadcast_in_dim3A_230 : vector<16xf32> to vector<1x16xf32>
    tpu.vector_store %arg13[%swap3A_232, %swap3A_233], %swap3A_236 {strides = array<i32>} : memref<16x128xf32, #tpu.memory_space<vmem>>, vector<1x16xf32>,
    %broadcast_in_dim3A_237 = arith.constant 0.000000e+00 : f32
    %broadcast_in_dim3A_238 = vector.broadcast %broadcast_in_dim3A_237 : f32 to vector<16xf32>
    %swap3A_239 = arith.constant 3 : i32
    %swap3A_240 = arith.index_cast %swap3A_239 : i32 to index
    %swap3A_241 = arith.constant 48 : index
    %swap3A_242 = tpu.vector_load %arg13[%swap3A_240, %swap3A_241] {strides = array<i32>} : memref<16x128xf32, #tpu.memory_space<vmem>>, vector<1x16xf32>,
    %swap3A_243 = vector.shape_cast %swap3A_242 : vector<1x16xf32> to vector<16xf32>
    %swap3A_244 = vector.shape_cast %broadcast_in_dim3A_238 : vector<16xf32> to vector<1x16xf32>
    tpu.vector_store %arg13[%swap3A_240, %swap3A_241], %swap3A_244 {strides = array<i32>} : memref<16x128xf32, #tpu.memory_space<vmem>>, vector<1x16xf32>,
    %broadcast_in_dim3A_245 = arith.constant 0.000000e+00 : f32
    %broadcast_in_dim3A_246 = vector.broadcast %broadcast_in_dim3A_245 : f32 to vector<16xf32>
    %swap3A_247 = arith.constant 3 : i32
    %swap3A_248 = arith.index_cast %swap3A_247 : i32 to index
    %swap3A_249 = arith.constant 64 : index
    %swap3A_250 = tpu.vector_load %arg13[%swap3A_248, %swap3A_249] {strides = array<i32>} : memref<16x128xf32, #tpu.memory_space<vmem>>, vector<1x16xf32>,
    %swap3A_251 = vector.shape_cast %swap3A_250 : vector<1x16xf32> to vector<16xf32>
    %swap3A_252 = vector.shape_cast %broadcast_in_dim3A_246 : vector<16xf32> to vector<1x16xf32>
    tpu.vector_store %arg13[%swap3A_248, %swap3A_249], %swap3A_252 {strides = array<i32>} : memref<16x128xf32, #tpu.memory_space<vmem>>, vector<1x16xf32>,
    %broadcast_in_dim3A_253 = arith.constant 0.000000e+00 : f32
    %broadcast_in_dim3A_254 = vector.broadcast %broadcast_in_dim3A_253 : f32 to vector<16xf32>
    %swap3A_255 = arith.constant 3 : i32
    %swap3A_256 = arith.index_cast %swap3A_255 : i32 to index
    %swap3A_257 = arith.constant 80 : index
    %swap3A_258 = tpu.vector_load %arg13[%swap3A_256, %swap3A_257] {strides = array<i32>} : memref<16x128xf32, #tpu.memory_space<vmem>>, vector<1x16xf32>,
    %swap3A_259 = vector.shape_cast %swap3A_258 : vector<1x16xf32> to vector<16xf32>
    %swap3A_260 = vector.shape_cast %broadcast_in_dim3A_254 : vector<16xf32> to vector<1x16xf32>
    tpu.vector_store %arg13[%swap3A_256, %swap3A_257], %swap3A_260 {strides = array<i32>} : memref<16x128xf32, #tpu.memory_space<vmem>>, vector<1x16xf32>,
    %broadcast_in_dim3A_261 = arith.constant 0.000000e+00 : f32
    %broadcast_in_dim3A_262 = vector.broadcast %broadcast_in_dim3A_261 : f32 to vector<16xf32>
    %swap3A_263 = arith.constant 3 : i32
    %swap3A_264 = arith.index_cast %swap3A_263 : i32 to index
    %swap3A_265 = arith.constant 96 : index
    %swap3A_266 = tpu.vector_load %arg13[%swap3A_264, %swap3A_265] {strides = array<i32>} : memref<16x128xf32, #tpu.memory_space<vmem>>, vector<1x16xf32>,
    %swap3A_267 = vector.shape_cast %swap3A_266 : vector<1x16xf32> to vector<16xf32>
    %swap3A_268 = vector.shape_cast %broadcast_in_dim3A_262 : vector<16xf32> to vector<1x16xf32>
    tpu.vector_store %arg13[%swap3A_264, %swap3A_265], %swap3A_268 {strides = array<i32>} : memref<16x128xf32, #tpu.memory_space<vmem>>, vector<1x16xf32>,
    %broadcast_in_dim3A_269 = arith.constant 0.000000e+00 : f32
    %broadcast_in_dim3A_270 = vector.broadcast %broadcast_in_dim3A_269 : f32 to vector<16xf32>
    %swap3A_271 = arith.constant 3 : i32
    %swap3A_272 = arith.index_cast %swap3A_271 : i32 to index
    %swap3A_273 = arith.constant 112 : index
    %swap3A_274 = tpu.vector_load %arg13[%swap3A_272, %swap3A_273] {strides = array<i32>} : memref<16x128xf32, #tpu.memory_space<vmem>>, vector<1x16xf32>,
    %swap3A_275 = vector.shape_cast %swap3A_274 : vector<1x16xf32> to vector<16xf32>
    %swap3A_276 = vector.shape_cast %broadcast_in_dim3A_270 : vector<16xf32> to vector<1x16xf32>
    tpu.vector_store %arg13[%swap3A_272, %swap3A_273], %swap3A_276 {strides = array<i32>} : memref<16x128xf32, #tpu.memory_space<vmem>>, vector<1x16xf32>,
    %broadcast_in_dim3A_277 = arith.constant 0.000000e+00 : f32
    %broadcast_in_dim3A_278 = vector.broadcast %broadcast_in_dim3A_277 : f32 to vector<16xf32>
    %swap3A_279 = arith.constant 4 : i32
    %swap3A_280 = arith.index_cast %swap3A_279 : i32 to index
    %swap3A_281 = arith.constant 0 : index
    %swap3A_282 = tpu.vector_load %arg13[%swap3A_280, %swap3A_281] {strides = array<i32>} : memref<16x128xf32, #tpu.memory_space<vmem>>, vector<1x16xf32>,
    %swap3A_283 = vector.shape_cast %swap3A_282 : vector<1x16xf32> to vector<16xf32>
    %swap3A_284 = vector.shape_cast %broadcast_in_dim3A_278 : vector<16xf32> to vector<1x16xf32>
    tpu.vector_store %arg13[%swap3A_280, %swap3A_281], %swap3A_284 {strides = array<i32>} : memref<16x128xf32, #tpu.memory_space<vmem>>, vector<1x16xf32>,
    %broadcast_in_dim3A_285 = arith.constant 0.000000e+00 : f32
    %broadcast_in_dim3A_286 = vector.broadcast %broadcast_in_dim3A_285 : f32 to vector<16xf32>
    %swap3A_287 = arith.constant 4 : i32
    %swap3A_288 = arith.index_cast %swap3A_287 : i32 to index
    %swap3A_289 = arith.constant 16 : index
    %swap3A_290 = tpu.vector_load %arg13[%swap3A_288, %swap3A_289] {strides = array<i32>} : memref<16x128xf32, #tpu.memory_space<vmem>>, vector<1x16xf32>,
    %swap3A_291 = vector.shape_cast %swap3A_290 : vector<1x16xf32> to vector<16xf32>
    %swap3A_292 = vector.shape_cast %broadcast_in_dim3A_286 : vector<16xf32> to vector<1x16xf32>
    tpu.vector_store %arg13[%swap3A_288, %swap3A_289], %swap3A_292 {strides = array<i32>} : memref<16x128xf32, #tpu.memory_space<vmem>>, vector<1x16xf32>,
    %broadcast_in_dim3A_293 = arith.constant 0.000000e+00 : f32
    %broadcast_in_dim3A_294 = vector.broadcast %broadcast_in_dim3A_293 : f32 to vector<16xf32>
    %swap3A_295 = arith.constant 4 : i32
    %swap3A_296 = arith.index_cast %swap3A_295 : i32 to index
    %swap3A_297 = arith.constant 32 : index
    %swap3A_298 = tpu.vector_load %arg13[%swap3A_296, %swap3A_297] {strides = array<i32>} : memref<16x128xf32, #tpu.memory_space<vmem>>, vector<1x16xf32>,
    %swap3A_299 = vector.shape_cast %swap3A_298 : vector<1x16xf32> to vector<16xf32>
    %swap3A_300 = vector.shape_cast %broadcast_in_dim3A_294 : vector<16xf32> to vector<1x16xf32>
    tpu.vector_store %arg13[%swap3A_296, %swap3A_297], %swap3A_300 {strides = array<i32>} : memref<16x128xf32, #tpu.memory_space<vmem>>, vector<1x16xf32>,
    %broadcast_in_dim3A_301 = arith.constant 0.000000e+00 : f32
    %broadcast_in_dim3A_302 = vector.broadcast %broadcast_in_dim3A_301 : f32 to vector<16xf32>
    %swap3A_303 = arith.constant 4 : i32
    %swap3A_304 = arith.index_cast %swap3A_303 : i32 to index
    %swap3A_305 = arith.constant 48 : index
    %swap3A_306 = tpu.vector_load %arg13[%swap3A_304, %swap3A_305] {strides = array<i32>} : memref<16x128xf32, #tpu.memory_space<vmem>>, vector<1x16xf32>,
    %swap3A_307 = vector.shape_cast %swap3A_306 : vector<1x16xf32> to vector<16xf32>
    %swap3A_308 = vector.shape_cast %broadcast_in_dim3A_302 : vector<16xf32> to vector<1x16xf32>
    tpu.vector_store %arg13[%swap3A_304, %swap3A_305], %swap3A_308 {strides = array<i32>} : memref<16x128xf32, #tpu.memory_space<vmem>>, vector<1x16xf32>,
    %broadcast_in_dim3A_309 = arith.constant 0.000000e+00 : f32
    %broadcast_in_dim3A_310 = vector.broadcast %broadcast_in_dim3A_309 : f32 to vector<16xf32>
    %swap3A_311 = arith.constant 4 : i32
    %swap3A_312 = arith.index_cast %swap3A_311 : i32 to index
    %swap3A_313 = arith.constant 64 : index
    %swap3A_314 = tpu.vector_load %arg13[%swap3A_312, %swap3A_313] {strides = array<i32>} : memref<16x128xf32, #tpu.memory_space<vmem>>, vector<1x16xf32>,
    %swap3A_315 = vector.shape_cast %swap3A_314 : vector<1x16xf32> to vector<16xf32>
    %swap3A_316 = vector.shape_cast %broadcast_in_dim3A_310 : vector<16xf32> to vector<1x16xf32>
    tpu.vector_store %arg13[%swap3A_312, %swap3A_313], %swap3A_316 {strides = array<i32>} : memref<16x128xf32, #tpu.memory_space<vmem>>, vector<1x16xf32>,
    %broadcast_in_dim3A_317 = arith.constant 0.000000e+00 : f32
    %broadcast_in_dim3A_318 = vector.broadcast %broadcast_in_dim3A_317 : f32 to vector<16xf32>
    %swap3A_319 = arith.constant 4 : i32
    %swap3A_320 = arith.index_cast %swap3A_319 : i32 to index
    %swap3A_321 = arith.constant 80 : index
    %swap3A_322 = tpu.vector_load %arg13[%swap3A_320, %swap3A_321] {strides = array<i32>} : memref<16x128xf32, #tpu.memory_space<vmem>>, vector<1x16xf32>,
    %swap3A_323 = vector.shape_cast %swap3A_322 : vector<1x16xf32> to vector<16xf32>
    %swap3A_324 = vector.shape_cast %broadcast_in_dim3A_318 : vector<16xf32> to vector<1x16xf32>
    tpu.vector_store %arg13[%swap3A_320, %swap3A_321], %swap3A_324 {strides = array<i32>} : memref<16x128xf32, #tpu.memory_space<vmem>>, vector<1x16xf32>,
    %broadcast_in_dim3A_325 = arith.constant 0.000000e+00 : f32
    %broadcast_in_dim3A_326 = vector.broadcast %broadcast_in_dim3A_325 : f32 to vector<16xf32>
    %swap3A_327 = arith.constant 4 : i32
    %swap3A_328 = arith.index_cast %swap3A_327 : i32 to index
    %swap3A_329 = arith.constant 96 : index
    %swap3A_330 = tpu.vector_load %arg13[%swap3A_328, %swap3A_329] {strides = array<i32>} : memref<16x128xf32, #tpu.memory_space<vmem>>, vector<1x16xf32>,
    %swap3A_331 = vector.shape_cast %swap3A_330 : vector<1x16xf32> to vector<16xf32>
    %swap3A_332 = vector.shape_cast %broadcast_in_dim3A_326 : vector<16xf32> to vector<1x16xf32>
    tpu.vector_store %arg13[%swap3A_328, %swap3A_329], %swap3A_332 {strides = array<i32>} : memref<16x128xf32, #tpu.memory_space<vmem>>, vector<1x16xf32>,
    %broadcast_in_dim3A_333 = arith.constant 0.000000e+00 : f32
    %broadcast_in_dim3A_334 = vector.broadcast %broadcast_in_dim3A_333 : f32 to vector<16xf32>
    %swap3A_335 = arith.constant 4 : i32
    %swap3A_336 = arith.index_cast %swap3A_335 : i32 to index
    %swap3A_337 = arith.constant 112 : index
    %swap3A_338 = tpu.vector_load %arg13[%swap3A_336, %swap3A_337] {strides = array<i32>} : memref<16x128xf32, #tpu.memory_space<vmem>>, vector<1x16xf32>,
    %swap3A_339 = vector.shape_cast %swap3A_338 : vector<1x16xf32> to vector<16xf32>
    %swap3A_340 = vector.shape_cast %broadcast_in_dim3A_334 : vector<16xf32> to vector<1x16xf32>
    tpu.vector_store %arg13[%swap3A_336, %swap3A_337], %swap3A_340 {strides = array<i32>} : memref<16x128xf32, #tpu.memory_space<vmem>>, vector<1x16xf32>,
    %broadcast_in_dim3A_341 = arith.constant 0.000000e+00 : f32
    %broadcast_in_dim3A_342 = vector.broadcast %broadcast_in_dim3A_341 : f32 to vector<16xf32>
    %swap3A_343 = arith.constant 5 : i32
    %swap3A_344 = arith.index_cast %swap3A_343 : i32 to index
    %swap3A_345 = arith.constant 0 : index
    %swap3A_346 = tpu.vector_load %arg13[%swap3A_344, %swap3A_345] {strides = array<i32>} : memref<16x128xf32, #tpu.memory_space<vmem>>, vector<1x16xf32>,
    %swap3A_347 = vector.shape_cast %swap3A_346 : vector<1x16xf32> to vector<16xf32>
    %swap3A_348 = vector.shape_cast %broadcast_in_dim3A_342 : vector<16xf32> to vector<1x16xf32>
    tpu.vector_store %arg13[%swap3A_344, %swap3A_345], %swap3A_348 {strides = array<i32>} : memref<16x128xf32, #tpu.memory_space<vmem>>, vector<1x16xf32>,
    %broadcast_in_dim3A_349 = arith.constant 0.000000e+00 : f32
    %broadcast_in_dim3A_350 = vector.broadcast %broadcast_in_dim3A_349 : f32 to vector<16xf32>
    %swap3A_351 = arith.constant 5 : i32
    %swap3A_352 = arith.index_cast %swap3A_351 : i32 to index
    %swap3A_353 = arith.constant 16 : index
    %swap3A_354 = tpu.vector_load %arg13[%swap3A_352, %swap3A_353] {strides = array<i32>} : memref<16x128xf32, #tpu.memory_space<vmem>>, vector<1x16xf32>,
    %swap3A_355 = vector.shape_cast %swap3A_354 : vector<1x16xf32> to vector<16xf32>
    %swap3A_356 = vector.shape_cast %broadcast_in_dim3A_350 : vector<16xf32> to vector<1x16xf32>
    tpu.vector_store %arg13[%swap3A_352, %swap3A_353], %swap3A_356 {strides = array<i32>} : memref<16x128xf32, #tpu.memory_space<vmem>>, vector<1x16xf32>,
    %broadcast_in_dim3A_357 = arith.constant 0.000000e+00 : f32
    %broadcast_in_dim3A_358 = vector.broadcast %broadcast_in_dim3A_357 : f32 to vector<16xf32>
    %swap3A_359 = arith.constant 5 : i32
    %swap3A_360 = arith.index_cast %swap3A_359 : i32 to index
    %swap3A_361 = arith.constant 32 : index
    %swap3A_362 = tpu.vector_load %arg13[%swap3A_360, %swap3A_361] {strides = array<i32>} : memref<16x128xf32, #tpu.memory_space<vmem>>, vector<1x16xf32>,
    %swap3A_363 = vector.shape_cast %swap3A_362 : vector<1x16xf32> to vector<16xf32>
    %swap3A_364 = vector.shape_cast %broadcast_in_dim3A_358 : vector<16xf32> to vector<1x16xf32>
    tpu.vector_store %arg13[%swap3A_360, %swap3A_361], %swap3A_364 {strides = array<i32>} : memref<16x128xf32, #tpu.memory_space<vmem>>, vector<1x16xf32>,
    %broadcast_in_dim3A_365 = arith.constant 0.000000e+00 : f32
    %broadcast_in_dim3A_366 = vector.broadcast %broadcast_in_dim3A_365 : f32 to vector<16xf32>
    %swap3A_367 = arith.constant 5 : i32
    %swap3A_368 = arith.index_cast %swap3A_367 : i32 to index
    %swap3A_369 = arith.constant 48 : index
    %swap3A_370 = tpu.vector_load %arg13[%swap3A_368, %swap3A_369] {strides = array<i32>} : memref<16x128xf32, #tpu.memory_space<vmem>>, vector<1x16xf32>,
    %swap3A_371 = vector.shape_cast %swap3A_370 : vector<1x16xf32> to vector<16xf32>
    %swap3A_372 = vector.shape_cast %broadcast_in_dim3A_366 : vector<16xf32> to vector<1x16xf32>
    tpu.vector_store %arg13[%swap3A_368, %swap3A_369], %swap3A_372 {strides = array<i32>} : memref<16x128xf32, #tpu.memory_space<vmem>>, vector<1x16xf32>,
    %broadcast_in_dim3A_373 = arith.constant 0.000000e+00 : f32
    %broadcast_in_dim3A_374 = vector.broadcast %broadcast_in_dim3A_373 : f32 to vector<16xf32>
    %swap3A_375 = arith.constant 5 : i32
    %swap3A_376 = arith.index_cast %swap3A_375 : i32 to index
    %swap3A_377 = arith.constant 64 : index
    %swap3A_378 = tpu.vector_load %arg13[%swap3A_376, %swap3A_377] {strides = array<i32>} : memref<16x128xf32, #tpu.memory_space<vmem>>, vector<1x16xf32>,
    %swap3A_379 = vector.shape_cast %swap3A_378 : vector<1x16xf32> to vector<16xf32>
    %swap3A_380 = vector.shape_cast %broadcast_in_dim3A_374 : vector<16xf32> to vector<1x16xf32>
    tpu.vector_store %arg13[%swap3A_376, %swap3A_377], %swap3A_380 {strides = array<i32>} : memref<16x128xf32, #tpu.memory_space<vmem>>, vector<1x16xf32>,
    %broadcast_in_dim3A_381 = arith.constant 0.000000e+00 : f32
    %broadcast_in_dim3A_382 = vector.broadcast %broadcast_in_dim3A_381 : f32 to vector<16xf32>
    %swap3A_383 = arith.constant 5 : i32
    %swap3A_384 = arith.index_cast %swap3A_383 : i32 to index
    %swap3A_385 = arith.constant 80 : index
    %swap3A_386 = tpu.vector_load %arg13[%swap3A_384, %swap3A_385] {strides = array<i32>} : memref<16x128xf32, #tpu.memory_space<vmem>>, vector<1x16xf32>,
    %swap3A_387 = vector.shape_cast %swap3A_386 : vector<1x16xf32> to vector<16xf32>
    %swap3A_388 = vector.shape_cast %broadcast_in_dim3A_382 : vector<16xf32> to vector<1x16xf32>
    tpu.vector_store %arg13[%swap3A_384, %swap3A_385], %swap3A_388 {strides = array<i32>} : memref<16x128xf32, #tpu.memory_space<vmem>>, vector<1x16xf32>,
    %broadcast_in_dim3A_389 = arith.constant 0.000000e+00 : f32
    %broadcast_in_dim3A_390 = vector.broadcast %broadcast_in_dim3A_389 : f32 to vector<16xf32>
    %swap3A_391 = arith.constant 5 : i32
    %swap3A_392 = arith.index_cast %swap3A_391 : i32 to index
    %swap3A_393 = arith.constant 96 : index
    %swap3A_394 = tpu.vector_load %arg13[%swap3A_392, %swap3A_393] {strides = array<i32>} : memref<16x128xf32, #tpu.memory_space<vmem>>, vector<1x16xf32>,
    %swap3A_395 = vector.shape_cast %swap3A_394 : vector<1x16xf32> to vector<16xf32>
    %swap3A_396 = vector.shape_cast %broadcast_in_dim3A_390 : vector<16xf32> to vector<1x16xf32>
    tpu.vector_store %arg13[%swap3A_392, %swap3A_393], %swap3A_396 {strides = array<i32>} : memref<16x128xf32, #tpu.memory_space<vmem>>, vector<1x16xf32>,
    %broadcast_in_dim3A_397 = arith.constant 0.000000e+00 : f32
    %broadcast_in_dim3A_398 = vector.broadcast %broadcast_in_dim3A_397 : f32 to vector<16xf32>
    %swap3A_399 = arith.constant 5 : i32
    %swap3A_400 = arith.index_cast %swap3A_399 : i32 to index
    %swap3A_401 = arith.constant 112 : index
    %swap3A_402 = tpu.vector_load %arg13[%swap3A_400, %swap3A_401] {strides = array<i32>} : memref<16x128xf32, #tpu.memory_space<vmem>>, vector<1x16xf32>,
    %swap3A_403 = vector.shape_cast %swap3A_402 : vector<1x16xf32> to vector<16xf32>
    %swap3A_404 = vector.shape_cast %broadcast_in_dim3A_398 : vector<16xf32> to vector<1x16xf32>
    tpu.vector_store %arg13[%swap3A_400, %swap3A_401], %swap3A_404 {strides = array<i32>} : memref<16x128xf32, #tpu.memory_space<vmem>>, vector<1x16xf32>,
    %broadcast_in_dim3A_405 = arith.constant 0.000000e+00 : f32
    %broadcast_in_dim3A_406 = vector.broadcast %broadcast_in_dim3A_405 : f32 to vector<16xf32>
    %swap3A_407 = arith.constant 6 : i32
    %swap3A_408 = arith.index_cast %swap3A_407 : i32 to index
    %swap3A_409 = arith.constant 0 : index
    %swap3A_410 = tpu.vector_load %arg13[%swap3A_408, %swap3A_409] {strides = array<i32>} : memref<16x128xf32, #tpu.memory_space<vmem>>, vector<1x16xf32>,
    %swap3A_411 = vector.shape_cast %swap3A_410 : vector<1x16xf32> to vector<16xf32>
    %swap3A_412 = vector.shape_cast %broadcast_in_dim3A_406 : vector<16xf32> to vector<1x16xf32>
    tpu.vector_store %arg13[%swap3A_408, %swap3A_409], %swap3A_412 {strides = array<i32>} : memref<16x128xf32, #tpu.memory_space<vmem>>, vector<1x16xf32>,
    %broadcast_in_dim3A_413 = arith.constant 0.000000e+00 : f32
    %broadcast_in_dim3A_414 = vector.broadcast %broadcast_in_dim3A_413 : f32 to vector<16xf32>
    %swap3A_415 = arith.constant 6 : i32
    %swap3A_416 = arith.index_cast %swap3A_415 : i32 to index
    %swap3A_417 = arith.constant 16 : index
    %swap3A_418 = tpu.vector_load %arg13[%swap3A_416, %swap3A_417] {strides = array<i32>} : memref<16x128xf32, #tpu.memory_space<vmem>>, vector<1x16xf32>,
    %swap3A_419 = vector.shape_cast %swap3A_418 : vector<1x16xf32> to vector<16xf32>
    %swap3A_420 = vector.shape_cast %broadcast_in_dim3A_414 : vector<16xf32> to vector<1x16xf32>
    tpu.vector_store %arg13[%swap3A_416, %swap3A_417], %swap3A_420 {strides = array<i32>} : memref<16x128xf32, #tpu.memory_space<vmem>>, vector<1x16xf32>,
    %broadcast_in_dim3A_421 = arith.constant 0.000000e+00 : f32
    %broadcast_in_dim3A_422 = vector.broadcast %broadcast_in_dim3A_421 : f32 to vector<16xf32>
    %swap3A_423 = arith.constant 6 : i32
    %swap3A_424 = arith.index_cast %swap3A_423 : i32 to index
    %swap3A_425 = arith.constant 32 : index
    %swap3A_426 = tpu.vector_load %arg13[%swap3A_424, %swap3A_425] {strides = array<i32>} : memref<16x128xf32, #tpu.memory_space<vmem>>, vector<1x16xf32>,
    %swap3A_427 = vector.shape_cast %swap3A_426 : vector<1x16xf32> to vector<16xf32>
    %swap3A_428 = vector.shape_cast %broadcast_in_dim3A_422 : vector<16xf32> to vector<1x16xf32>
    tpu.vector_store %arg13[%swap3A_424, %swap3A_425], %swap3A_428 {strides = array<i32>} : memref<16x128xf32, #tpu.memory_space<vmem>>, vector<1x16xf32>,
    %broadcast_in_dim3A_429 = arith.constant 0.000000e+00 : f32
    %broadcast_in_dim3A_430 = vector.broadcast %broadcast_in_dim3A_429 : f32 to vector<16xf32>
    %swap3A_431 = arith.constant 6 : i32
    %swap3A_432 = arith.index_cast %swap3A_431 : i32 to index
    %swap3A_433 = arith.constant 48 : index
    %swap3A_434 = tpu.vector_load %arg13[%swap3A_432, %swap3A_433] {strides = array<i32>} : memref<16x128xf32, #tpu.memory_space<vmem>>, vector<1x16xf32>,
    %swap3A_435 = vector.shape_cast %swap3A_434 : vector<1x16xf32> to vector<16xf32>
    %swap3A_436 = vector.shape_cast %broadcast_in_dim3A_430 : vector<16xf32> to vector<1x16xf32>
    tpu.vector_store %arg13[%swap3A_432, %swap3A_433], %swap3A_436 {strides = array<i32>} : memref<16x128xf32, #tpu.memory_space<vmem>>, vector<1x16xf32>,
    %broadcast_in_dim3A_437 = arith.constant 0.000000e+00 : f32
    %broadcast_in_dim3A_438 = vector.broadcast %broadcast_in_dim3A_437 : f32 to vector<16xf32>
    %swap3A_439 = arith.constant 6 : i32
    %swap3A_440 = arith.index_cast %swap3A_439 : i32 to index
    %swap3A_441 = arith.constant 64 : index
    %swap3A_442 = tpu.vector_load %arg13[%swap3A_440, %swap3A_441] {strides = array<i32>} : memref<16x128xf32, #tpu.memory_space<vmem>>, vector<1x16xf32>,
    %swap3A_443 = vector.shape_cast %swap3A_442 : vector<1x16xf32> to vector<16xf32>
    %swap3A_444 = vector.shape_cast %broadcast_in_dim3A_438 : vector<16xf32> to vector<1x16xf32>
    tpu.vector_store %arg13[%swap3A_440, %swap3A_441], %swap3A_444 {strides = array<i32>} : memref<16x128xf32, #tpu.memory_space<vmem>>, vector<1x16xf32>,
    %broadcast_in_dim3A_445 = arith.constant 0.000000e+00 : f32
    %broadcast_in_dim3A_446 = vector.broadcast %broadcast_in_dim3A_445 : f32 to vector<16xf32>
    %swap3A_447 = arith.constant 6 : i32
    %swap3A_448 = arith.index_cast %swap3A_447 : i32 to index
    %swap3A_449 = arith.constant 80 : index
    %swap3A_450 = tpu.vector_load %arg13[%swap3A_448, %swap3A_449] {strides = array<i32>} : memref<16x128xf32, #tpu.memory_space<vmem>>, vector<1x16xf32>,
    %swap3A_451 = vector.shape_cast %swap3A_450 : vector<1x16xf32> to vector<16xf32>
    %swap3A_452 = vector.shape_cast %broadcast_in_dim3A_446 : vector<16xf32> to vector<1x16xf32>
    tpu.vector_store %arg13[%swap3A_448, %swap3A_449], %swap3A_452 {strides = array<i32>} : memref<16x128xf32, #tpu.memory_space<vmem>>, vector<1x16xf32>,
    %broadcast_in_dim3A_453 = arith.constant 0.000000e+00 : f32
    %broadcast_in_dim3A_454 = vector.broadcast %broadcast_in_dim3A_453 : f32 to vector<16xf32>
    %swap3A_455 = arith.constant 6 : i32
    %swap3A_456 = arith.index_cast %swap3A_455 : i32 to index
    %swap3A_457 = arith.constant 96 : index
    %swap3A_458 = tpu.vector_load %arg13[%swap3A_456, %swap3A_457] {strides = array<i32>} : memref<16x128xf32, #tpu.memory_space<vmem>>, vector<1x16xf32>,
    %swap3A_459 = vector.shape_cast %swap3A_458 : vector<1x16xf32> to vector<16xf32>
    %swap3A_460 = vector.shape_cast %broadcast_in_dim3A_454 : vector<16xf32> to vector<1x16xf32>
    tpu.vector_store %arg13[%swap3A_456, %swap3A_457], %swap3A_460 {strides = array<i32>} : memref<16x128xf32, #tpu.memory_space<vmem>>, vector<1x16xf32>,
    %broadcast_in_dim3A_461 = arith.constant 0.000000e+00 : f32
    %broadcast_in_dim3A_462 = vector.broadcast %broadcast_in_dim3A_461 : f32 to vector<16xf32>
    %swap3A_463 = arith.constant 6 : i32
    %swap3A_464 = arith.index_cast %swap3A_463 : i32 to index
    %swap3A_465 = arith.constant 112 : index
    %swap3A_466 = tpu.vector_load %arg13[%swap3A_464, %swap3A_465] {strides = array<i32>} : memref<16x128xf32, #tpu.memory_space<vmem>>, vector<1x16xf32>,
    %swap3A_467 = vector.shape_cast %swap3A_466 : vector<1x16xf32> to vector<16xf32>
    %swap3A_468 = vector.shape_cast %broadcast_in_dim3A_462 : vector<16xf32> to vector<1x16xf32>
    tpu.vector_store %arg13[%swap3A_464, %swap3A_465], %swap3A_468 {strides = array<i32>} : memref<16x128xf32, #tpu.memory_space<vmem>>, vector<1x16xf32>,
    %broadcast_in_dim3A_469 = arith.constant 0.000000e+00 : f32
    %broadcast_in_dim3A_470 = vector.broadcast %broadcast_in_dim3A_469 : f32 to vector<16xf32>
    %swap3A_471 = arith.constant 7 : i32
    %swap3A_472 = arith.index_cast %swap3A_471 : i32 to index
    %swap3A_473 = arith.constant 0 : index
    %swap3A_474 = tpu.vector_load %arg13[%swap3A_472, %swap3A_473] {strides = array<i32>} : memref<16x128xf32, #tpu.memory_space<vmem>>, vector<1x16xf32>,
    %swap3A_475 = vector.shape_cast %swap3A_474 : vector<1x16xf32> to vector<16xf32>
    %swap3A_476 = vector.shape_cast %broadcast_in_dim3A_470 : vector<16xf32> to vector<1x16xf32>
    tpu.vector_store %arg13[%swap3A_472, %swap3A_473], %swap3A_476 {strides = array<i32>} : memref<16x128xf32, #tpu.memory_space<vmem>>, vector<1x16xf32>,
    %broadcast_in_dim3A_477 = arith.constant 0.000000e+00 : f32
    %broadcast_in_dim3A_478 = vector.broadcast %broadcast_in_dim3A_477 : f32 to vector<16xf32>
    %swap3A_479 = arith.constant 7 : i32
    %swap3A_480 = arith.index_cast %swap3A_479 : i32 to index
    %swap3A_481 = arith.constant 16 : index
    %swap3A_482 = tpu.vector_load %arg13[%swap3A_480, %swap3A_481] {strides = array<i32>} : memref<16x128xf32, #tpu.memory_space<vmem>>, vector<1x16xf32>,
    %swap3A_483 = vector.shape_cast %swap3A_482 : vector<1x16xf32> to vector<16xf32>
    %swap3A_484 = vector.shape_cast %broadcast_in_dim3A_478 : vector<16xf32> to vector<1x16xf32>
    tpu.vector_store %arg13[%swap3A_480, %swap3A_481], %swap3A_484 {strides = array<i32>} : memref<16x128xf32, #tpu.memory_space<vmem>>, vector<1x16xf32>,
    %broadcast_in_dim3A_485 = arith.constant 0.000000e+00 : f32
    %broadcast_in_dim3A_486 = vector.broadcast %broadcast_in_dim3A_485 : f32 to vector<16xf32>
    %swap3A_487 = arith.constant 7 : i32
    %swap3A_488 = arith.index_cast %swap3A_487 : i32 to index
    %swap3A_489 = arith.constant 32 : index
    %swap3A_490 = tpu.vector_load %arg13[%swap3A_488, %swap3A_489] {strides = array<i32>} : memref<16x128xf32, #tpu.memory_space<vmem>>, vector<1x16xf32>,
    %swap3A_491 = vector.shape_cast %swap3A_490 : vector<1x16xf32> to vector<16xf32>
    %swap3A_492 = vector.shape_cast %broadcast_in_dim3A_486 : vector<16xf32> to vector<1x16xf32>
    tpu.vector_store %arg13[%swap3A_488, %swap3A_489], %swap3A_492 {strides = array<i32>} : memref<16x128xf32, #tpu.memory_space<vmem>>, vector<1x16xf32>,
    %broadcast_in_dim3A_493 = arith.constant 0.000000e+00 : f32
    %broadcast_in_dim3A_494 = vector.broadcast %broadcast_in_dim3A_493 : f32 to vector<16xf32>
    %swap3A_495 = arith.constant 7 : i32
    %swap3A_496 = arith.index_cast %swap3A_495 : i32 to index
    %swap3A_497 = arith.constant 48 : index
    %swap3A_498 = tpu.vector_load %arg13[%swap3A_496, %swap3A_497] {strides = array<i32>} : memref<16x128xf32, #tpu.memory_space<vmem>>, vector<1x16xf32>,
    %swap3A_499 = vector.shape_cast %swap3A_498 : vector<1x16xf32> to vector<16xf32>
    %swap3A_500 = vector.shape_cast %broadcast_in_dim3A_494 : vector<16xf32> to vector<1x16xf32>
    tpu.vector_store %arg13[%swap3A_496, %swap3A_497], %swap3A_500 {strides = array<i32>} : memref<16x128xf32, #tpu.memory_space<vmem>>, vector<1x16xf32>,
    %broadcast_in_dim3A_501 = arith.constant 0.000000e+00 : f32
    %broadcast_in_dim3A_502 = vector.broadcast %broadcast_in_dim3A_501 : f32 to vector<16xf32>
    %swap3A_503 = arith.constant 7 : i32
    %swap3A_504 = arith.index_cast %swap3A_503 : i32 to index
    %swap3A_505 = arith.constant 64 : index
    %swap3A_506 = tpu.vector_load %arg13[%swap3A_504, %swap3A_505] {strides = array<i32>} : memref<16x128xf32, #tpu.memory_space<vmem>>, vector<1x16xf32>,
    %swap3A_507 = vector.shape_cast %swap3A_506 : vector<1x16xf32> to vector<16xf32>
    %swap3A_508 = vector.shape_cast %broadcast_in_dim3A_502 : vector<16xf32> to vector<1x16xf32>
    tpu.vector_store %arg13[%swap3A_504, %swap3A_505], %swap3A_508 {strides = array<i32>} : memref<16x128xf32, #tpu.memory_space<vmem>>, vector<1x16xf32>,
    %broadcast_in_dim3A_509 = arith.constant 0.000000e+00 : f32
    %broadcast_in_dim3A_510 = vector.broadcast %broadcast_in_dim3A_509 : f32 to vector<16xf32>
    %swap3A_511 = arith.constant 7 : i32
    %swap3A_512 = arith.index_cast %swap3A_511 : i32 to index
    %swap3A_513 = arith.constant 80 : index
    %swap3A_514 = tpu.vector_load %arg13[%swap3A_512, %swap3A_513] {strides = array<i32>} : memref<16x128xf32, #tpu.memory_space<vmem>>, vector<1x16xf32>,
    %swap3A_515 = vector.shape_cast %swap3A_514 : vector<1x16xf32> to vector<16xf32>
    %swap3A_516 = vector.shape_cast %broadcast_in_dim3A_510 : vector<16xf32> to vector<1x16xf32>
    tpu.vector_store %arg13[%swap3A_512, %swap3A_513], %swap3A_516 {strides = array<i32>} : memref<16x128xf32, #tpu.memory_space<vmem>>, vector<1x16xf32>,
    %broadcast_in_dim3A_517 = arith.constant 0.000000e+00 : f32
    %broadcast_in_dim3A_518 = vector.broadcast %broadcast_in_dim3A_517 : f32 to vector<16xf32>
    %swap3A_519 = arith.constant 7 : i32
    %swap3A_520 = arith.index_cast %swap3A_519 : i32 to index
    %swap3A_521 = arith.constant 96 : index
    %swap3A_522 = tpu.vector_load %arg13[%swap3A_520, %swap3A_521] {strides = array<i32>} : memref<16x128xf32, #tpu.memory_space<vmem>>, vector<1x16xf32>,
    %swap3A_523 = vector.shape_cast %swap3A_522 : vector<1x16xf32> to vector<16xf32>
    %swap3A_524 = vector.shape_cast %broadcast_in_dim3A_518 : vector<16xf32> to vector<1x16xf32>
    tpu.vector_store %arg13[%swap3A_520, %swap3A_521], %swap3A_524 {strides = array<i32>} : memref<16x128xf32, #tpu.memory_space<vmem>>, vector<1x16xf32>,
    %broadcast_in_dim3A_525 = arith.constant 0.000000e+00 : f32
    %broadcast_in_dim3A_526 = vector.broadcast %broadcast_in_dim3A_525 : f32 to vector<16xf32>
    %swap3A_527 = arith.constant 7 : i32
    %swap3A_528 = arith.index_cast %swap3A_527 : i32 to index
    %swap3A_529 = arith.constant 112 : index
    %swap3A_530 = tpu.vector_load %arg13[%swap3A_528, %swap3A_529] {strides = array<i32>} : memref<16x128xf32, #tpu.memory_space<vmem>>, vector<1x16xf32>,
    %swap3A_531 = vector.shape_cast %swap3A_530 : vector<1x16xf32> to vector<16xf32>
    %swap3A_532 = vector.shape_cast %broadcast_in_dim3A_526 : vector<16xf32> to vector<1x16xf32>
    tpu.vector_store %arg13[%swap3A_528, %swap3A_529], %swap3A_532 {strides = array<i32>} : memref<16x128xf32, #tpu.memory_space<vmem>>, vector<1x16xf32>,
    %broadcast_in_dim3A_533 = arith.constant 0.000000e+00 : f32
    %broadcast_in_dim3A_534 = vector.broadcast %broadcast_in_dim3A_533 : f32 to vector<16xf32>
    %swap3A_535 = arith.constant 8 : i32
    %swap3A_536 = arith.index_cast %swap3A_535 : i32 to index
    %swap3A_537 = arith.constant 0 : index
    %swap3A_538 = tpu.vector_load %arg13[%swap3A_536, %swap3A_537] {strides = array<i32>} : memref<16x128xf32, #tpu.memory_space<vmem>>, vector<1x16xf32>,
    %swap3A_539 = vector.shape_cast %swap3A_538 : vector<1x16xf32> to vector<16xf32>
    %swap3A_540 = vector.shape_cast %broadcast_in_dim3A_534 : vector<16xf32> to vector<1x16xf32>
    tpu.vector_store %arg13[%swap3A_536, %swap3A_537], %swap3A_540 {strides = array<i32>} : memref<16x128xf32, #tpu.memory_space<vmem>>, vector<1x16xf32>,
    %broadcast_in_dim3A_541 = arith.constant 0.000000e+00 : f32
    %broadcast_in_dim3A_542 = vector.broadcast %broadcast_in_dim3A_541 : f32 to vector<16xf32>
    %swap3A_543 = arith.constant 8 : i32
    %swap3A_544 = arith.index_cast %swap3A_543 : i32 to index
    %swap3A_545 = arith.constant 16 : index
    %swap3A_546 = tpu.vector_load %arg13[%swap3A_544, %swap3A_545] {strides = array<i32>} : memref<16x128xf32, #tpu.memory_space<vmem>>, vector<1x16xf32>,
    %swap3A_547 = vector.shape_cast %swap3A_546 : vector<1x16xf32> to vector<16xf32>
    %swap3A_548 = vector.shape_cast %broadcast_in_dim3A_542 : vector<16xf32> to vector<1x16xf32>
    tpu.vector_store %arg13[%swap3A_544, %swap3A_545], %swap3A_548 {strides = array<i32>} : memref<16x128xf32, #tpu.memory_space<vmem>>, vector<1x16xf32>,
    %broadcast_in_dim3A_549 = arith.constant 0.000000e+00 : f32
    %broadcast_in_dim3A_550 = vector.broadcast %broadcast_in_dim3A_549 : f32 to vector<16xf32>
    %swap3A_551 = arith.constant 8 : i32
    %swap3A_552 = arith.index_cast %swap3A_551 : i32 to index
    %swap3A_553 = arith.constant 32 : index
    %swap3A_554 = tpu.vector_load %arg13[%swap3A_552, %swap3A_553] {strides = array<i32>} : memref<16x128xf32, #tpu.memory_space<vmem>>, vector<1x16xf32>,
    %swap3A_555 = vector.shape_cast %swap3A_554 : vector<1x16xf32> to vector<16xf32>
    %swap3A_556 = vector.shape_cast %broadcast_in_dim3A_550 : vector<16xf32> to vector<1x16xf32>
    tpu.vector_store %arg13[%swap3A_552, %swap3A_553], %swap3A_556 {strides = array<i32>} : memref<16x128xf32, #tpu.memory_space<vmem>>, vector<1x16xf32>,
    %broadcast_in_dim3A_557 = arith.constant 0.000000e+00 : f32
    %broadcast_in_dim3A_558 = vector.broadcast %broadcast_in_dim3A_557 : f32 to vector<16xf32>
    %swap3A_559 = arith.constant 8 : i32
    %swap3A_560 = arith.index_cast %swap3A_559 : i32 to index
    %swap3A_561 = arith.constant 48 : index
    %swap3A_562 = tpu.vector_load %arg13[%swap3A_560, %swap3A_561] {strides = array<i32>} : memref<16x128xf32, #tpu.memory_space<vmem>>, vector<1x16xf32>,
    %swap3A_563 = vector.shape_cast %swap3A_562 : vector<1x16xf32> to vector<16xf32>
    %swap3A_564 = vector.shape_cast %broadcast_in_dim3A_558 : vector<16xf32> to vector<1x16xf32>
    tpu.vector_store %arg13[%swap3A_560, %swap3A_561], %swap3A_564 {strides = array<i32>} : memref<16x128xf32, #tpu.memory_space<vmem>>, vector<1x16xf32>,
    %broadcast_in_dim3A_565 = arith.constant 0.000000e+00 : f32
    %broadcast_in_dim3A_566 = vector.broadcast %broadcast_in_dim3A_565 : f32 to vector<16xf32>
    %swap3A_567 = arith.constant 8 : i32
    %swap3A_568 = arith.index_cast %swap3A_567 : i32 to index
    %swap3A_569 = arith.constant 64 : index
    %swap3A_570 = tpu.vector_load %arg13[%swap3A_568, %swap3A_569] {strides = array<i32>} : memref<16x128xf32, #tpu.memory_space<vmem>>, vector<1x16xf32>,
    %swap3A_571 = vector.shape_cast %swap3A_570 : vector<1x16xf32> to vector<16xf32>
    %swap3A_572 = vector.shape_cast %broadcast_in_dim3A_566 : vector<16xf32> to vector<1x16xf32>
    tpu.vector_store %arg13[%swap3A_568, %swap3A_569], %swap3A_572 {strides = array<i32>} : memref<16x128xf32, #tpu.memory_space<vmem>>, vector<1x16xf32>,
    %broadcast_in_dim3A_573 = arith.constant 0.000000e+00 : f32
    %broadcast_in_dim3A_574 = vector.broadcast %broadcast_in_dim3A_573 : f32 to vector<16xf32>
    %swap3A_575 = arith.constant 8 : i32
    %swap3A_576 = arith.index_cast %swap3A_575 : i32 to index
    %swap3A_577 = arith.constant 80 : index
    %swap3A_578 = tpu.vector_load %arg13[%swap3A_576, %swap3A_577] {strides = array<i32>} : memref<16x128xf32, #tpu.memory_space<vmem>>, vector<1x16xf32>,
    %swap3A_579 = vector.shape_cast %swap3A_578 : vector<1x16xf32> to vector<16xf32>
    %swap3A_580 = vector.shape_cast %broadcast_in_dim3A_574 : vector<16xf32> to vector<1x16xf32>
    tpu.vector_store %arg13[%swap3A_576, %swap3A_577], %swap3A_580 {strides = array<i32>} : memref<16x128xf32, #tpu.memory_space<vmem>>, vector<1x16xf32>,
    %broadcast_in_dim3A_581 = arith.constant 0.000000e+00 : f32
    %broadcast_in_dim3A_582 = vector.broadcast %broadcast_in_dim3A_581 : f32 to vector<16xf32>
    %swap3A_583 = arith.constant 8 : i32
    %swap3A_584 = arith.index_cast %swap3A_583 : i32 to index
    %swap3A_585 = arith.constant 96 : index
    %swap3A_586 = tpu.vector_load %arg13[%swap3A_584, %swap3A_585] {strides = array<i32>} : memref<16x128xf32, #tpu.memory_space<vmem>>, vector<1x16xf32>,
    %swap3A_587 = vector.shape_cast %swap3A_586 : vector<1x16xf32> to vector<16xf32>
    %swap3A_588 = vector.shape_cast %broadcast_in_dim3A_582 : vector<16xf32> to vector<1x16xf32>
    tpu.vector_store %arg13[%swap3A_584, %swap3A_585], %swap3A_588 {strides = array<i32>} : memref<16x128xf32, #tpu.memory_space<vmem>>, vector<1x16xf32>,
    %broadcast_in_dim3A_589 = arith.constant 0.000000e+00 : f32
    %broadcast_in_dim3A_590 = vector.broadcast %broadcast_in_dim3A_589 : f32 to vector<16xf32>
    %swap3A_591 = arith.constant 8 : i32
    %swap3A_592 = arith.index_cast %swap3A_591 : i32 to index
    %swap3A_593 = arith.constant 112 : index
    %swap3A_594 = tpu.vector_load %arg13[%swap3A_592, %swap3A_593] {strides = array<i32>} : memref<16x128xf32, #tpu.memory_space<vmem>>, vector<1x16xf32>,
    %swap3A_595 = vector.shape_cast %swap3A_594 : vector<1x16xf32> to vector<16xf32>
    %swap3A_596 = vector.shape_cast %broadcast_in_dim3A_590 : vector<16xf32> to vector<1x16xf32>
    tpu.vector_store %arg13[%swap3A_592, %swap3A_593], %swap3A_596 {strides = array<i32>} : memref<16x128xf32, #tpu.memory_space<vmem>>, vector<1x16xf32>,
    %broadcast_in_dim3A_597 = arith.constant 0.000000e+00 : f32
    %broadcast_in_dim3A_598 = vector.broadcast %broadcast_in_dim3A_597 : f32 to vector<16xf32>
    %swap3A_599 = arith.constant 9 : i32
    %swap3A_600 = arith.index_cast %swap3A_599 : i32 to index
    %swap3A_601 = arith.constant 0 : index
    %swap3A_602 = tpu.vector_load %arg13[%swap3A_600, %swap3A_601] {strides = array<i32>} : memref<16x128xf32, #tpu.memory_space<vmem>>, vector<1x16xf32>,
    %swap3A_603 = vector.shape_cast %swap3A_602 : vector<1x16xf32> to vector<16xf32>
    %swap3A_604 = vector.shape_cast %broadcast_in_dim3A_598 : vector<16xf32> to vector<1x16xf32>
    tpu.vector_store %arg13[%swap3A_600, %swap3A_601], %swap3A_604 {strides = array<i32>} : memref<16x128xf32, #tpu.memory_space<vmem>>, vector<1x16xf32>,
    %broadcast_in_dim3A_605 = arith.constant 0.000000e+00 : f32
    %broadcast_in_dim3A_606 = vector.broadcast %broadcast_in_dim3A_605 : f32 to vector<16xf32>
    %swap3A_607 = arith.constant 9 : i32
    %swap3A_608 = arith.index_cast %swap3A_607 : i32 to index
    %swap3A_609 = arith.constant 16 : index
    %swap3A_610 = tpu.vector_load %arg13[%swap3A_608, %swap3A_609] {strides = array<i32>} : memref<16x128xf32, #tpu.memory_space<vmem>>, vector<1x16xf32>,
    %swap3A_611 = vector.shape_cast %swap3A_610 : vector<1x16xf32> to vector<16xf32>
    %swap3A_612 = vector.shape_cast %broadcast_in_dim3A_606 : vector<16xf32> to vector<1x16xf32>
    tpu.vector_store %arg13[%swap3A_608, %swap3A_609], %swap3A_612 {strides = array<i32>} : memref<16x128xf32, #tpu.memory_space<vmem>>, vector<1x16xf32>,
    %broadcast_in_dim3A_613 = arith.constant 0.000000e+00 : f32
    %broadcast_in_dim3A_614 = vector.broadcast %broadcast_in_dim3A_613 : f32 to vector<16xf32>
    %swap3A_615 = arith.constant 9 : i32
    %swap3A_616 = arith.index_cast %swap3A_615 : i32 to index
    %swap3A_617 = arith.constant 32 : index
    %swap3A_618 = tpu.vector_load %arg13[%swap3A_616, %swap3A_617] {strides = array<i32>} : memref<16x128xf32, #tpu.memory_space<vmem>>, vector<1x16xf32>,
    %swap3A_619 = vector.shape_cast %swap3A_618 : vector<1x16xf32> to vector<16xf32>
    %swap3A_620 = vector.shape_cast %broadcast_in_dim3A_614 : vector<16xf32> to vector<1x16xf32>
    tpu.vector_store %arg13[%swap3A_616, %swap3A_617], %swap3A_620 {strides = array<i32>} : memref<16x128xf32, #tpu.memory_space<vmem>>, vector<1x16xf32>,
    %broadcast_in_dim3A_621 = arith.constant 0.000000e+00 : f32
    %broadcast_in_dim3A_622 = vector.broadcast %broadcast_in_dim3A_621 : f32 to vector<16xf32>
    %swap3A_623 = arith.constant 9 : i32
    %swap3A_624 = arith.index_cast %swap3A_623 : i32 to index
    %swap3A_625 = arith.constant 48 : index
    %swap3A_626 = tpu.vector_load %arg13[%swap3A_624, %swap3A_625] {strides = array<i32>} : memref<16x128xf32, #tpu.memory_space<vmem>>, vector<1x16xf32>,
    %swap3A_627 = vector.shape_cast %swap3A_626 : vector<1x16xf32> to vector<16xf32>
    %swap3A_628 = vector.shape_cast %broadcast_in_dim3A_622 : vector<16xf32> to vector<1x16xf32>
    tpu.vector_store %arg13[%swap3A_624, %swap3A_625], %swap3A_628 {strides = array<i32>} : memref<16x128xf32, #tpu.memory_space<vmem>>, vector<1x16xf32>,
    %broadcast_in_dim3A_629 = arith.constant 0.000000e+00 : f32
    %broadcast_in_dim3A_630 = vector.broadcast %broadcast_in_dim3A_629 : f32 to vector<16xf32>
    %swap3A_631 = arith.constant 9 : i32
    %swap3A_632 = arith.index_cast %swap3A_631 : i32 to index
    %swap3A_633 = arith.constant 64 : index
    %swap3A_634 = tpu.vector_load %arg13[%swap3A_632, %swap3A_633] {strides = array<i32>} : memref<16x128xf32, #tpu.memory_space<vmem>>, vector<1x16xf32>,
    %swap3A_635 = vector.shape_cast %swap3A_634 : vector<1x16xf32> to vector<16xf32>
    %swap3A_636 = vector.shape_cast %broadcast_in_dim3A_630 : vector<16xf32> to vector<1x16xf32>
    tpu.vector_store %arg13[%swap3A_632, %swap3A_633], %swap3A_636 {strides = array<i32>} : memref<16x128xf32, #tpu.memory_space<vmem>>, vector<1x16xf32>,
    %broadcast_in_dim3A_637 = arith.constant 0.000000e+00 : f32
    %broadcast_in_dim3A_638 = vector.broadcast %broadcast_in_dim3A_637 : f32 to vector<16xf32>
    %swap3A_639 = arith.constant 9 : i32
    %swap3A_640 = arith.index_cast %swap3A_639 : i32 to index
    %swap3A_641 = arith.constant 80 : index
    %swap3A_642 = tpu.vector_load %arg13[%swap3A_640, %swap3A_641] {strides = array<i32>} : memref<16x128xf32, #tpu.memory_space<vmem>>, vector<1x16xf32>,
    %swap3A_643 = vector.shape_cast %swap3A_642 : vector<1x16xf32> to vector<16xf32>
    %swap3A_644 = vector.shape_cast %broadcast_in_dim3A_638 : vector<16xf32> to vector<1x16xf32>
    tpu.vector_store %arg13[%swap3A_640, %swap3A_641], %swap3A_644 {strides = array<i32>} : memref<16x128xf32, #tpu.memory_space<vmem>>, vector<1x16xf32>,
    %broadcast_in_dim3A_645 = arith.constant 0.000000e+00 : f32
    %broadcast_in_dim3A_646 = vector.broadcast %broadcast_in_dim3A_645 : f32 to vector<16xf32>
    %swap3A_647 = arith.constant 9 : i32
    %swap3A_648 = arith.index_cast %swap3A_647 : i32 to index
    %swap3A_649 = arith.constant 96 : index
    %swap3A_650 = tpu.vector_load %arg13[%swap3A_648, %swap3A_649] {strides = array<i32>} : memref<16x128xf32, #tpu.memory_space<vmem>>, vector<1x16xf32>,
    %swap3A_651 = vector.shape_cast %swap3A_650 : vector<1x16xf32> to vector<16xf32>
    %swap3A_652 = vector.shape_cast %broadcast_in_dim3A_646 : vector<16xf32> to vector<1x16xf32>
    tpu.vector_store %arg13[%swap3A_648, %swap3A_649], %swap3A_652 {strides = array<i32>} : memref<16x128xf32, #tpu.memory_space<vmem>>, vector<1x16xf32>,
    %broadcast_in_dim3A_653 = arith.constant 0.000000e+00 : f32
    %broadcast_in_dim3A_654 = vector.broadcast %broadcast_in_dim3A_653 : f32 to vector<16xf32>
    %swap3A_655 = arith.constant 9 : i32
    %swap3A_656 = arith.index_cast %swap3A_655 : i32 to index
    %swap3A_657 = arith.constant 112 : index
    %swap3A_658 = tpu.vector_load %arg13[%swap3A_656, %swap3A_657] {strides = array<i32>} : memref<16x128xf32, #tpu.memory_space<vmem>>, vector<1x16xf32>,
    %swap3A_659 = vector.shape_cast %swap3A_658 : vector<1x16xf32> to vector<16xf32>
    %swap3A_660 = vector.shape_cast %broadcast_in_dim3A_654 : vector<16xf32> to vector<1x16xf32>
    tpu.vector_store %arg13[%swap3A_656, %swap3A_657], %swap3A_660 {strides = array<i32>} : memref<16x128xf32, #tpu.memory_space<vmem>>, vector<1x16xf32>,
    %broadcast_in_dim3A_661 = arith.constant 0.000000e+00 : f32
    %broadcast_in_dim3A_662 = vector.broadcast %broadcast_in_dim3A_661 : f32 to vector<16xf32>
    %swap3A_663 = arith.constant 10 : i32
    %swap3A_664 = arith.index_cast %swap3A_663 : i32 to index
    %swap3A_665 = arith.constant 0 : index
    %swap3A_666 = tpu.vector_load %arg13[%swap3A_664, %swap3A_665] {strides = array<i32>} : memref<16x128xf32, #tpu.memory_space<vmem>>, vector<1x16xf32>,
    %swap3A_667 = vector.shape_cast %swap3A_666 : vector<1x16xf32> to vector<16xf32>
    %swap3A_668 = vector.shape_cast %broadcast_in_dim3A_662 : vector<16xf32> to vector<1x16xf32>
    tpu.vector_store %arg13[%swap3A_664, %swap3A_665], %swap3A_668 {strides = array<i32>} : memref<16x128xf32, #tpu.memory_space<vmem>>, vector<1x16xf32>,
    %broadcast_in_dim3A_669 = arith.constant 0.000000e+00 : f32
    %broadcast_in_dim3A_670 = vector.broadcast %broadcast_in_dim3A_669 : f32 to vector<16xf32>
    %swap3A_671 = arith.constant 10 : i32
    %swap3A_672 = arith.index_cast %swap3A_671 : i32 to index
    %swap3A_673 = arith.constant 16 : index
    %swap3A_674 = tpu.vector_load %arg13[%swap3A_672, %swap3A_673] {strides = array<i32>} : memref<16x128xf32, #tpu.memory_space<vmem>>, vector<1x16xf32>,
    %swap3A_675 = vector.shape_cast %swap3A_674 : vector<1x16xf32> to vector<16xf32>
    %swap3A_676 = vector.shape_cast %broadcast_in_dim3A_670 : vector<16xf32> to vector<1x16xf32>
    tpu.vector_store %arg13[%swap3A_672, %swap3A_673], %swap3A_676 {strides = array<i32>} : memref<16x128xf32, #tpu.memory_space<vmem>>, vector<1x16xf32>,
    %broadcast_in_dim3A_677 = arith.constant 0.000000e+00 : f32
    %broadcast_in_dim3A_678 = vector.broadcast %broadcast_in_dim3A_677 : f32 to vector<16xf32>
    %swap3A_679 = arith.constant 10 : i32
    %swap3A_680 = arith.index_cast %swap3A_679 : i32 to index
    %swap3A_681 = arith.constant 32 : index
    %swap3A_682 = tpu.vector_load %arg13[%swap3A_680, %swap3A_681] {strides = array<i32>} : memref<16x128xf32, #tpu.memory_space<vmem>>, vector<1x16xf32>,
    %swap3A_683 = vector.shape_cast %swap3A_682 : vector<1x16xf32> to vector<16xf32>
    %swap3A_684 = vector.shape_cast %broadcast_in_dim3A_678 : vector<16xf32> to vector<1x16xf32>
    tpu.vector_store %arg13[%swap3A_680, %swap3A_681], %swap3A_684 {strides = array<i32>} : memref<16x128xf32, #tpu.memory_space<vmem>>, vector<1x16xf32>,
    %broadcast_in_dim3A_685 = arith.constant 0.000000e+00 : f32
    %broadcast_in_dim3A_686 = vector.broadcast %broadcast_in_dim3A_685 : f32 to vector<16xf32>
    %swap3A_687 = arith.constant 10 : i32
    %swap3A_688 = arith.index_cast %swap3A_687 : i32 to index
    %swap3A_689 = arith.constant 48 : index
    %swap3A_690 = tpu.vector_load %arg13[%swap3A_688, %swap3A_689] {strides = array<i32>} : memref<16x128xf32, #tpu.memory_space<vmem>>, vector<1x16xf32>,
    %swap3A_691 = vector.shape_cast %swap3A_690 : vector<1x16xf32> to vector<16xf32>
    %swap3A_692 = vector.shape_cast %broadcast_in_dim3A_686 : vector<16xf32> to vector<1x16xf32>
    tpu.vector_store %arg13[%swap3A_688, %swap3A_689], %swap3A_692 {strides = array<i32>} : memref<16x128xf32, #tpu.memory_space<vmem>>, vector<1x16xf32>,
    %broadcast_in_dim3A_693 = arith.constant 0.000000e+00 : f32
    %broadcast_in_dim3A_694 = vector.broadcast %broadcast_in_dim3A_693 : f32 to vector<16xf32>
    %swap3A_695 = arith.constant 10 : i32
    %swap3A_696 = arith.index_cast %swap3A_695 : i32 to index
    %swap3A_697 = arith.constant 64 : index
    %swap3A_698 = tpu.vector_load %arg13[%swap3A_696, %swap3A_697] {strides = array<i32>} : memref<16x128xf32, #tpu.memory_space<vmem>>, vector<1x16xf32>,
    %swap3A_699 = vector.shape_cast %swap3A_698 : vector<1x16xf32> to vector<16xf32>
    %swap3A_700 = vector.shape_cast %broadcast_in_dim3A_694 : vector<16xf32> to vector<1x16xf32>
    tpu.vector_store %arg13[%swap3A_696, %swap3A_697], %swap3A_700 {strides = array<i32>} : memref<16x128xf32, #tpu.memory_space<vmem>>, vector<1x16xf32>,
    %broadcast_in_dim3A_701 = arith.constant 0.000000e+00 : f32
    %broadcast_in_dim3A_702 = vector.broadcast %broadcast_in_dim3A_701 : f32 to vector<16xf32>
    %swap3A_703 = arith.constant 10 : i32
    %swap3A_704 = arith.index_cast %swap3A_703 : i32 to index
    %swap3A_705 = arith.constant 80 : index
    %swap3A_706 = tpu.vector_load %arg13[%swap3A_704, %swap3A_705] {strides = array<i32>} : memref<16x128xf32, #tpu.memory_space<vmem>>, vector<1x16xf32>,
    %swap3A_707 = vector.shape_cast %swap3A_706 : vector<1x16xf32> to vector<16xf32>
    %swap3A_708 = vector.shape_cast %broadcast_in_dim3A_702 : vector<16xf32> to vector<1x16xf32>
    tpu.vector_store %arg13[%swap3A_704, %swap3A_705], %swap3A_708 {strides = array<i32>} : memref<16x128xf32, #tpu.memory_space<vmem>>, vector<1x16xf32>,
    %broadcast_in_dim3A_709 = arith.constant 0.000000e+00 : f32
    %broadcast_in_dim3A_710 = vector.broadcast %broadcast_in_dim3A_709 : f32 to vector<16xf32>
    %swap3A_711 = arith.constant 10 : i32
    %swap3A_712 = arith.index_cast %swap3A_711 : i32 to index
    %swap3A_713 = arith.constant 96 : index
    %swap3A_714 = tpu.vector_load %arg13[%swap3A_712, %swap3A_713] {strides = array<i32>} : memref<16x128xf32, #tpu.memory_space<vmem>>, vector<1x16xf32>,
    %swap3A_715 = vector.shape_cast %swap3A_714 : vector<1x16xf32> to vector<16xf32>
    %swap3A_716 = vector.shape_cast %broadcast_in_dim3A_710 : vector<16xf32> to vector<1x16xf32>
    tpu.vector_store %arg13[%swap3A_712, %swap3A_713], %swap3A_716 {strides = array<i32>} : memref<16x128xf32, #tpu.memory_space<vmem>>, vector<1x16xf32>,
    %broadcast_in_dim3A_717 = arith.constant 0.000000e+00 : f32
    %broadcast_in_dim3A_718 = vector.broadcast %broadcast_in_dim3A_717 : f32 to vector<16xf32>
    %swap3A_719 = arith.constant 10 : i32
    %swap3A_720 = arith.index_cast %swap3A_719 : i32 to index
    %swap3A_721 = arith.constant 112 : index
    %swap3A_722 = tpu.vector_load %arg13[%swap3A_720, %swap3A_721] {strides = array<i32>} : memref<16x128xf32, #tpu.memory_space<vmem>>, vector<1x16xf32>,
    %swap3A_723 = vector.shape_cast %swap3A_722 : vector<1x16xf32> to vector<16xf32>
    %swap3A_724 = vector.shape_cast %broadcast_in_dim3A_718 : vector<16xf32> to vector<1x16xf32>
    tpu.vector_store %arg13[%swap3A_720, %swap3A_721], %swap3A_724 {strides = array<i32>} : memref<16x128xf32, #tpu.memory_space<vmem>>, vector<1x16xf32>,
    %broadcast_in_dim3A_725 = arith.constant 0.000000e+00 : f32
    %broadcast_in_dim3A_726 = vector.broadcast %broadcast_in_dim3A_725 : f32 to vector<16xf32>
    %swap3A_727 = arith.constant 11 : i32
    %swap3A_728 = arith.index_cast %swap3A_727 : i32 to index
    %swap3A_729 = arith.constant 0 : index
    %swap3A_730 = tpu.vector_load %arg13[%swap3A_728, %swap3A_729] {strides = array<i32>} : memref<16x128xf32, #tpu.memory_space<vmem>>, vector<1x16xf32>,
    %swap3A_731 = vector.shape_cast %swap3A_730 : vector<1x16xf32> to vector<16xf32>
    %swap3A_732 = vector.shape_cast %broadcast_in_dim3A_726 : vector<16xf32> to vector<1x16xf32>
    tpu.vector_store %arg13[%swap3A_728, %swap3A_729], %swap3A_732 {strides = array<i32>} : memref<16x128xf32, #tpu.memory_space<vmem>>, vector<1x16xf32>,
    %broadcast_in_dim3A_733 = arith.constant 0.000000e+00 : f32
    %broadcast_in_dim3A_734 = vector.broadcast %broadcast_in_dim3A_733 : f32 to vector<16xf32>
    %swap3A_735 = arith.constant 11 : i32
    %swap3A_736 = arith.index_cast %swap3A_735 : i32 to index
    %swap3A_737 = arith.constant 16 : index
    %swap3A_738 = tpu.vector_load %arg13[%swap3A_736, %swap3A_737] {strides = array<i32>} : memref<16x128xf32, #tpu.memory_space<vmem>>, vector<1x16xf32>,
    %swap3A_739 = vector.shape_cast %swap3A_738 : vector<1x16xf32> to vector<16xf32>
    %swap3A_740 = vector.shape_cast %broadcast_in_dim3A_734 : vector<16xf32> to vector<1x16xf32>
    tpu.vector_store %arg13[%swap3A_736, %swap3A_737], %swap3A_740 {strides = array<i32>} : memref<16x128xf32, #tpu.memory_space<vmem>>, vector<1x16xf32>,
    %broadcast_in_dim3A_741 = arith.constant 0.000000e+00 : f32
    %broadcast_in_dim3A_742 = vector.broadcast %broadcast_in_dim3A_741 : f32 to vector<16xf32>
    %swap3A_743 = arith.constant 11 : i32
    %swap3A_744 = arith.index_cast %swap3A_743 : i32 to index
    %swap3A_745 = arith.constant 32 : index
    %swap3A_746 = tpu.vector_load %arg13[%swap3A_744, %swap3A_745] {strides = array<i32>} : memref<16x128xf32, #tpu.memory_space<vmem>>, vector<1x16xf32>,
    %swap3A_747 = vector.shape_cast %swap3A_746 : vector<1x16xf32> to vector<16xf32>
    %swap3A_748 = vector.shape_cast %broadcast_in_dim3A_742 : vector<16xf32> to vector<1x16xf32>
    tpu.vector_store %arg13[%swap3A_744, %swap3A_745], %swap3A_748 {strides = array<i32>} : memref<16x128xf32, #tpu.memory_space<vmem>>, vector<1x16xf32>,
    %broadcast_in_dim3A_749 = arith.constant 0.000000e+00 : f32
    %broadcast_in_dim3A_750 = vector.broadcast %broadcast_in_dim3A_749 : f32 to vector<16xf32>
    %swap3A_751 = arith.constant 11 : i32
    %swap3A_752 = arith.index_cast %swap3A_751 : i32 to index
    %swap3A_753 = arith.constant 48 : index
    %swap3A_754 = tpu.vector_load %arg13[%swap3A_752, %swap3A_753] {strides = array<i32>} : memref<16x128xf32, #tpu.memory_space<vmem>>, vector<1x16xf32>,
    %swap3A_755 = vector.shape_cast %swap3A_754 : vector<1x16xf32> to vector<16xf32>
    %swap3A_756 = vector.shape_cast %broadcast_in_dim3A_750 : vector<16xf32> to vector<1x16xf32>
    tpu.vector_store %arg13[%swap3A_752, %swap3A_753], %swap3A_756 {strides = array<i32>} : memref<16x128xf32, #tpu.memory_space<vmem>>, vector<1x16xf32>,
    %broadcast_in_dim3A_757 = arith.constant 0.000000e+00 : f32
    %broadcast_in_dim3A_758 = vector.broadcast %broadcast_in_dim3A_757 : f32 to vector<16xf32>
    %swap3A_759 = arith.constant 11 : i32
    %swap3A_760 = arith.index_cast %swap3A_759 : i32 to index
    %swap3A_761 = arith.constant 64 : index
    %swap3A_762 = tpu.vector_load %arg13[%swap3A_760, %swap3A_761] {strides = array<i32>} : memref<16x128xf32, #tpu.memory_space<vmem>>, vector<1x16xf32>,
    %swap3A_763 = vector.shape_cast %swap3A_762 : vector<1x16xf32> to vector<16xf32>
    %swap3A_764 = vector.shape_cast %broadcast_in_dim3A_758 : vector<16xf32> to vector<1x16xf32>
    tpu.vector_store %arg13[%swap3A_760, %swap3A_761], %swap3A_764 {strides = array<i32>} : memref<16x128xf32, #tpu.memory_space<vmem>>, vector<1x16xf32>,
    %broadcast_in_dim3A_765 = arith.constant 0.000000e+00 : f32
    %broadcast_in_dim3A_766 = vector.broadcast %broadcast_in_dim3A_765 : f32 to vector<16xf32>
    %swap3A_767 = arith.constant 11 : i32
    %swap3A_768 = arith.index_cast %swap3A_767 : i32 to index
    %swap3A_769 = arith.constant 80 : index
    %swap3A_770 = tpu.vector_load %arg13[%swap3A_768, %swap3A_769] {strides = array<i32>} : memref<16x128xf32, #tpu.memory_space<vmem>>, vector<1x16xf32>,
    %swap3A_771 = vector.shape_cast %swap3A_770 : vector<1x16xf32> to vector<16xf32>
    %swap3A_772 = vector.shape_cast %broadcast_in_dim3A_766 : vector<16xf32> to vector<1x16xf32>
    tpu.vector_store %arg13[%swap3A_768, %swap3A_769], %swap3A_772 {strides = array<i32>} : memref<16x128xf32, #tpu.memory_space<vmem>>, vector<1x16xf32>,
    %broadcast_in_dim3A_773 = arith.constant 0.000000e+00 : f32
    %broadcast_in_dim3A_774 = vector.broadcast %broadcast_in_dim3A_773 : f32 to vector<16xf32>
    %swap3A_775 = arith.constant 11 : i32
    %swap3A_776 = arith.index_cast %swap3A_775 : i32 to index
    %swap3A_777 = arith.constant 96 : index
    %swap3A_778 = tpu.vector_load %arg13[%swap3A_776, %swap3A_777] {strides = array<i32>} : memref<16x128xf32, #tpu.memory_space<vmem>>, vector<1x16xf32>,
    %swap3A_779 = vector.shape_cast %swap3A_778 : vector<1x16xf32> to vector<16xf32>
    %swap3A_780 = vector.shape_cast %broadcast_in_dim3A_774 : vector<16xf32> to vector<1x16xf32>
    tpu.vector_store %arg13[%swap3A_776, %swap3A_777], %swap3A_780 {strides = array<i32>} : memref<16x128xf32, #tpu.memory_space<vmem>>, vector<1x16xf32>,
    %broadcast_in_dim3A_781 = arith.constant 0.000000e+00 : f32
    %broadcast_in_dim3A_782 = vector.broadcast %broadcast_in_dim3A_781 : f32 to vector<16xf32>
    %swap3A_783 = arith.constant 11 : i32
    %swap3A_784 = arith.index_cast %swap3A_783 : i32 to index
    %swap3A_785 = arith.constant 112 : index
    %swap3A_786 = tpu.vector_load %arg13[%swap3A_784, %swap3A_785] {strides = array<i32>} : memref<16x128xf32, #tpu.memory_space<vmem>>, vector<1x16xf32>,
    %swap3A_787 = vector.shape_cast %swap3A_786 : vector<1x16xf32> to vector<16xf32>
    %swap3A_788 = vector.shape_cast %broadcast_in_dim3A_782 : vector<16xf32> to vector<1x16xf32>
    tpu.vector_store %arg13[%swap3A_784, %swap3A_785], %swap3A_788 {strides = array<i32>} : memref<16x128xf32, #tpu.memory_space<vmem>>, vector<1x16xf32>,
    %broadcast_in_dim3A_789 = arith.constant 0.000000e+00 : f32
    %broadcast_in_dim3A_790 = vector.broadcast %broadcast_in_dim3A_789 : f32 to vector<16xf32>
    %swap3A_791 = arith.constant 12 : i32
    %swap3A_792 = arith.index_cast %swap3A_791 : i32 to index
    %swap3A_793 = arith.constant 0 : index
    %swap3A_794 = tpu.vector_load %arg13[%swap3A_792, %swap3A_793] {strides = array<i32>} : memref<16x128xf32, #tpu.memory_space<vmem>>, vector<1x16xf32>,
    %swap3A_795 = vector.shape_cast %swap3A_794 : vector<1x16xf32> to vector<16xf32>
    %swap3A_796 = vector.shape_cast %broadcast_in_dim3A_790 : vector<16xf32> to vector<1x16xf32>
    tpu.vector_store %arg13[%swap3A_792, %swap3A_793], %swap3A_796 {strides = array<i32>} : memref<16x128xf32, #tpu.memory_space<vmem>>, vector<1x16xf32>,
    %broadcast_in_dim3A_797 = arith.constant 0.000000e+00 : f32
    %broadcast_in_dim3A_798 = vector.broadcast %broadcast_in_dim3A_797 : f32 to vector<16xf32>
    %swap3A_799 = arith.constant 12 : i32
    %swap3A_800 = arith.index_cast %swap3A_799 : i32 to index
    %swap3A_801 = arith.constant 16 : index
    %swap3A_802 = tpu.vector_load %arg13[%swap3A_800, %swap3A_801] {strides = array<i32>} : memref<16x128xf32, #tpu.memory_space<vmem>>, vector<1x16xf32>,
    %swap3A_803 = vector.shape_cast %swap3A_802 : vector<1x16xf32> to vector<16xf32>
    %swap3A_804 = vector.shape_cast %broadcast_in_dim3A_798 : vector<16xf32> to vector<1x16xf32>
    tpu.vector_store %arg13[%swap3A_800, %swap3A_801], %swap3A_804 {strides = array<i32>} : memref<16x128xf32, #tpu.memory_space<vmem>>, vector<1x16xf32>,
    %broadcast_in_dim3A_805 = arith.constant 0.000000e+00 : f32
    %broadcast_in_dim3A_806 = vector.broadcast %broadcast_in_dim3A_805 : f32 to vector<16xf32>
    %swap3A_807 = arith.constant 12 : i32
    %swap3A_808 = arith.index_cast %swap3A_807 : i32 to index
    %swap3A_809 = arith.constant 32 : index
    %swap3A_810 = tpu.vector_load %arg13[%swap3A_808, %swap3A_809] {strides = array<i32>} : memref<16x128xf32, #tpu.memory_space<vmem>>, vector<1x16xf32>,
    %swap3A_811 = vector.shape_cast %swap3A_810 : vector<1x16xf32> to vector<16xf32>
    %swap3A_812 = vector.shape_cast %broadcast_in_dim3A_806 : vector<16xf32> to vector<1x16xf32>
    tpu.vector_store %arg13[%swap3A_808, %swap3A_809], %swap3A_812 {strides = array<i32>} : memref<16x128xf32, #tpu.memory_space<vmem>>, vector<1x16xf32>,
    %broadcast_in_dim3A_813 = arith.constant 0.000000e+00 : f32
    %broadcast_in_dim3A_814 = vector.broadcast %broadcast_in_dim3A_813 : f32 to vector<16xf32>
    %swap3A_815 = arith.constant 12 : i32
    %swap3A_816 = arith.index_cast %swap3A_815 : i32 to index
    %swap3A_817 = arith.constant 48 : index
    %swap3A_818 = tpu.vector_load %arg13[%swap3A_816, %swap3A_817] {strides = array<i32>} : memref<16x128xf32, #tpu.memory_space<vmem>>, vector<1x16xf32>,
    %swap3A_819 = vector.shape_cast %swap3A_818 : vector<1x16xf32> to vector<16xf32>
    %swap3A_820 = vector.shape_cast %broadcast_in_dim3A_814 : vector<16xf32> to vector<1x16xf32>
    tpu.vector_store %arg13[%swap3A_816, %swap3A_817], %swap3A_820 {strides = array<i32>} : memref<16x128xf32, #tpu.memory_space<vmem>>, vector<1x16xf32>,
    %broadcast_in_dim3A_821 = arith.constant 0.000000e+00 : f32
    %broadcast_in_dim3A_822 = vector.broadcast %broadcast_in_dim3A_821 : f32 to vector<16xf32>
    %swap3A_823 = arith.constant 12 : i32
    %swap3A_824 = arith.index_cast %swap3A_823 : i32 to index
    %swap3A_825 = arith.constant 64 : index
    %swap3A_826 = tpu.vector_load %arg13[%swap3A_824, %swap3A_825] {strides = array<i32>} : memref<16x128xf32, #tpu.memory_space<vmem>>, vector<1x16xf32>,
    %swap3A_827 = vector.shape_cast %swap3A_826 : vector<1x16xf32> to vector<16xf32>
    %swap3A_828 = vector.shape_cast %broadcast_in_dim3A_822 : vector<16xf32> to vector<1x16xf32>
    tpu.vector_store %arg13[%swap3A_824, %swap3A_825], %swap3A_828 {strides = array<i32>} : memref<16x128xf32, #tpu.memory_space<vmem>>, vector<1x16xf32>,
    %broadcast_in_dim3A_829 = arith.constant 0.000000e+00 : f32
    %broadcast_in_dim3A_830 = vector.broadcast %broadcast_in_dim3A_829 : f32 to vector<16xf32>
    %swap3A_831 = arith.constant 12 : i32
    %swap3A_832 = arith.index_cast %swap3A_831 : i32 to index
    %swap3A_833 = arith.constant 80 : index
    %swap3A_834 = tpu.vector_load %arg13[%swap3A_832, %swap3A_833] {strides = array<i32>} : memref<16x128xf32, #tpu.memory_space<vmem>>, vector<1x16xf32>,
    %swap3A_835 = vector.shape_cast %swap3A_834 : vector<1x16xf32> to vector<16xf32>
    %swap3A_836 = vector.shape_cast %broadcast_in_dim3A_830 : vector<16xf32> to vector<1x16xf32>
    tpu.vector_store %arg13[%swap3A_832, %swap3A_833], %swap3A_836 {strides = array<i32>} : memref<16x128xf32, #tpu.memory_space<vmem>>, vector<1x16xf32>,
    %broadcast_in_dim3A_837 = arith.constant 0.000000e+00 : f32
    %broadcast_in_dim3A_838 = vector.broadcast %broadcast_in_dim3A_837 : f32 to vector<16xf32>
    %swap3A_839 = arith.constant 12 : i32
    %swap3A_840 = arith.index_cast %swap3A_839 : i32 to index
    %swap3A_841 = arith.constant 96 : index
    %swap3A_842 = tpu.vector_load %arg13[%swap3A_840, %swap3A_841] {strides = array<i32>} : memref<16x128xf32, #tpu.memory_space<vmem>>, vector<1x16xf32>,
    %swap3A_843 = vector.shape_cast %swap3A_842 : vector<1x16xf32> to vector<16xf32>
    %swap3A_844 = vector.shape_cast %broadcast_in_dim3A_838 : vector<16xf32> to vector<1x16xf32>
    tpu.vector_store %arg13[%swap3A_840, %swap3A_841], %swap3A_844 {strides = array<i32>} : memref<16x128xf32, #tpu.memory_space<vmem>>, vector<1x16xf32>,
    %broadcast_in_dim3A_845 = arith.constant 0.000000e+00 : f32
    %broadcast_in_dim3A_846 = vector.broadcast %broadcast_in_dim3A_845 : f32 to vector<16xf32>
    %swap3A_847 = arith.constant 12 : i32
    %swap3A_848 = arith.index_cast %swap3A_847 : i32 to index
    %swap3A_849 = arith.constant 112 : index
    %swap3A_850 = tpu.vector_load %arg13[%swap3A_848, %swap3A_849] {strides = array<i32>} : memref<16x128xf32, #tpu.memory_space<vmem>>, vector<1x16xf32>,
    %swap3A_851 = vector.shape_cast %swap3A_850 : vector<1x16xf32> to vector<16xf32>
    %swap3A_852 = vector.shape_cast %broadcast_in_dim3A_846 : vector<16xf32> to vector<1x16xf32>
    tpu.vector_store %arg13[%swap3A_848, %swap3A_849], %swap3A_852 {strides = array<i32>} : memref<16x128xf32, #tpu.memory_space<vmem>>, vector<1x16xf32>,
    %broadcast_in_dim3A_853 = arith.constant 0.000000e+00 : f32
    %broadcast_in_dim3A_854 = vector.broadcast %broadcast_in_dim3A_853 : f32 to vector<16xf32>
    %swap3A_855 = arith.constant 13 : i32
    %swap3A_856 = arith.index_cast %swap3A_855 : i32 to index
    %swap3A_857 = arith.constant 0 : index
    %swap3A_858 = tpu.vector_load %arg13[%swap3A_856, %swap3A_857] {strides = array<i32>} : memref<16x128xf32, #tpu.memory_space<vmem>>, vector<1x16xf32>,
    %swap3A_859 = vector.shape_cast %swap3A_858 : vector<1x16xf32> to vector<16xf32>
    %swap3A_860 = vector.shape_cast %broadcast_in_dim3A_854 : vector<16xf32> to vector<1x16xf32>
    tpu.vector_store %arg13[%swap3A_856, %swap3A_857], %swap3A_860 {strides = array<i32>} : memref<16x128xf32, #tpu.memory_space<vmem>>, vector<1x16xf32>,
    %broadcast_in_dim3A_861 = arith.constant 0.000000e+00 : f32
    %broadcast_in_dim3A_862 = vector.broadcast %broadcast_in_dim3A_861 : f32 to vector<16xf32>
    %swap3A_863 = arith.constant 13 : i32
    %swap3A_864 = arith.index_cast %swap3A_863 : i32 to index
    %swap3A_865 = arith.constant 16 : index
    %swap3A_866 = tpu.vector_load %arg13[%swap3A_864, %swap3A_865] {strides = array<i32>} : memref<16x128xf32, #tpu.memory_space<vmem>>, vector<1x16xf32>,
    %swap3A_867 = vector.shape_cast %swap3A_866 : vector<1x16xf32> to vector<16xf32>
    %swap3A_868 = vector.shape_cast %broadcast_in_dim3A_862 : vector<16xf32> to vector<1x16xf32>
    tpu.vector_store %arg13[%swap3A_864, %swap3A_865], %swap3A_868 {strides = array<i32>} : memref<16x128xf32, #tpu.memory_space<vmem>>, vector<1x16xf32>,
    %broadcast_in_dim3A_869 = arith.constant 0.000000e+00 : f32
    %broadcast_in_dim3A_870 = vector.broadcast %broadcast_in_dim3A_869 : f32 to vector<16xf32>
    %swap3A_871 = arith.constant 13 : i32
    %swap3A_872 = arith.index_cast %swap3A_871 : i32 to index
    %swap3A_873 = arith.constant 32 : index
    %swap3A_874 = tpu.vector_load %arg13[%swap3A_872, %swap3A_873] {strides = array<i32>} : memref<16x128xf32, #tpu.memory_space<vmem>>, vector<1x16xf32>,
    %swap3A_875 = vector.shape_cast %swap3A_874 : vector<1x16xf32> to vector<16xf32>
    %swap3A_876 = vector.shape_cast %broadcast_in_dim3A_870 : vector<16xf32> to vector<1x16xf32>
    tpu.vector_store %arg13[%swap3A_872, %swap3A_873], %swap3A_876 {strides = array<i32>} : memref<16x128xf32, #tpu.memory_space<vmem>>, vector<1x16xf32>,
    %broadcast_in_dim3A_877 = arith.constant 0.000000e+00 : f32
    %broadcast_in_dim3A_878 = vector.broadcast %broadcast_in_dim3A_877 : f32 to vector<16xf32>
    %swap3A_879 = arith.constant 13 : i32
    %swap3A_880 = arith.index_cast %swap3A_879 : i32 to index
    %swap3A_881 = arith.constant 48 : index
    %swap3A_882 = tpu.vector_load %arg13[%swap3A_880, %swap3A_881] {strides = array<i32>} : memref<16x128xf32, #tpu.memory_space<vmem>>, vector<1x16xf32>,
    %swap3A_883 = vector.shape_cast %swap3A_882 : vector<1x16xf32> to vector<16xf32>
    %swap3A_884 = vector.shape_cast %broadcast_in_dim3A_878 : vector<16xf32> to vector<1x16xf32>
    tpu.vector_store %arg13[%swap3A_880, %swap3A_881], %swap3A_884 {strides = array<i32>} : memref<16x128xf32, #tpu.memory_space<vmem>>, vector<1x16xf32>,
    %broadcast_in_dim3A_885 = arith.constant 0.000000e+00 : f32
    %broadcast_in_dim3A_886 = vector.broadcast %broadcast_in_dim3A_885 : f32 to vector<16xf32>
    %swap3A_887 = arith.constant 13 : i32
    %swap3A_888 = arith.index_cast %swap3A_887 : i32 to index
    %swap3A_889 = arith.constant 64 : index
    %swap3A_890 = tpu.vector_load %arg13[%swap3A_888, %swap3A_889] {strides = array<i32>} : memref<16x128xf32, #tpu.memory_space<vmem>>, vector<1x16xf32>,
    %swap3A_891 = vector.shape_cast %swap3A_890 : vector<1x16xf32> to vector<16xf32>
    %swap3A_892 = vector.shape_cast %broadcast_in_dim3A_886 : vector<16xf32> to vector<1x16xf32>
    tpu.vector_store %arg13[%swap3A_888, %swap3A_889], %swap3A_892 {strides = array<i32>} : memref<16x128xf32, #tpu.memory_space<vmem>>, vector<1x16xf32>,
    %broadcast_in_dim3A_893 = arith.constant 0.000000e+00 : f32
    %broadcast_in_dim3A_894 = vector.broadcast %broadcast_in_dim3A_893 : f32 to vector<16xf32>
    %swap3A_895 = arith.constant 13 : i32
    %swap3A_896 = arith.index_cast %swap3A_895 : i32 to index
    %swap3A_897 = arith.constant 80 : index
    %swap3A_898 = tpu.vector_load %arg13[%swap3A_896, %swap3A_897] {strides = array<i32>} : memref<16x128xf32, #tpu.memory_space<vmem>>, vector<1x16xf32>,
    %swap3A_899 = vector.shape_cast %swap3A_898 : vector<1x16xf32> to vector<16xf32>
    %swap3A_900 = vector.shape_cast %broadcast_in_dim3A_894 : vector<16xf32> to vector<1x16xf32>
    tpu.vector_store %arg13[%swap3A_896, %swap3A_897], %swap3A_900 {strides = array<i32>} : memref<16x128xf32, #tpu.memory_space<vmem>>, vector<1x16xf32>,
    %broadcast_in_dim3A_901 = arith.constant 0.000000e+00 : f32
    %broadcast_in_dim3A_902 = vector.broadcast %broadcast_in_dim3A_901 : f32 to vector<16xf32>
    %swap3A_903 = arith.constant 13 : i32
    %swap3A_904 = arith.index_cast %swap3A_903 : i32 to index
    %swap3A_905 = arith.constant 96 : index
    %swap3A_906 = tpu.vector_load %arg13[%swap3A_904, %swap3A_905] {strides = array<i32>} : memref<16x128xf32, #tpu.memory_space<vmem>>, vector<1x16xf32>,
    %swap3A_907 = vector.shape_cast %swap3A_906 : vector<1x16xf32> to vector<16xf32>
    %swap3A_908 = vector.shape_cast %broadcast_in_dim3A_902 : vector<16xf32> to vector<1x16xf32>
    tpu.vector_store %arg13[%swap3A_904, %swap3A_905], %swap3A_908 {strides = array<i32>} : memref<16x128xf32, #tpu.memory_space<vmem>>, vector<1x16xf32>,
    %broadcast_in_dim3A_909 = arith.constant 0.000000e+00 : f32
    %broadcast_in_dim3A_910 = vector.broadcast %broadcast_in_dim3A_909 : f32 to vector<16xf32>
    %swap3A_911 = arith.constant 13 : i32
    %swap3A_912 = arith.index_cast %swap3A_911 : i32 to index
    %swap3A_913 = arith.constant 112 : index
    %swap3A_914 = tpu.vector_load %arg13[%swap3A_912, %swap3A_913] {strides = array<i32>} : memref<16x128xf32, #tpu.memory_space<vmem>>, vector<1x16xf32>,
    %swap3A_915 = vector.shape_cast %swap3A_914 : vector<1x16xf32> to vector<16xf32>
    %swap3A_916 = vector.shape_cast %broadcast_in_dim3A_910 : vector<16xf32> to vector<1x16xf32>
    tpu.vector_store %arg13[%swap3A_912, %swap3A_913], %swap3A_916 {strides = array<i32>} : memref<16x128xf32, #tpu.memory_space<vmem>>, vector<1x16xf32>,
    %broadcast_in_dim3A_917 = arith.constant 0.000000e+00 : f32
    %broadcast_in_dim3A_918 = vector.broadcast %broadcast_in_dim3A_917 : f32 to vector<16xf32>
    %swap3A_919 = arith.constant 14 : i32
    %swap3A_920 = arith.index_cast %swap3A_919 : i32 to index
    %swap3A_921 = arith.constant 0 : index
    %swap3A_922 = tpu.vector_load %arg13[%swap3A_920, %swap3A_921] {strides = array<i32>} : memref<16x128xf32, #tpu.memory_space<vmem>>, vector<1x16xf32>,
    %swap3A_923 = vector.shape_cast %swap3A_922 : vector<1x16xf32> to vector<16xf32>
    %swap3A_924 = vector.shape_cast %broadcast_in_dim3A_918 : vector<16xf32> to vector<1x16xf32>
    tpu.vector_store %arg13[%swap3A_920, %swap3A_921], %swap3A_924 {strides = array<i32>} : memref<16x128xf32, #tpu.memory_space<vmem>>, vector<1x16xf32>,
    %broadcast_in_dim3A_925 = arith.constant 0.000000e+00 : f32
    %broadcast_in_dim3A_926 = vector.broadcast %broadcast_in_dim3A_925 : f32 to vector<16xf32>
    %swap3A_927 = arith.constant 14 : i32
    %swap3A_928 = arith.index_cast %swap3A_927 : i32 to index
    %swap3A_929 = arith.constant 16 : index
    %swap3A_930 = tpu.vector_load %arg13[%swap3A_928, %swap3A_929] {strides = array<i32>} : memref<16x128xf32, #tpu.memory_space<vmem>>, vector<1x16xf32>,
    %swap3A_931 = vector.shape_cast %swap3A_930 : vector<1x16xf32> to vector<16xf32>
    %swap3A_932 = vector.shape_cast %broadcast_in_dim3A_926 : vector<16xf32> to vector<1x16xf32>
    tpu.vector_store %arg13[%swap3A_928, %swap3A_929], %swap3A_932 {strides = array<i32>} : memref<16x128xf32, #tpu.memory_space<vmem>>, vector<1x16xf32>,
    %broadcast_in_dim3A_933 = arith.constant 0.000000e+00 : f32
    %broadcast_in_dim3A_934 = vector.broadcast %broadcast_in_dim3A_933 : f32 to vector<16xf32>
    %swap3A_935 = arith.constant 14 : i32
    %swap3A_936 = arith.index_cast %swap3A_935 : i32 to index
    %swap3A_937 = arith.constant 32 : index
    %swap3A_938 = tpu.vector_load %arg13[%swap3A_936, %swap3A_937] {strides = array<i32>} : memref<16x128xf32, #tpu.memory_space<vmem>>, vector<1x16xf32>,
    %swap3A_939 = vector.shape_cast %swap3A_938 : vector<1x16xf32> to vector<16xf32>
    %swap3A_940 = vector.shape_cast %broadcast_in_dim3A_934 : vector<16xf32> to vector<1x16xf32>
    tpu.vector_store %arg13[%swap3A_936, %swap3A_937], %swap3A_940 {strides = array<i32>} : memref<16x128xf32, #tpu.memory_space<vmem>>, vector<1x16xf32>,
    %broadcast_in_dim3A_941 = arith.constant 0.000000e+00 : f32
    %broadcast_in_dim3A_942 = vector.broadcast %broadcast_in_dim3A_941 : f32 to vector<16xf32>
    %swap3A_943 = arith.constant 14 : i32
    %swap3A_944 = arith.index_cast %swap3A_943 : i32 to index
    %swap3A_945 = arith.constant 48 : index
    %swap3A_946 = tpu.vector_load %arg13[%swap3A_944, %swap3A_945] {strides = array<i32>} : memref<16x128xf32, #tpu.memory_space<vmem>>, vector<1x16xf32>,
    %swap3A_947 = vector.shape_cast %swap3A_946 : vector<1x16xf32> to vector<16xf32>
    %swap3A_948 = vector.shape_cast %broadcast_in_dim3A_942 : vector<16xf32> to vector<1x16xf32>
    tpu.vector_store %arg13[%swap3A_944, %swap3A_945], %swap3A_948 {strides = array<i32>} : memref<16x128xf32, #tpu.memory_space<vmem>>, vector<1x16xf32>,
    %broadcast_in_dim3A_949 = arith.constant 0.000000e+00 : f32
    %broadcast_in_dim3A_950 = vector.broadcast %broadcast_in_dim3A_949 : f32 to vector<16xf32>
    %swap3A_951 = arith.constant 14 : i32
    %swap3A_952 = arith.index_cast %swap3A_951 : i32 to index
    %swap3A_953 = arith.constant 64 : index
    %swap3A_954 = tpu.vector_load %arg13[%swap3A_952, %swap3A_953] {strides = array<i32>} : memref<16x128xf32, #tpu.memory_space<vmem>>, vector<1x16xf32>,
    %swap3A_955 = vector.shape_cast %swap3A_954 : vector<1x16xf32> to vector<16xf32>
    %swap3A_956 = vector.shape_cast %broadcast_in_dim3A_950 : vector<16xf32> to vector<1x16xf32>
    tpu.vector_store %arg13[%swap3A_952, %swap3A_953], %swap3A_956 {strides = array<i32>} : memref<16x128xf32, #tpu.memory_space<vmem>>, vector<1x16xf32>,
    %broadcast_in_dim3A_957 = arith.constant 0.000000e+00 : f32
    %broadcast_in_dim3A_958 = vector.broadcast %broadcast_in_dim3A_957 : f32 to vector<16xf32>
    %swap3A_959 = arith.constant 14 : i32
    %swap3A_960 = arith.index_cast %swap3A_959 : i32 to index
    %swap3A_961 = arith.constant 80 : index
    %swap3A_962 = tpu.vector_load %arg13[%swap3A_960, %swap3A_961] {strides = array<i32>} : memref<16x128xf32, #tpu.memory_space<vmem>>, vector<1x16xf32>,
    %swap3A_963 = vector.shape_cast %swap3A_962 : vector<1x16xf32> to vector<16xf32>
    %swap3A_964 = vector.shape_cast %broadcast_in_dim3A_958 : vector<16xf32> to vector<1x16xf32>
    tpu.vector_store %arg13[%swap3A_960, %swap3A_961], %swap3A_964 {strides = array<i32>} : memref<16x128xf32, #tpu.memory_space<vmem>>, vector<1x16xf32>,
    %broadcast_in_dim3A_965 = arith.constant 0.000000e+00 : f32
    %broadcast_in_dim3A_966 = vector.broadcast %broadcast_in_dim3A_965 : f32 to vector<16xf32>
    %swap3A_967 = arith.constant 14 : i32
    %swap3A_968 = arith.index_cast %swap3A_967 : i32 to index
    %swap3A_969 = arith.constant 96 : index
    %swap3A_970 = tpu.vector_load %arg13[%swap3A_968, %swap3A_969] {strides = array<i32>} : memref<16x128xf32, #tpu.memory_space<vmem>>, vector<1x16xf32>,
    %swap3A_971 = vector.shape_cast %swap3A_970 : vector<1x16xf32> to vector<16xf32>
    %swap3A_972 = vector.shape_cast %broadcast_in_dim3A_966 : vector<16xf32> to vector<1x16xf32>
    tpu.vector_store %arg13[%swap3A_968, %swap3A_969], %swap3A_972 {strides = array<i32>} : memref<16x128xf32, #tpu.memory_space<vmem>>, vector<1x16xf32>,
    %broadcast_in_dim3A_973 = arith.constant 0.000000e+00 : f32
    %broadcast_in_dim3A_974 = vector.broadcast %broadcast_in_dim3A_973 : f32 to vector<16xf32>
    %swap3A_975 = arith.constant 14 : i32
    %swap3A_976 = arith.index_cast %swap3A_975 : i32 to index
    %swap3A_977 = arith.constant 112 : index
    %swap3A_978 = tpu.vector_load %arg13[%swap3A_976, %swap3A_977] {strides = array<i32>} : memref<16x128xf32, #tpu.memory_space<vmem>>, vector<1x16xf32>,
    %swap3A_979 = vector.shape_cast %swap3A_978 : vector<1x16xf32> to vector<16xf32>
    %swap3A_980 = vector.shape_cast %broadcast_in_dim3A_974 : vector<16xf32> to vector<1x16xf32>
    tpu.vector_store %arg13[%swap3A_976, %swap3A_977], %swap3A_980 {strides = array<i32>} : memref<16x128xf32, #tpu.memory_space<vmem>>, vector<1x16xf32>,
    %broadcast_in_dim3A_981 = arith.constant 0.000000e+00 : f32
    %broadcast_in_dim3A_982 = vector.broadcast %broadcast_in_dim3A_981 : f32 to vector<16xf32>
    %swap3A_983 = arith.constant 15 : i32
    %swap3A_984 = arith.index_cast %swap3A_983 : i32 to index
    %swap3A_985 = arith.constant 0 : index
    %swap3A_986 = tpu.vector_load %arg13[%swap3A_984, %swap3A_985] {strides = array<i32>} : memref<16x128xf32, #tpu.memory_space<vmem>>, vector<1x16xf32>,
    %swap3A_987 = vector.shape_cast %swap3A_986 : vector<1x16xf32> to vector<16xf32>
    %swap3A_988 = vector.shape_cast %broadcast_in_dim3A_982 : vector<16xf32> to vector<1x16xf32>
    tpu.vector_store %arg13[%swap3A_984, %swap3A_985], %swap3A_988 {strides = array<i32>} : memref<16x128xf32, #tpu.memory_space<vmem>>, vector<1x16xf32>,
    %broadcast_in_dim3A_989 = arith.constant 0.000000e+00 : f32
    %broadcast_in_dim3A_990 = vector.broadcast %broadcast_in_dim3A_989 : f32 to vector<16xf32>
    %swap3A_991 = arith.constant 15 : i32
    %swap3A_992 = arith.index_cast %swap3A_991 : i32 to index
    %swap3A_993 = arith.constant 16 : index
    %swap3A_994 = tpu.vector_load %arg13[%swap3A_992, %swap3A_993] {strides = array<i32>} : memref<16x128xf32, #tpu.memory_space<vmem>>, vector<1x16xf32>,
    %swap3A_995 = vector.shape_cast %swap3A_994 : vector<1x16xf32> to vector<16xf32>
    %swap3A_996 = vector.shape_cast %broadcast_in_dim3A_990 : vector<16xf32> to vector<1x16xf32>
    tpu.vector_store %arg13[%swap3A_992, %swap3A_993], %swap3A_996 {strides = array<i32>} : memref<16x128xf32, #tpu.memory_space<vmem>>, vector<1x16xf32>,
    %broadcast_in_dim3A_997 = arith.constant 0.000000e+00 : f32
    %broadcast_in_dim3A_998 = vector.broadcast %broadcast_in_dim3A_997 : f32 to vector<16xf32>
    %swap3A_999 = arith.constant 15 : i32
    %swap3A_1000 = arith.index_cast %swap3A_999 : i32 to index
    %swap3A_1001 = arith.constant 32 : index
    %swap3A_1002 = tpu.vector_load %arg13[%swap3A_1000, %swap3A_1001] {strides = array<i32>} : memref<16x128xf32, #tpu.memory_space<vmem>>, vector<1x16xf32>,
    %swap3A_1003 = vector.shape_cast %swap3A_1002 : vector<1x16xf32> to vector<16xf32>
    %swap3A_1004 = vector.shape_cast %broadcast_in_dim3A_998 : vector<16xf32> to vector<1x16xf32>
    tpu.vector_store %arg13[%swap3A_1000, %swap3A_1001], %swap3A_1004 {strides = array<i32>} : memref<16x128xf32, #tpu.memory_space<vmem>>, vector<1x16xf32>,
    %broadcast_in_dim3A_1005 = arith.constant 0.000000e+00 : f32
    %broadcast_in_dim3A_1006 = vector.broadcast %broadcast_in_dim3A_1005 : f32 to vector<16xf32>
    %swap3A_1007 = arith.constant 15 : i32
    %swap3A_1008 = arith.index_cast %swap3A_1007 : i32 to index
    %swap3A_1009 = arith.constant 48 : index
    %swap3A_1010 = tpu.vector_load %arg13[%swap3A_1008, %swap3A_1009] {strides = array<i32>} : memref<16x128xf32, #tpu.memory_space<vmem>>, vector<1x16xf32>,
    %swap3A_1011 = vector.shape_cast %swap3A_1010 : vector<1x16xf32> to vector<16xf32>
    %swap3A_1012 = vector.shape_cast %broadcast_in_dim3A_1006 : vector<16xf32> to vector<1x16xf32>
    tpu.vector_store %arg13[%swap3A_1008, %swap3A_1009], %swap3A_1012 {strides = array<i32>} : memref<16x128xf32, #tpu.memory_space<vmem>>, vector<1x16xf32>,
    %broadcast_in_dim3A_1013 = arith.constant 0.000000e+00 : f32
    %broadcast_in_dim3A_1014 = vector.broadcast %broadcast_in_dim3A_1013 : f32 to vector<16xf32>
    %swap3A_1015 = arith.constant 15 : i32
    %swap3A_1016 = arith.index_cast %swap3A_1015 : i32 to index
    %swap3A_1017 = arith.constant 64 : index
    %swap3A_1018 = tpu.vector_load %arg13[%swap3A_1016, %swap3A_1017] {strides = array<i32>} : memref<16x128xf32, #tpu.memory_space<vmem>>, vector<1x16xf32>,
    %swap3A_1019 = vector.shape_cast %swap3A_1018 : vector<1x16xf32> to vector<16xf32>
    %swap3A_1020 = vector.shape_cast %broadcast_in_dim3A_1014 : vector<16xf32> to vector<1x16xf32>
    tpu.vector_store %arg13[%swap3A_1016, %swap3A_1017], %swap3A_1020 {strides = array<i32>} : memref<16x128xf32, #tpu.memory_space<vmem>>, vector<1x16xf32>,
    %broadcast_in_dim3A_1021 = arith.constant 0.000000e+00 : f32
    %broadcast_in_dim3A_1022 = vector.broadcast %broadcast_in_dim3A_1021 : f32 to vector<16xf32>
    %swap3A_1023 = arith.constant 15 : i32
    %swap3A_1024 = arith.index_cast %swap3A_1023 : i32 to index
    %swap3A_1025 = arith.constant 80 : index
    %swap3A_1026 = tpu.vector_load %arg13[%swap3A_1024, %swap3A_1025] {strides = array<i32>} : memref<16x128xf32, #tpu.memory_space<vmem>>, vector<1x16xf32>,
    %swap3A_1027 = vector.shape_cast %swap3A_1026 : vector<1x16xf32> to vector<16xf32>
    %swap3A_1028 = vector.shape_cast %broadcast_in_dim3A_1022 : vector<16xf32> to vector<1x16xf32>
    tpu.vector_store %arg13[%swap3A_1024, %swap3A_1025], %swap3A_1028 {strides = array<i32>} : memref<16x128xf32, #tpu.memory_space<vmem>>, vector<1x16xf32>,
    %broadcast_in_dim3A_1029 = arith.constant 0.000000e+00 : f32
    %broadcast_in_dim3A_1030 = vector.broadcast %broadcast_in_dim3A_1029 : f32 to vector<16xf32>
    %swap3A_1031 = arith.constant 15 : i32
    %swap3A_1032 = arith.index_cast %swap3A_1031 : i32 to index
    %swap3A_1033 = arith.constant 96 : index
    %swap3A_1034 = tpu.vector_load %arg13[%swap3A_1032, %swap3A_1033] {strides = array<i32>} : memref<16x128xf32, #tpu.memory_space<vmem>>, vector<1x16xf32>,
    %swap3A_1035 = vector.shape_cast %swap3A_1034 : vector<1x16xf32> to vector<16xf32>
    %swap3A_1036 = vector.shape_cast %broadcast_in_dim3A_1030 : vector<16xf32> to vector<1x16xf32>
    tpu.vector_store %arg13[%swap3A_1032, %swap3A_1033], %swap3A_1036 {strides = array<i32>} : memref<16x128xf32, #tpu.memory_space<vmem>>, vector<1x16xf32>,
    %broadcast_in_dim3A_1037 = arith.constant 0.000000e+00 : f32
    %broadcast_in_dim3A_1038 = vector.broadcast %broadcast_in_dim3A_1037 : f32 to vector<16xf32>
    %swap3A_1039 = arith.constant 15 : i32
    %swap3A_1040 = arith.index_cast %swap3A_1039 : i32 to index
    %swap3A_1041 = arith.constant 112 : index
    %swap3A_1042 = tpu.vector_load %arg13[%swap3A_1040, %swap3A_1041] {strides = array<i32>} : memref<16x128xf32, #tpu.memory_space<vmem>>, vector<1x16xf32>,
    %swap3A_1043 = vector.shape_cast %swap3A_1042 : vector<1x16xf32> to vector<16xf32>
    %swap3A_1044 = vector.shape_cast %broadcast_in_dim3A_1038 : vector<16xf32> to vector<1x16xf32>
    tpu.vector_store %arg13[%swap3A_1040, %swap3A_1041], %swap3A_1044 {strides = array<i32>} : memref<16x128xf32, #tpu.memory_space<vmem>>, vector<1x16xf32>,
    %while3A = arith.constant 0 : i32
    %while3A_1045 = arith.constant 0 : i32
    %while3A_1046 = arith.subi %select_n3A_22, %while3A_1045 : i32
    %while3A_1047 = arith.addi %while3A_1045, %while3A_1046 : i32
    %while3A_1048 = arith.constant 1 : i32
    %while3A_1049 = arith.divsi %while3A_1046, %while3A_1048 : i32
    %while3A_1050 = arith.muli %while3A_1049, %while3A_1048 : i32
    %while3A_1051 = arith.addi %while3A_1045, %while3A_1050 : i32
    %while3A_1052 = arith.constant 1 : i32
    scf.for %while3A_1079 = %while3A_1045 to %while3A_1051 step %while3A_1052  : i32 {
      %mul3A_1080 = arith.constant 16 : i32
      %mul3A_1081 = arith.muli %while3A_1079, %mul3A_1080 : i32
      %add3A_1082 = arith.addi %mul3A_2, %mul3A_1081 : i32
      "tpu.region"() ({
        %run_scoped3A = tpu.sem_alloc : memref<!tpu.dma_semaphore, #tpu.memory_space<semaphore_mem>>
        %dma_start3A = arith.constant 0 : i32
        %dma_start3A_1083 = tpu.memref_slice %arg7[%add3A_1082, %dma_start3A] : memref<10000x128xf32, #tpu.memory_space<vmem_shared>> -> memref<16x128xf32, #tpu.memory_space<vmem_shared>>
        %dma_start3A_1084 = arith.constant 0 : i32
        %dma_start3A_1085 = tpu.memref_slice %arg7[%add3A_1082, %dma_start3A_1084] : memref<10000x128xf32, #tpu.memory_space<vmem_shared>> -> memref<16x128xf32, #tpu.memory_space<vmem_shared>>
        tpu.enqueue_dma source(%arg13 : memref<16x128xf32, #tpu.memory_space<vmem>>) target(%dma_start3A_1085 : memref<16x128xf32, #tpu.memory_space<vmem_shared>>) target_semaphore(%run_scoped3A : memref<!tpu.dma_semaphore, #tpu.memory_space<semaphore_mem>>)
        %dma_wait3A = arith.constant 0 : i32
        %dma_wait3A_1086 = tpu.memref_slice %arg7[%add3A_1082, %dma_wait3A] : memref<10000x128xf32, #tpu.memory_space<vmem_shared>> -> memref<16x128xf32, #tpu.memory_space<vmem_shared>>
        %dma_wait3A_1087 = arith.constant 0 : i32
        %dma_wait3A_1088 = tpu.memref_slice %arg7[%add3A_1082, %dma_wait3A_1087] : memref<10000x128xf32, #tpu.memory_space<vmem_shared>> -> memref<16x128xf32, #tpu.memory_space<vmem_shared>>
        tpu.wait_dma2 semaphore(%run_scoped3A : memref<!tpu.dma_semaphore, #tpu.memory_space<semaphore_mem>>) src(%arg13 : memref<16x128xf32, #tpu.memory_space<vmem>>) dst(%dma_wait3A_1088 : memref<16x128xf32, #tpu.memory_space<vmem_shared>>)
        tpu.yield
      }) : () -> ()
    }
    %while3A_1053 = arith.constant 1 : i32
    scf.for %while3A_1079 = %while3A_1051 to %while3A_1047 step %while3A_1053  : i32 {
      %mul3A_1080 = arith.constant 16 : i32
      %mul3A_1081 = arith.muli %while3A_1079, %mul3A_1080 : i32
      %add3A_1082 = arith.addi %mul3A_2, %mul3A_1081 : i32
      "tpu.region"() ({
        %run_scoped3A = tpu.sem_alloc : memref<!tpu.dma_semaphore, #tpu.memory_space<semaphore_mem>>
        %dma_start3A = arith.constant 0 : i32
        %dma_start3A_1083 = tpu.memref_slice %arg7[%add3A_1082, %dma_start3A] : memref<10000x128xf32, #tpu.memory_space<vmem_shared>> -> memref<16x128xf32, #tpu.memory_space<vmem_shared>>
        %dma_start3A_1084 = arith.constant 0 : i32
        %dma_start3A_1085 = tpu.memref_slice %arg7[%add3A_1082, %dma_start3A_1084] : memref<10000x128xf32, #tpu.memory_space<vmem_shared>> -> memref<16x128xf32, #tpu.memory_space<vmem_shared>>
        tpu.enqueue_dma source(%arg13 : memref<16x128xf32, #tpu.memory_space<vmem>>) target(%dma_start3A_1085 : memref<16x128xf32, #tpu.memory_space<vmem_shared>>) target_semaphore(%run_scoped3A : memref<!tpu.dma_semaphore, #tpu.memory_space<semaphore_mem>>)
        %dma_wait3A = arith.constant 0 : i32
        %dma_wait3A_1086 = tpu.memref_slice %arg7[%add3A_1082, %dma_wait3A] : memref<10000x128xf32, #tpu.memory_space<vmem_shared>> -> memref<16x128xf32, #tpu.memory_space<vmem_shared>>
        %dma_wait3A_1087 = arith.constant 0 : i32
        %dma_wait3A_1088 = tpu.memref_slice %arg7[%add3A_1082, %dma_wait3A_1087] : memref<10000x128xf32, #tpu.memory_space<vmem_shared>> -> memref<16x128xf32, #tpu.memory_space<vmem_shared>>
        tpu.wait_dma2 semaphore(%run_scoped3A : memref<!tpu.dma_semaphore, #tpu.memory_space<semaphore_mem>>) src(%arg13 : memref<16x128xf32, #tpu.memory_space<vmem>>) dst(%dma_wait3A_1088 : memref<16x128xf32, #tpu.memory_space<vmem_shared>>)
        tpu.yield
      }) : () -> ()
    }
    %barrier3A = arith.constant 0 : index
    tpu.barrier barrier_id(%barrier3A)
    %lt3A = arith.constant 4 : i32
    %lt3A_1054 = arith.cmpi slt, %add3A, %lt3A : i32
    %jit3A_1055 = arith.constant 79 : i32
    %jit3A_1056 = arith.constant 78 : i32
    %select_n3A_1057 = arith.select %lt3A_1054, %jit3A_1055, %jit3A_1056 : i32
    %while3A_1058 = arith.constant 0 : i32
    %while3A_1059 = arith.constant 0 : i32
    %while3A_1060 = arith.subi %select_n3A_1057, %while3A_1059 : i32
    %while3A_1061 = arith.addi %while3A_1059, %while3A_1060 : i32
    %while3A_1062 = arith.constant 1 : i32
    %while3A_1063 = arith.divsi %while3A_1060, %while3A_1062 : i32
    %while3A_1064 = arith.muli %while3A_1063, %while3A_1062 : i32
    %while3A_1065 = arith.addi %while3A_1059, %while3A_1064 : i32
    %while3A_1066 = arith.constant 1 : i32
    scf.for %while3A_1079 = %while3A_1059 to %while3A_1065 step %while3A_1066  : i32 {
      %mul3A_1080 = arith.constant 32 : i32
      %mul3A_1081 = arith.muli %while3A_1079, %mul3A_1080 : i32
      %add3A_1082 = arith.addi %add3A, %mul3A_1081 : i32
      %mul3A_1083 = arith.constant 128 : i32
      %mul3A_1084 = arith.muli %add3A_1082, %mul3A_1083 : i32
      "tpu.region"() ({
        %run_scoped3A = tpu.sem_alloc : memref<!tpu.dma_semaphore, #tpu.memory_space<semaphore_mem>>
        %dma_start3A_1200 = tpu.memref_slice %arg3[%mul3A_1084] : memref<320000xi32, #tpu.memory_space<hbm>> -> memref<128xi32, #tpu.memory_space<hbm>>
        %dma_start3A_1201 = tpu.memref_slice %arg3[%mul3A_1084] : memref<320000xi32, #tpu.memory_space<hbm>> -> memref<128xi32, #tpu.memory_space<hbm>>
        tpu.enqueue_dma source(%dma_start3A_1201 : memref<128xi32, #tpu.memory_space<hbm>>) target(%arg8 : memref<128xi32, #tpu.memory_space<vmem>>) target_semaphore(%run_scoped3A : memref<!tpu.dma_semaphore, #tpu.memory_space<semaphore_mem>>)
        %dma_wait3A_1202 = tpu.memref_slice %arg3[%mul3A_1084] : memref<320000xi32, #tpu.memory_space<hbm>> -> memref<128xi32, #tpu.memory_space<hbm>>
        %dma_wait3A_1203 = tpu.memref_slice %arg3[%mul3A_1084] : memref<320000xi32, #tpu.memory_space<hbm>> -> memref<128xi32, #tpu.memory_space<hbm>>
        tpu.wait_dma2 semaphore(%run_scoped3A : memref<!tpu.dma_semaphore, #tpu.memory_space<semaphore_mem>>) src(%dma_wait3A_1203 : memref<128xi32, #tpu.memory_space<hbm>>) dst(%arg8 : memref<128xi32, #tpu.memory_space<vmem>>)
        tpu.yield
      }) : () -> ()
      "tpu.region"() ({
        %run_scoped3A = tpu.sem_alloc : memref<!tpu.dma_semaphore, #tpu.memory_space<semaphore_mem>>
        %dma_start3A_1200 = tpu.memref_slice %arg5[%mul3A_1084] : memref<320000xi32, #tpu.memory_space<hbm>> -> memref<128xi32, #tpu.memory_space<hbm>>
        %dma_start3A_1201 = tpu.memref_slice %arg5[%mul3A_1084] : memref<320000xi32, #tpu.memory_space<hbm>> -> memref<128xi32, #tpu.memory_space<hbm>>
        tpu.enqueue_dma source(%dma_start3A_1201 : memref<128xi32, #tpu.memory_space<hbm>>) target(%arg9 : memref<128xi32, #tpu.memory_space<vmem>>) target_semaphore(%run_scoped3A : memref<!tpu.dma_semaphore, #tpu.memory_space<semaphore_mem>>)
        %dma_wait3A_1202 = tpu.memref_slice %arg5[%mul3A_1084] : memref<320000xi32, #tpu.memory_space<hbm>> -> memref<128xi32, #tpu.memory_space<hbm>>
        %dma_wait3A_1203 = tpu.memref_slice %arg5[%mul3A_1084] : memref<320000xi32, #tpu.memory_space<hbm>> -> memref<128xi32, #tpu.memory_space<hbm>>
        tpu.wait_dma2 semaphore(%run_scoped3A : memref<!tpu.dma_semaphore, #tpu.memory_space<semaphore_mem>>) src(%dma_wait3A_1203 : memref<128xi32, #tpu.memory_space<hbm>>) dst(%arg9 : memref<128xi32, #tpu.memory_space<vmem>>)
        tpu.yield
      }) : () -> ()
      "tpu.region"() ({
        %run_scoped3A = tpu.sem_alloc : memref<!tpu.dma_semaphore, #tpu.memory_space<semaphore_mem>>
        %dma_start3A_1200 = tpu.memref_slice %arg4[%mul3A_1084] : memref<320000xi32, #tpu.memory_space<hbm>> -> memref<128xi32, #tpu.memory_space<hbm>>
        %dma_start3A_1201 = tpu.memref_slice %arg4[%mul3A_1084] : memref<320000xi32, #tpu.memory_space<hbm>> -> memref<128xi32, #tpu.memory_space<hbm>>
        tpu.enqueue_dma source(%dma_start3A_1201 : memref<128xi32, #tpu.memory_space<hbm>>) target(%arg11 : memref<128xi32, #tpu.memory_space<vmem>>) target_semaphore(%run_scoped3A : memref<!tpu.dma_semaphore, #tpu.memory_space<semaphore_mem>>)
        %dma_wait3A_1202 = tpu.memref_slice %arg4[%mul3A_1084] : memref<320000xi32, #tpu.memory_space<hbm>> -> memref<128xi32, #tpu.memory_space<hbm>>
        %dma_wait3A_1203 = tpu.memref_slice %arg4[%mul3A_1084] : memref<320000xi32, #tpu.memory_space<hbm>> -> memref<128xi32, #tpu.memory_space<hbm>>
        tpu.wait_dma2 semaphore(%run_scoped3A : memref<!tpu.dma_semaphore, #tpu.memory_space<semaphore_mem>>) src(%dma_wait3A_1203 : memref<128xi32, #tpu.memory_space<hbm>>) dst(%arg11 : memref<128xi32, #tpu.memory_space<vmem>>)
        tpu.yield
      }) : () -> ()
      %get3A = arith.constant 0 : index
      %get3A_1085 = tpu.vector_load %arg9[%get3A] {strides = array<i32>} : memref<128xi32, #tpu.memory_space<vmem>>, vector<16xi32>,
      %get3A_1086 = vector.shape_cast %get3A_1085 : vector<16xi32> to vector<16xi32>
      %mul3A_1087 = arith.constant 10000 : i32
      %mul3A_1088 = vector.broadcast %mul3A_1087 : i32 to vector<16xi32>
      %mul3A_1089 = arith.muli %get3A_1086, %mul3A_1088 : vector<16xi32>
      %get3A_1090 = arith.constant 0 : index
      %get3A_1091 = tpu.vector_load %arg8[%get3A_1090] {strides = array<i32>} : memref<128xi32, #tpu.memory_space<vmem>>, vector<16xi32>,
      %get3A_1092 = vector.shape_cast %get3A_1091 : vector<16xi32> to vector<16xi32>
      %add3A_1093 = arith.addi %mul3A_1089, %get3A_1092 : vector<16xi32>
      %swap3A_1094 = arith.constant 0 : index
      %swap3A_1095 = tpu.vector_load %arg10[%swap3A_1094] {strides = array<i32>} : memref<128xi32, #tpu.memory_space<vmem>>, vector<16xi32>,
      %swap3A_1096 = vector.shape_cast %swap3A_1095 : vector<16xi32> to vector<16xi32>
      %swap3A_1097 = vector.shape_cast %add3A_1093 : vector<16xi32> to vector<16xi32>
      tpu.vector_store %arg10[%swap3A_1094], %swap3A_1097 {strides = array<i32>} : memref<128xi32, #tpu.memory_space<vmem>>, vector<16xi32>,
      %get3A_1098 = arith.constant 16 : index
      %get3A_1099 = tpu.vector_load %arg9[%get3A_1098] {strides = array<i32>} : memref<128xi32, #tpu.memory_space<vmem>>, vector<16xi32>,
      %get3A_1100 = vector.shape_cast %get3A_1099 : vector<16xi32> to vector<16xi32>
      %mul3A_1101 = arith.constant 10000 : i32
      %mul3A_1102 = vector.broadcast %mul3A_1101 : i32 to vector<16xi32>
      %mul3A_1103 = arith.muli %get3A_1100, %mul3A_1102 : vector<16xi32>
      %get3A_1104 = arith.constant 16 : index
      %get3A_1105 = tpu.vector_load %arg8[%get3A_1104] {strides = array<i32>} : memref<128xi32, #tpu.memory_space<vmem>>, vector<16xi32>,
      %get3A_1106 = vector.shape_cast %get3A_1105 : vector<16xi32> to vector<16xi32>
      %add3A_1107 = arith.addi %mul3A_1103, %get3A_1106 : vector<16xi32>
      %swap3A_1108 = arith.constant 16 : index
      %swap3A_1109 = tpu.vector_load %arg10[%swap3A_1108] {strides = array<i32>} : memref<128xi32, #tpu.memory_space<vmem>>, vector<16xi32>,
      %swap3A_1110 = vector.shape_cast %swap3A_1109 : vector<16xi32> to vector<16xi32>
      %swap3A_1111 = vector.shape_cast %add3A_1107 : vector<16xi32> to vector<16xi32>
      tpu.vector_store %arg10[%swap3A_1108], %swap3A_1111 {strides = array<i32>} : memref<128xi32, #tpu.memory_space<vmem>>, vector<16xi32>,
      %get3A_1112 = arith.constant 32 : index
      %get3A_1113 = tpu.vector_load %arg9[%get3A_1112] {strides = array<i32>} : memref<128xi32, #tpu.memory_space<vmem>>, vector<16xi32>,
      %get3A_1114 = vector.shape_cast %get3A_1113 : vector<16xi32> to vector<16xi32>
      %mul3A_1115 = arith.constant 10000 : i32
      %mul3A_1116 = vector.broadcast %mul3A_1115 : i32 to vector<16xi32>
      %mul3A_1117 = arith.muli %get3A_1114, %mul3A_1116 : vector<16xi32>
      %get3A_1118 = arith.constant 32 : index
      %get3A_1119 = tpu.vector_load %arg8[%get3A_1118] {strides = array<i32>} : memref<128xi32, #tpu.memory_space<vmem>>, vector<16xi32>,
      %get3A_1120 = vector.shape_cast %get3A_1119 : vector<16xi32> to vector<16xi32>
      %add3A_1121 = arith.addi %mul3A_1117, %get3A_1120 : vector<16xi32>
      %swap3A_1122 = arith.constant 32 : index
      %swap3A_1123 = tpu.vector_load %arg10[%swap3A_1122] {strides = array<i32>} : memref<128xi32, #tpu.memory_space<vmem>>, vector<16xi32>,
      %swap3A_1124 = vector.shape_cast %swap3A_1123 : vector<16xi32> to vector<16xi32>
      %swap3A_1125 = vector.shape_cast %add3A_1121 : vector<16xi32> to vector<16xi32>
      tpu.vector_store %arg10[%swap3A_1122], %swap3A_1125 {strides = array<i32>} : memref<128xi32, #tpu.memory_space<vmem>>, vector<16xi32>,
      %get3A_1126 = arith.constant 48 : index
      %get3A_1127 = tpu.vector_load %arg9[%get3A_1126] {strides = array<i32>} : memref<128xi32, #tpu.memory_space<vmem>>, vector<16xi32>,
      %get3A_1128 = vector.shape_cast %get3A_1127 : vector<16xi32> to vector<16xi32>
      %mul3A_1129 = arith.constant 10000 : i32
      %mul3A_1130 = vector.broadcast %mul3A_1129 : i32 to vector<16xi32>
      %mul3A_1131 = arith.muli %get3A_1128, %mul3A_1130 : vector<16xi32>
      %get3A_1132 = arith.constant 48 : index
      %get3A_1133 = tpu.vector_load %arg8[%get3A_1132] {strides = array<i32>} : memref<128xi32, #tpu.memory_space<vmem>>, vector<16xi32>,
      %get3A_1134 = vector.shape_cast %get3A_1133 : vector<16xi32> to vector<16xi32>
      %add3A_1135 = arith.addi %mul3A_1131, %get3A_1134 : vector<16xi32>
      %swap3A_1136 = arith.constant 48 : index
      %swap3A_1137 = tpu.vector_load %arg10[%swap3A_1136] {strides = array<i32>} : memref<128xi32, #tpu.memory_space<vmem>>, vector<16xi32>,
      %swap3A_1138 = vector.shape_cast %swap3A_1137 : vector<16xi32> to vector<16xi32>
      %swap3A_1139 = vector.shape_cast %add3A_1135 : vector<16xi32> to vector<16xi32>
      tpu.vector_store %arg10[%swap3A_1136], %swap3A_1139 {strides = array<i32>} : memref<128xi32, #tpu.memory_space<vmem>>, vector<16xi32>,
      %get3A_1140 = arith.constant 64 : index
      %get3A_1141 = tpu.vector_load %arg9[%get3A_1140] {strides = array<i32>} : memref<128xi32, #tpu.memory_space<vmem>>, vector<16xi32>,
      %get3A_1142 = vector.shape_cast %get3A_1141 : vector<16xi32> to vector<16xi32>
      %mul3A_1143 = arith.constant 10000 : i32
      %mul3A_1144 = vector.broadcast %mul3A_1143 : i32 to vector<16xi32>
      %mul3A_1145 = arith.muli %get3A_1142, %mul3A_1144 : vector<16xi32>
      %get3A_1146 = arith.constant 64 : index
      %get3A_1147 = tpu.vector_load %arg8[%get3A_1146] {strides = array<i32>} : memref<128xi32, #tpu.memory_space<vmem>>, vector<16xi32>,
      %get3A_1148 = vector.shape_cast %get3A_1147 : vector<16xi32> to vector<16xi32>
      %add3A_1149 = arith.addi %mul3A_1145, %get3A_1148 : vector<16xi32>
      %swap3A_1150 = arith.constant 64 : index
      %swap3A_1151 = tpu.vector_load %arg10[%swap3A_1150] {strides = array<i32>} : memref<128xi32, #tpu.memory_space<vmem>>, vector<16xi32>,
      %swap3A_1152 = vector.shape_cast %swap3A_1151 : vector<16xi32> to vector<16xi32>
      %swap3A_1153 = vector.shape_cast %add3A_1149 : vector<16xi32> to vector<16xi32>
      tpu.vector_store %arg10[%swap3A_1150], %swap3A_1153 {strides = array<i32>} : memref<128xi32, #tpu.memory_space<vmem>>, vector<16xi32>,
      %get3A_1154 = arith.constant 80 : index
      %get3A_1155 = tpu.vector_load %arg9[%get3A_1154] {strides = array<i32>} : memref<128xi32, #tpu.memory_space<vmem>>, vector<16xi32>,
      %get3A_1156 = vector.shape_cast %get3A_1155 : vector<16xi32> to vector<16xi32>
      %mul3A_1157 = arith.constant 10000 : i32
      %mul3A_1158 = vector.broadcast %mul3A_1157 : i32 to vector<16xi32>
      %mul3A_1159 = arith.muli %get3A_1156, %mul3A_1158 : vector<16xi32>
      %get3A_1160 = arith.constant 80 : index
      %get3A_1161 = tpu.vector_load %arg8[%get3A_1160] {strides = array<i32>} : memref<128xi32, #tpu.memory_space<vmem>>, vector<16xi32>,
      %get3A_1162 = vector.shape_cast %get3A_1161 : vector<16xi32> to vector<16xi32>
      %add3A_1163 = arith.addi %mul3A_1159, %get3A_1162 : vector<16xi32>
      %swap3A_1164 = arith.constant 80 : index
      %swap3A_1165 = tpu.vector_load %arg10[%swap3A_1164] {strides = array<i32>} : memref<128xi32, #tpu.memory_space<vmem>>, vector<16xi32>,
      %swap3A_1166 = vector.shape_cast %swap3A_1165 : vector<16xi32> to vector<16xi32>
      %swap3A_1167 = vector.shape_cast %add3A_1163 : vector<16xi32> to vector<16xi32>
      tpu.vector_store %arg10[%swap3A_1164], %swap3A_1167 {strides = array<i32>} : memref<128xi32, #tpu.memory_space<vmem>>, vector<16xi32>,
      %get3A_1168 = arith.constant 96 : index
      %get3A_1169 = tpu.vector_load %arg9[%get3A_1168] {strides = array<i32>} : memref<128xi32, #tpu.memory_space<vmem>>, vector<16xi32>,
      %get3A_1170 = vector.shape_cast %get3A_1169 : vector<16xi32> to vector<16xi32>
      %mul3A_1171 = arith.constant 10000 : i32
      %mul3A_1172 = vector.broadcast %mul3A_1171 : i32 to vector<16xi32>
      %mul3A_1173 = arith.muli %get3A_1170, %mul3A_1172 : vector<16xi32>
      %get3A_1174 = arith.constant 96 : index
      %get3A_1175 = tpu.vector_load %arg8[%get3A_1174] {strides = array<i32>} : memref<128xi32, #tpu.memory_space<vmem>>, vector<16xi32>,
      %get3A_1176 = vector.shape_cast %get3A_1175 : vector<16xi32> to vector<16xi32>
      %add3A_1177 = arith.addi %mul3A_1173, %get3A_1176 : vector<16xi32>
      %swap3A_1178 = arith.constant 96 : index
      %swap3A_1179 = tpu.vector_load %arg10[%swap3A_1178] {strides = array<i32>} : memref<128xi32, #tpu.memory_space<vmem>>, vector<16xi32>,
      %swap3A_1180 = vector.shape_cast %swap3A_1179 : vector<16xi32> to vector<16xi32>
      %swap3A_1181 = vector.shape_cast %add3A_1177 : vector<16xi32> to vector<16xi32>
      tpu.vector_store %arg10[%swap3A_1178], %swap3A_1181 {strides = array<i32>} : memref<128xi32, #tpu.memory_space<vmem>>, vector<16xi32>,
      %get3A_1182 = arith.constant 112 : index
      %get3A_1183 = tpu.vector_load %arg9[%get3A_1182] {strides = array<i32>} : memref<128xi32, #tpu.memory_space<vmem>>, vector<16xi32>,
      %get3A_1184 = vector.shape_cast %get3A_1183 : vector<16xi32> to vector<16xi32>
      %mul3A_1185 = arith.constant 10000 : i32
      %mul3A_1186 = vector.broadcast %mul3A_1185 : i32 to vector<16xi32>
      %mul3A_1187 = arith.muli %get3A_1184, %mul3A_1186 : vector<16xi32>
      %get3A_1188 = arith.constant 112 : index
      %get3A_1189 = tpu.vector_load %arg8[%get3A_1188] {strides = array<i32>} : memref<128xi32, #tpu.memory_space<vmem>>, vector<16xi32>,
      %get3A_1190 = vector.shape_cast %get3A_1189 : vector<16xi32> to vector<16xi32>
      %add3A_1191 = arith.addi %mul3A_1187, %get3A_1190 : vector<16xi32>
      %swap3A_1192 = arith.constant 112 : index
      %swap3A_1193 = tpu.vector_load %arg10[%swap3A_1192] {strides = array<i32>} : memref<128xi32, #tpu.memory_space<vmem>>, vector<16xi32>,
      %swap3A_1194 = vector.shape_cast %swap3A_1193 : vector<16xi32> to vector<16xi32>
      %swap3A_1195 = vector.shape_cast %add3A_1191 : vector<16xi32> to vector<16xi32>
      tpu.vector_store %arg10[%swap3A_1192], %swap3A_1195 {strides = array<i32>} : memref<128xi32, #tpu.memory_space<vmem>>, vector<16xi32>,
      %dma_start3A = arith.constant 0 : i32
      %dma_start3A_1196 = arith.constant 0 : i32
      %dma_start3A_1197 = tpu.memref_slice %arg2[%dma_start3A, %dma_start3A_1196] : memref<80000x128xf32, #tpu.memory_space<hbm>> -> memref<80000x128xf32, #tpu.memory_space<hbm>>
      tpu.enqueue_indirect_dma source(%dma_start3A_1197 : memref<80000x128xf32, #tpu.memory_space<hbm>>) target(%arg12 : memref<128x128xf32, #tpu.memory_space<vmem>>) offsets(%arg10 : memref<128xi32, #tpu.memory_space<vmem>>) semaphore(%arg14 : memref<!tpu.dma_semaphore, #tpu.memory_space<semaphore_mem>>)
      %dma_wait3A = arith.constant 0 : i32
      %dma_wait3A_1198 = arith.constant 0 : i32
      %dma_wait3A_1199 = tpu.memref_slice %arg2[%dma_wait3A, %dma_wait3A_1198] : memref<80000x128xf32, #tpu.memory_space<hbm>> -> memref<80000x128xf32, #tpu.memory_space<hbm>>
      tpu.wait_indirect_dma semaphore(%arg14 : memref<!tpu.dma_semaphore, #tpu.memory_space<semaphore_mem>>) src(%dma_wait3A_1199 : memref<80000x128xf32, #tpu.memory_space<hbm>>) dst(%arg12 : memref<128x128xf32, #tpu.memory_space<vmem>>)
      "tpu.region"() ({
        %run_scoped3A = tpu.sem_alloc : memref<!tpu.dma_semaphore, #tpu.memory_space<semaphore_mem>>
        %dma_start3A_1200 = arith.constant 0 : i32
        %dma_start3A_1201 = arith.constant 0 : i32
        %dma_start3A_1202 = tpu.memref_slice %arg7[%dma_start3A_1200, %dma_start3A_1201] : memref<10000x128xf32, #tpu.memory_space<vmem_shared>> -> memref<10000x128xf32, #tpu.memory_space<vmem_shared>>
        tpu.enqueue_indirect_dma source(%arg12 : memref<128x128xf32, #tpu.memory_space<vmem>>) target(%dma_start3A_1202 : memref<10000x128xf32, #tpu.memory_space<vmem_shared>>) offsets(%arg11 : memref<128xi32, #tpu.memory_space<vmem>>) semaphore(%run_scoped3A : memref<!tpu.dma_semaphore, #tpu.memory_space<semaphore_mem>>) {add = true}
        %dma_wait3A_1203 = arith.constant 0 : i32
        %dma_wait3A_1204 = arith.constant 0 : i32
        %dma_wait3A_1205 = tpu.memref_slice %arg7[%dma_wait3A_1203, %dma_wait3A_1204] : memref<10000x128xf32, #tpu.memory_space<vmem_shared>> -> memref<10000x128xf32, #tpu.memory_space<vmem_shared>>
        tpu.wait_indirect_dma semaphore(%run_scoped3A : memref<!tpu.dma_semaphore, #tpu.memory_space<semaphore_mem>>) src(%arg12 : memref<128x128xf32, #tpu.memory_space<vmem>>) dst(%dma_wait3A_1205 : memref<10000x128xf32, #tpu.memory_space<vmem_shared>>)
        tpu.yield
      }) : () -> ()
    }
    %while3A_1067 = arith.constant 1 : i32
    scf.for %while3A_1079 = %while3A_1065 to %while3A_1061 step %while3A_1067  : i32 {
      %mul3A_1080 = arith.constant 32 : i32
      %mul3A_1081 = arith.muli %while3A_1079, %mul3A_1080 : i32
      %add3A_1082 = arith.addi %add3A, %mul3A_1081 : i32
      %mul3A_1083 = arith.constant 128 : i32
      %mul3A_1084 = arith.muli %add3A_1082, %mul3A_1083 : i32
      "tpu.region"() ({
        %run_scoped3A = tpu.sem_alloc : memref<!tpu.dma_semaphore, #tpu.memory_space<semaphore_mem>>
        %dma_start3A_1200 = tpu.memref_slice %arg3[%mul3A_1084] : memref<320000xi32, #tpu.memory_space<hbm>> -> memref<128xi32, #tpu.memory_space<hbm>>
        %dma_start3A_1201 = tpu.memref_slice %arg3[%mul3A_1084] : memref<320000xi32, #tpu.memory_space<hbm>> -> memref<128xi32, #tpu.memory_space<hbm>>
        tpu.enqueue_dma source(%dma_start3A_1201 : memref<128xi32, #tpu.memory_space<hbm>>) target(%arg8 : memref<128xi32, #tpu.memory_space<vmem>>) target_semaphore(%run_scoped3A : memref<!tpu.dma_semaphore, #tpu.memory_space<semaphore_mem>>)
        %dma_wait3A_1202 = tpu.memref_slice %arg3[%mul3A_1084] : memref<320000xi32, #tpu.memory_space<hbm>> -> memref<128xi32, #tpu.memory_space<hbm>>
        %dma_wait3A_1203 = tpu.memref_slice %arg3[%mul3A_1084] : memref<320000xi32, #tpu.memory_space<hbm>> -> memref<128xi32, #tpu.memory_space<hbm>>
        tpu.wait_dma2 semaphore(%run_scoped3A : memref<!tpu.dma_semaphore, #tpu.memory_space<semaphore_mem>>) src(%dma_wait3A_1203 : memref<128xi32, #tpu.memory_space<hbm>>) dst(%arg8 : memref<128xi32, #tpu.memory_space<vmem>>)
        tpu.yield
      }) : () -> ()
      "tpu.region"() ({
        %run_scoped3A = tpu.sem_alloc : memref<!tpu.dma_semaphore, #tpu.memory_space<semaphore_mem>>
        %dma_start3A_1200 = tpu.memref_slice %arg5[%mul3A_1084] : memref<320000xi32, #tpu.memory_space<hbm>> -> memref<128xi32, #tpu.memory_space<hbm>>
        %dma_start3A_1201 = tpu.memref_slice %arg5[%mul3A_1084] : memref<320000xi32, #tpu.memory_space<hbm>> -> memref<128xi32, #tpu.memory_space<hbm>>
        tpu.enqueue_dma source(%dma_start3A_1201 : memref<128xi32, #tpu.memory_space<hbm>>) target(%arg9 : memref<128xi32, #tpu.memory_space<vmem>>) target_semaphore(%run_scoped3A : memref<!tpu.dma_semaphore, #tpu.memory_space<semaphore_mem>>)
        %dma_wait3A_1202 = tpu.memref_slice %arg5[%mul3A_1084] : memref<320000xi32, #tpu.memory_space<hbm>> -> memref<128xi32, #tpu.memory_space<hbm>>
        %dma_wait3A_1203 = tpu.memref_slice %arg5[%mul3A_1084] : memref<320000xi32, #tpu.memory_space<hbm>> -> memref<128xi32, #tpu.memory_space<hbm>>
        tpu.wait_dma2 semaphore(%run_scoped3A : memref<!tpu.dma_semaphore, #tpu.memory_space<semaphore_mem>>) src(%dma_wait3A_1203 : memref<128xi32, #tpu.memory_space<hbm>>) dst(%arg9 : memref<128xi32, #tpu.memory_space<vmem>>)
        tpu.yield
      }) : () -> ()
      "tpu.region"() ({
        %run_scoped3A = tpu.sem_alloc : memref<!tpu.dma_semaphore, #tpu.memory_space<semaphore_mem>>
        %dma_start3A_1200 = tpu.memref_slice %arg4[%mul3A_1084] : memref<320000xi32, #tpu.memory_space<hbm>> -> memref<128xi32, #tpu.memory_space<hbm>>
        %dma_start3A_1201 = tpu.memref_slice %arg4[%mul3A_1084] : memref<320000xi32, #tpu.memory_space<hbm>> -> memref<128xi32, #tpu.memory_space<hbm>>
        tpu.enqueue_dma source(%dma_start3A_1201 : memref<128xi32, #tpu.memory_space<hbm>>) target(%arg11 : memref<128xi32, #tpu.memory_space<vmem>>) target_semaphore(%run_scoped3A : memref<!tpu.dma_semaphore, #tpu.memory_space<semaphore_mem>>)
        %dma_wait3A_1202 = tpu.memref_slice %arg4[%mul3A_1084] : memref<320000xi32, #tpu.memory_space<hbm>> -> memref<128xi32, #tpu.memory_space<hbm>>
        %dma_wait3A_1203 = tpu.memref_slice %arg4[%mul3A_1084] : memref<320000xi32, #tpu.memory_space<hbm>> -> memref<128xi32, #tpu.memory_space<hbm>>
        tpu.wait_dma2 semaphore(%run_scoped3A : memref<!tpu.dma_semaphore, #tpu.memory_space<semaphore_mem>>) src(%dma_wait3A_1203 : memref<128xi32, #tpu.memory_space<hbm>>) dst(%arg11 : memref<128xi32, #tpu.memory_space<vmem>>)
        tpu.yield
      }) : () -> ()
      %get3A = arith.constant 0 : index
      %get3A_1085 = tpu.vector_load %arg9[%get3A] {strides = array<i32>} : memref<128xi32, #tpu.memory_space<vmem>>, vector<16xi32>,
      %get3A_1086 = vector.shape_cast %get3A_1085 : vector<16xi32> to vector<16xi32>
      %mul3A_1087 = arith.constant 10000 : i32
      %mul3A_1088 = vector.broadcast %mul3A_1087 : i32 to vector<16xi32>
      %mul3A_1089 = arith.muli %get3A_1086, %mul3A_1088 : vector<16xi32>
      %get3A_1090 = arith.constant 0 : index
      %get3A_1091 = tpu.vector_load %arg8[%get3A_1090] {strides = array<i32>} : memref<128xi32, #tpu.memory_space<vmem>>, vector<16xi32>,
      %get3A_1092 = vector.shape_cast %get3A_1091 : vector<16xi32> to vector<16xi32>
      %add3A_1093 = arith.addi %mul3A_1089, %get3A_1092 : vector<16xi32>
      %swap3A_1094 = arith.constant 0 : index
      %swap3A_1095 = tpu.vector_load %arg10[%swap3A_1094] {strides = array<i32>} : memref<128xi32, #tpu.memory_space<vmem>>, vector<16xi32>,
      %swap3A_1096 = vector.shape_cast %swap3A_1095 : vector<16xi32> to vector<16xi32>
      %swap3A_1097 = vector.shape_cast %add3A_1093 : vector<16xi32> to vector<16xi32>
      tpu.vector_store %arg10[%swap3A_1094], %swap3A_1097 {strides = array<i32>} : memref<128xi32, #tpu.memory_space<vmem>>, vector<16xi32>,
      %get3A_1098 = arith.constant 16 : index
      %get3A_1099 = tpu.vector_load %arg9[%get3A_1098] {strides = array<i32>} : memref<128xi32, #tpu.memory_space<vmem>>, vector<16xi32>,
      %get3A_1100 = vector.shape_cast %get3A_1099 : vector<16xi32> to vector<16xi32>
      %mul3A_1101 = arith.constant 10000 : i32
      %mul3A_1102 = vector.broadcast %mul3A_1101 : i32 to vector<16xi32>
      %mul3A_1103 = arith.muli %get3A_1100, %mul3A_1102 : vector<16xi32>
      %get3A_1104 = arith.constant 16 : index
      %get3A_1105 = tpu.vector_load %arg8[%get3A_1104] {strides = array<i32>} : memref<128xi32, #tpu.memory_space<vmem>>, vector<16xi32>,
      %get3A_1106 = vector.shape_cast %get3A_1105 : vector<16xi32> to vector<16xi32>
      %add3A_1107 = arith.addi %mul3A_1103, %get3A_1106 : vector<16xi32>
      %swap3A_1108 = arith.constant 16 : index
      %swap3A_1109 = tpu.vector_load %arg10[%swap3A_1108] {strides = array<i32>} : memref<128xi32, #tpu.memory_space<vmem>>, vector<16xi32>,
      %swap3A_1110 = vector.shape_cast %swap3A_1109 : vector<16xi32> to vector<16xi32>
      %swap3A_1111 = vector.shape_cast %add3A_1107 : vector<16xi32> to vector<16xi32>
      tpu.vector_store %arg10[%swap3A_1108], %swap3A_1111 {strides = array<i32>} : memref<128xi32, #tpu.memory_space<vmem>>, vector<16xi32>,
      %get3A_1112 = arith.constant 32 : index
      %get3A_1113 = tpu.vector_load %arg9[%get3A_1112] {strides = array<i32>} : memref<128xi32, #tpu.memory_space<vmem>>, vector<16xi32>,
      %get3A_1114 = vector.shape_cast %get3A_1113 : vector<16xi32> to vector<16xi32>
      %mul3A_1115 = arith.constant 10000 : i32
      %mul3A_1116 = vector.broadcast %mul3A_1115 : i32 to vector<16xi32>
      %mul3A_1117 = arith.muli %get3A_1114, %mul3A_1116 : vector<16xi32>
      %get3A_1118 = arith.constant 32 : index
      %get3A_1119 = tpu.vector_load %arg8[%get3A_1118] {strides = array<i32>} : memref<128xi32, #tpu.memory_space<vmem>>, vector<16xi32>,
      %get3A_1120 = vector.shape_cast %get3A_1119 : vector<16xi32> to vector<16xi32>
      %add3A_1121 = arith.addi %mul3A_1117, %get3A_1120 : vector<16xi32>
      %swap3A_1122 = arith.constant 32 : index
      %swap3A_1123 = tpu.vector_load %arg10[%swap3A_1122] {strides = array<i32>} : memref<128xi32, #tpu.memory_space<vmem>>, vector<16xi32>,
      %swap3A_1124 = vector.shape_cast %swap3A_1123 : vector<16xi32> to vector<16xi32>
      %swap3A_1125 = vector.shape_cast %add3A_1121 : vector<16xi32> to vector<16xi32>
      tpu.vector_store %arg10[%swap3A_1122], %swap3A_1125 {strides = array<i32>} : memref<128xi32, #tpu.memory_space<vmem>>, vector<16xi32>,
      %get3A_1126 = arith.constant 48 : index
      %get3A_1127 = tpu.vector_load %arg9[%get3A_1126] {strides = array<i32>} : memref<128xi32, #tpu.memory_space<vmem>>, vector<16xi32>,
      %get3A_1128 = vector.shape_cast %get3A_1127 : vector<16xi32> to vector<16xi32>
      %mul3A_1129 = arith.constant 10000 : i32
      %mul3A_1130 = vector.broadcast %mul3A_1129 : i32 to vector<16xi32>
      %mul3A_1131 = arith.muli %get3A_1128, %mul3A_1130 : vector<16xi32>
      %get3A_1132 = arith.constant 48 : index
      %get3A_1133 = tpu.vector_load %arg8[%get3A_1132] {strides = array<i32>} : memref<128xi32, #tpu.memory_space<vmem>>, vector<16xi32>,
      %get3A_1134 = vector.shape_cast %get3A_1133 : vector<16xi32> to vector<16xi32>
      %add3A_1135 = arith.addi %mul3A_1131, %get3A_1134 : vector<16xi32>
      %swap3A_1136 = arith.constant 48 : index
      %swap3A_1137 = tpu.vector_load %arg10[%swap3A_1136] {strides = array<i32>} : memref<128xi32, #tpu.memory_space<vmem>>, vector<16xi32>,
      %swap3A_1138 = vector.shape_cast %swap3A_1137 : vector<16xi32> to vector<16xi32>
      %swap3A_1139 = vector.shape_cast %add3A_1135 : vector<16xi32> to vector<16xi32>
      tpu.vector_store %arg10[%swap3A_1136], %swap3A_1139 {strides = array<i32>} : memref<128xi32, #tpu.memory_space<vmem>>, vector<16xi32>,
      %get3A_1140 = arith.constant 64 : index
      %get3A_1141 = tpu.vector_load %arg9[%get3A_1140] {strides = array<i32>} : memref<128xi32, #tpu.memory_space<vmem>>, vector<16xi32>,
      %get3A_1142 = vector.shape_cast %get3A_1141 : vector<16xi32> to vector<16xi32>
      %mul3A_1143 = arith.constant 10000 : i32
      %mul3A_1144 = vector.broadcast %mul3A_1143 : i32 to vector<16xi32>
      %mul3A_1145 = arith.muli %get3A_1142, %mul3A_1144 : vector<16xi32>
      %get3A_1146 = arith.constant 64 : index
      %get3A_1147 = tpu.vector_load %arg8[%get3A_1146] {strides = array<i32>} : memref<128xi32, #tpu.memory_space<vmem>>, vector<16xi32>,
      %get3A_1148 = vector.shape_cast %get3A_1147 : vector<16xi32> to vector<16xi32>
      %add3A_1149 = arith.addi %mul3A_1145, %get3A_1148 : vector<16xi32>
      %swap3A_1150 = arith.constant 64 : index
      %swap3A_1151 = tpu.vector_load %arg10[%swap3A_1150] {strides = array<i32>} : memref<128xi32, #tpu.memory_space<vmem>>, vector<16xi32>,
      %swap3A_1152 = vector.shape_cast %swap3A_1151 : vector<16xi32> to vector<16xi32>
      %swap3A_1153 = vector.shape_cast %add3A_1149 : vector<16xi32> to vector<16xi32>
      tpu.vector_store %arg10[%swap3A_1150], %swap3A_1153 {strides = array<i32>} : memref<128xi32, #tpu.memory_space<vmem>>, vector<16xi32>,
      %get3A_1154 = arith.constant 80 : index
      %get3A_1155 = tpu.vector_load %arg9[%get3A_1154] {strides = array<i32>} : memref<128xi32, #tpu.memory_space<vmem>>, vector<16xi32>,
      %get3A_1156 = vector.shape_cast %get3A_1155 : vector<16xi32> to vector<16xi32>
      %mul3A_1157 = arith.constant 10000 : i32
      %mul3A_1158 = vector.broadcast %mul3A_1157 : i32 to vector<16xi32>
      %mul3A_1159 = arith.muli %get3A_1156, %mul3A_1158 : vector<16xi32>
      %get3A_1160 = arith.constant 80 : index
      %get3A_1161 = tpu.vector_load %arg8[%get3A_1160] {strides = array<i32>} : memref<128xi32, #tpu.memory_space<vmem>>, vector<16xi32>,
      %get3A_1162 = vector.shape_cast %get3A_1161 : vector<16xi32> to vector<16xi32>
      %add3A_1163 = arith.addi %mul3A_1159, %get3A_1162 : vector<16xi32>
      %swap3A_1164 = arith.constant 80 : index
      %swap3A_1165 = tpu.vector_load %arg10[%swap3A_1164] {strides = array<i32>} : memref<128xi32, #tpu.memory_space<vmem>>, vector<16xi32>,
      %swap3A_1166 = vector.shape_cast %swap3A_1165 : vector<16xi32> to vector<16xi32>
      %swap3A_1167 = vector.shape_cast %add3A_1163 : vector<16xi32> to vector<16xi32>
      tpu.vector_store %arg10[%swap3A_1164], %swap3A_1167 {strides = array<i32>} : memref<128xi32, #tpu.memory_space<vmem>>, vector<16xi32>,
      %get3A_1168 = arith.constant 96 : index
      %get3A_1169 = tpu.vector_load %arg9[%get3A_1168] {strides = array<i32>} : memref<128xi32, #tpu.memory_space<vmem>>, vector<16xi32>,
      %get3A_1170 = vector.shape_cast %get3A_1169 : vector<16xi32> to vector<16xi32>
      %mul3A_1171 = arith.constant 10000 : i32
      %mul3A_1172 = vector.broadcast %mul3A_1171 : i32 to vector<16xi32>
      %mul3A_1173 = arith.muli %get3A_1170, %mul3A_1172 : vector<16xi32>
      %get3A_1174 = arith.constant 96 : index
      %get3A_1175 = tpu.vector_load %arg8[%get3A_1174] {strides = array<i32>} : memref<128xi32, #tpu.memory_space<vmem>>, vector<16xi32>,
      %get3A_1176 = vector.shape_cast %get3A_1175 : vector<16xi32> to vector<16xi32>
      %add3A_1177 = arith.addi %mul3A_1173, %get3A_1176 : vector<16xi32>
      %swap3A_1178 = arith.constant 96 : index
      %swap3A_1179 = tpu.vector_load %arg10[%swap3A_1178] {strides = array<i32>} : memref<128xi32, #tpu.memory_space<vmem>>, vector<16xi32>,
      %swap3A_1180 = vector.shape_cast %swap3A_1179 : vector<16xi32> to vector<16xi32>
      %swap3A_1181 = vector.shape_cast %add3A_1177 : vector<16xi32> to vector<16xi32>
      tpu.vector_store %arg10[%swap3A_1178], %swap3A_1181 {strides = array<i32>} : memref<128xi32, #tpu.memory_space<vmem>>, vector<16xi32>,
      %get3A_1182 = arith.constant 112 : index
      %get3A_1183 = tpu.vector_load %arg9[%get3A_1182] {strides = array<i32>} : memref<128xi32, #tpu.memory_space<vmem>>, vector<16xi32>,
      %get3A_1184 = vector.shape_cast %get3A_1183 : vector<16xi32> to vector<16xi32>
      %mul3A_1185 = arith.constant 10000 : i32
      %mul3A_1186 = vector.broadcast %mul3A_1185 : i32 to vector<16xi32>
      %mul3A_1187 = arith.muli %get3A_1184, %mul3A_1186 : vector<16xi32>
      %get3A_1188 = arith.constant 112 : index
      %get3A_1189 = tpu.vector_load %arg8[%get3A_1188] {strides = array<i32>} : memref<128xi32, #tpu.memory_space<vmem>>, vector<16xi32>,
      %get3A_1190 = vector.shape_cast %get3A_1189 : vector<16xi32> to vector<16xi32>
      %add3A_1191 = arith.addi %mul3A_1187, %get3A_1190 : vector<16xi32>
      %swap3A_1192 = arith.constant 112 : index
      %swap3A_1193 = tpu.vector_load %arg10[%swap3A_1192] {strides = array<i32>} : memref<128xi32, #tpu.memory_space<vmem>>, vector<16xi32>,
      %swap3A_1194 = vector.shape_cast %swap3A_1193 : vector<16xi32> to vector<16xi32>
      %swap3A_1195 = vector.shape_cast %add3A_1191 : vector<16xi32> to vector<16xi32>
      tpu.vector_store %arg10[%swap3A_1192], %swap3A_1195 {strides = array<i32>} : memref<128xi32, #tpu.memory_space<vmem>>, vector<16xi32>,
      %dma_start3A = arith.constant 0 : i32
      %dma_start3A_1196 = arith.constant 0 : i32
      %dma_start3A_1197 = tpu.memref_slice %arg2[%dma_start3A, %dma_start3A_1196] : memref<80000x128xf32, #tpu.memory_space<hbm>> -> memref<80000x128xf32, #tpu.memory_space<hbm>>
      tpu.enqueue_indirect_dma source(%dma_start3A_1197 : memref<80000x128xf32, #tpu.memory_space<hbm>>) target(%arg12 : memref<128x128xf32, #tpu.memory_space<vmem>>) offsets(%arg10 : memref<128xi32, #tpu.memory_space<vmem>>) semaphore(%arg14 : memref<!tpu.dma_semaphore, #tpu.memory_space<semaphore_mem>>)
      %dma_wait3A = arith.constant 0 : i32
      %dma_wait3A_1198 = arith.constant 0 : i32
      %dma_wait3A_1199 = tpu.memref_slice %arg2[%dma_wait3A, %dma_wait3A_1198] : memref<80000x128xf32, #tpu.memory_space<hbm>> -> memref<80000x128xf32, #tpu.memory_space<hbm>>
      tpu.wait_indirect_dma semaphore(%arg14 : memref<!tpu.dma_semaphore, #tpu.memory_space<semaphore_mem>>) src(%dma_wait3A_1199 : memref<80000x128xf32, #tpu.memory_space<hbm>>) dst(%arg12 : memref<128x128xf32, #tpu.memory_space<vmem>>)
      "tpu.region"() ({
        %run_scoped3A = tpu.sem_alloc : memref<!tpu.dma_semaphore, #tpu.memory_space<semaphore_mem>>
        %dma_start3A_1200 = arith.constant 0 : i32
        %dma_start3A_1201 = arith.constant 0 : i32
        %dma_start3A_1202 = tpu.memref_slice %arg7[%dma_start3A_1200, %dma_start3A_1201] : memref<10000x128xf32, #tpu.memory_space<vmem_shared>> -> memref<10000x128xf32, #tpu.memory_space<vmem_shared>>
        tpu.enqueue_indirect_dma source(%arg12 : memref<128x128xf32, #tpu.memory_space<vmem>>) target(%dma_start3A_1202 : memref<10000x128xf32, #tpu.memory_space<vmem_shared>>) offsets(%arg11 : memref<128xi32, #tpu.memory_space<vmem>>) semaphore(%run_scoped3A : memref<!tpu.dma_semaphore, #tpu.memory_space<semaphore_mem>>) {add = true}
        %dma_wait3A_1203 = arith.constant 0 : i32
        %dma_wait3A_1204 = arith.constant 0 : i32
        %dma_wait3A_1205 = tpu.memref_slice %arg7[%dma_wait3A_1203, %dma_wait3A_1204] : memref<10000x128xf32, #tpu.memory_space<vmem_shared>> -> memref<10000x128xf32, #tpu.memory_space<vmem_shared>>
        tpu.wait_indirect_dma semaphore(%run_scoped3A : memref<!tpu.dma_semaphore, #tpu.memory_space<semaphore_mem>>) src(%arg12 : memref<128x128xf32, #tpu.memory_space<vmem>>) dst(%dma_wait3A_1205 : memref<10000x128xf32, #tpu.memory_space<vmem_shared>>)
        tpu.yield
      }) : () -> ()
    }
    %barrier3A_1068 = arith.constant 0 : index
    tpu.barrier barrier_id(%barrier3A_1068)
    %while3A_1069 = arith.constant 0 : i32
    %while3A_1070 = arith.constant 0 : i32
    %while3A_1071 = arith.subi %select_n3A_22, %while3A_1070 : i32
    %while3A_1072 = arith.addi %while3A_1070, %while3A_1071 : i32
    %while3A_1073 = arith.constant 1 : i32
    %while3A_1074 = arith.divsi %while3A_1071, %while3A_1073 : i32
    %while3A_1075 = arith.muli %while3A_1074, %while3A_1073 : i32
    %while3A_1076 = arith.addi %while3A_1070, %while3A_1075 : i32
    %while3A_1077 = arith.constant 1 : i32
    scf.for %while3A_1079 = %while3A_1070 to %while3A_1076 step %while3A_1077  : i32 {
      %mul3A_1080 = arith.constant 16 : i32
      %mul3A_1081 = arith.muli %while3A_1079, %mul3A_1080 : i32
      %add3A_1082 = arith.addi %mul3A_2, %mul3A_1081 : i32
      %mul3A_1083 = arith.constant 16 : i32
      %mul3A_1084 = arith.muli %while3A_1079, %mul3A_1083 : i32
      %add3A_1085 = arith.addi %mul3A_2, %mul3A_1084 : i32
      "tpu.region"() ({
        %run_scoped3A = tpu.sem_alloc : memref<!tpu.dma_semaphore, #tpu.memory_space<semaphore_mem>>
        %dma_start3A = arith.constant 0 : i32
        %dma_start3A_1086 = tpu.memref_slice %arg6[%arg0, %add3A_1085, %dma_start3A] : memref<2x10000x128xf32, #tpu.memory_space<hbm>> -> memref<1x16x128xf32, #tpu.memory_space<hbm>>
        %dma_start3A_1087 = tpu.memref_squeeze %dma_start3A_1086 : memref<1x16x128xf32, #tpu.memory_space<hbm>> -> memref<16x128xf32, #tpu.memory_space<hbm>>
        %dma_start3A_1088 = arith.constant 0 : i32
        %dma_start3A_1089 = tpu.memref_slice %arg7[%add3A_1082, %dma_start3A_1088] : memref<10000x128xf32, #tpu.memory_space<vmem_shared>> -> memref<16x128xf32, #tpu.memory_space<vmem_shared>>
        tpu.enqueue_dma source(%dma_start3A_1089 : memref<16x128xf32, #tpu.memory_space<vmem_shared>>) target(%dma_start3A_1087 : memref<16x128xf32, #tpu.memory_space<hbm>>) target_semaphore(%run_scoped3A : memref<!tpu.dma_semaphore, #tpu.memory_space<semaphore_mem>>)
        %dma_wait3A = arith.constant 0 : i32
        %dma_wait3A_1090 = tpu.memref_slice %arg6[%arg0, %add3A_1085, %dma_wait3A] : memref<2x10000x128xf32, #tpu.memory_space<hbm>> -> memref<1x16x128xf32, #tpu.memory_space<hbm>>
        %dma_wait3A_1091 = tpu.memref_squeeze %dma_wait3A_1090 : memref<1x16x128xf32, #tpu.memory_space<hbm>> -> memref<16x128xf32, #tpu.memory_space<hbm>>
        %dma_wait3A_1092 = arith.constant 0 : i32
        %dma_wait3A_1093 = tpu.memref_slice %arg7[%add3A_1082, %dma_wait3A_1092] : memref<10000x128xf32, #tpu.memory_space<vmem_shared>> -> memref<16x128xf32, #tpu.memory_space<vmem_shared>>
        tpu.wait_dma2 semaphore(%run_scoped3A : memref<!tpu.dma_semaphore, #tpu.memory_space<semaphore_mem>>) src(%dma_wait3A_1093 : memref<16x128xf32, #tpu.memory_space<vmem_shared>>) dst(%dma_wait3A_1091 : memref<16x128xf32, #tpu.memory_space<hbm>>)
        tpu.yield
      }) : () -> ()
    }
    %while3A_1078 = arith.constant 1 : i32
    scf.for %while3A_1079 = %while3A_1076 to %while3A_1072 step %while3A_1078  : i32 {
      %mul3A_1080 = arith.constant 16 : i32
      %mul3A_1081 = arith.muli %while3A_1079, %mul3A_1080 : i32
      %add3A_1082 = arith.addi %mul3A_2, %mul3A_1081 : i32
      %mul3A_1083 = arith.constant 16 : i32
      %mul3A_1084 = arith.muli %while3A_1079, %mul3A_1083 : i32
      %add3A_1085 = arith.addi %mul3A_2, %mul3A_1084 : i32
      "tpu.region"() ({
        %run_scoped3A = tpu.sem_alloc : memref<!tpu.dma_semaphore, #tpu.memory_space<semaphore_mem>>
        %dma_start3A = arith.constant 0 : i32
        %dma_start3A_1086 = tpu.memref_slice %arg6[%arg0, %add3A_1085, %dma_start3A] : memref<2x10000x128xf32, #tpu.memory_space<hbm>> -> memref<1x16x128xf32, #tpu.memory_space<hbm>>
        %dma_start3A_1087 = tpu.memref_squeeze %dma_start3A_1086 : memref<1x16x128xf32, #tpu.memory_space<hbm>> -> memref<16x128xf32, #tpu.memory_space<hbm>>
        %dma_start3A_1088 = arith.constant 0 : i32
        %dma_start3A_1089 = tpu.memref_slice %arg7[%add3A_1082, %dma_start3A_1088] : memref<10000x128xf32, #tpu.memory_space<vmem_shared>> -> memref<16x128xf32, #tpu.memory_space<vmem_shared>>
        tpu.enqueue_dma source(%dma_start3A_1089 : memref<16x128xf32, #tpu.memory_space<vmem_shared>>) target(%dma_start3A_1087 : memref<16x128xf32, #tpu.memory_space<hbm>>) target_semaphore(%run_scoped3A : memref<!tpu.dma_semaphore, #tpu.memory_space<semaphore_mem>>)
        %dma_wait3A = arith.constant 0 : i32
        %dma_wait3A_1090 = tpu.memref_slice %arg6[%arg0, %add3A_1085, %dma_wait3A] : memref<2x10000x128xf32, #tpu.memory_space<hbm>> -> memref<1x16x128xf32, #tpu.memory_space<hbm>>
        %dma_wait3A_1091 = tpu.memref_squeeze %dma_wait3A_1090 : memref<1x16x128xf32, #tpu.memory_space<hbm>> -> memref<16x128xf32, #tpu.memory_space<hbm>>
        %dma_wait3A_1092 = arith.constant 0 : i32
        %dma_wait3A_1093 = tpu.memref_slice %arg7[%add3A_1082, %dma_wait3A_1092] : memref<10000x128xf32, #tpu.memory_space<vmem_shared>> -> memref<16x128xf32, #tpu.memory_space<vmem_shared>>
        tpu.wait_dma2 semaphore(%run_scoped3A : memref<!tpu.dma_semaphore, #tpu.memory_space<semaphore_mem>>) src(%dma_wait3A_1093 : memref<16x128xf32, #tpu.memory_space<vmem_shared>>) dst(%dma_wait3A_1091 : memref<16x128xf32, #tpu.memory_space<hbm>>)
        tpu.yield
      }) : () -> ()
    }
    return
  }
}

#map = affine_map<(d0, d1) -> (0, 0)>
#map1 = affine_map<(d0, d1) -> (0)>
module attributes {stable_mosaic.version = 14 : i64} {
  func.func @score_k(%arg0: i32, %arg1: i32, %arg2: memref<10000x128xf32, #tpu.memory_space<hbm>>, %arg3: memref<8x128xf32, #tpu.memory_space<hbm>>, %arg4: memref<16384xi32, #tpu.memory_space<hbm>>, %arg5: memref<16384xi32, #tpu.memory_space<hbm>>, %arg6: memref<16384xi32, #tpu.memory_space<hbm>>, %arg7: memref<16384xi32, #tpu.memory_space<hbm>>, %arg8: memref<16384xi32, #tpu.memory_space<hbm>>, %arg9: memref<16384xi32, #tpu.memory_space<hbm>>, %arg10: memref<262144xf32, #tpu.memory_space<hbm>>, %arg11: memref<262144xf32, #tpu.memory_space<hbm>>, %arg12: memref<128xi32, #tpu.memory_space<vmem>>, %arg13: memref<128xi32, #tpu.memory_space<vmem>>, %arg14: memref<128xi32, #tpu.memory_space<vmem>>, %arg15: memref<128x128xf32, #tpu.memory_space<vmem>>, %arg16: memref<128x128xf32, #tpu.memory_space<vmem>>, %arg17: memref<128x128xf32, #tpu.memory_space<vmem>>, %arg18: memref<2048xf32, #tpu.memory_space<vmem>>, %arg19: memref<!tpu.dma_semaphore, #tpu.memory_space<semaphore_mem>>) attributes {dimension_semantics = [#tpu.dimension_semantics<core_parallel>, #tpu.dimension_semantics<subcore_parallel>], iteration_bounds = array<i64: 2, 16>, scalar_prefetch = 0 : i64, scratch_operands = 8 : i64, tpu.core_type = #tpu.core_type<sc_vector_subcore>, window_params = [{transform_indices = #map}, {transform_indices = #map}, {transform_indices = #map1}, {transform_indices = #map1}, {transform_indices = #map1}, {transform_indices = #map1}, {transform_indices = #map1}, {transform_indices = #map1}, {transform_indices = #map1}, {transform_indices = #map1}]} {
    %mul3A = arith.constant 2 : i32
    %mul3A_0 = arith.muli %arg1, %mul3A : i32
    %add3A = arith.addi %mul3A_0, %arg0 : i32
    %scan3A = arith.constant 0 : i32
    %scan3A_1 = arith.constant 0 : i32
    %scan3A_2 = arith.constant 4 : i32
    %scan3A_3 = arith.addi %scan3A_1, %scan3A_2 : i32
    %scan3A_4 = arith.constant 1 : i32
    scf.for %scan3A_12 = %scan3A_1 to %scan3A_3 step %scan3A_4  : i32 {
      %mul3A_13 = arith.constant 4 : i32
      %mul3A_14 = arith.muli %add3A, %mul3A_13 : i32
      %add3A_15 = arith.addi %mul3A_14, %scan3A_12 : i32
      %mul3A_16 = arith.constant 128 : i32
      %mul3A_17 = arith.muli %add3A_15, %mul3A_16 : i32
      "tpu.region"() ({
        %run_scoped3A = tpu.sem_alloc : memref<!tpu.dma_semaphore, #tpu.memory_space<semaphore_mem>>
        %dma_start3A_42 = tpu.memref_slice %arg4[%mul3A_17] : memref<16384xi32, #tpu.memory_space<hbm>> -> memref<128xi32, #tpu.memory_space<hbm>>
        %dma_start3A_43 = tpu.memref_slice %arg4[%mul3A_17] : memref<16384xi32, #tpu.memory_space<hbm>> -> memref<128xi32, #tpu.memory_space<hbm>>
        tpu.enqueue_dma source(%dma_start3A_43 : memref<128xi32, #tpu.memory_space<hbm>>) target(%arg12 : memref<128xi32, #tpu.memory_space<vmem>>) target_semaphore(%run_scoped3A : memref<!tpu.dma_semaphore, #tpu.memory_space<semaphore_mem>>)
        %dma_wait3A_44 = tpu.memref_slice %arg4[%mul3A_17] : memref<16384xi32, #tpu.memory_space<hbm>> -> memref<128xi32, #tpu.memory_space<hbm>>
        %dma_wait3A_45 = tpu.memref_slice %arg4[%mul3A_17] : memref<16384xi32, #tpu.memory_space<hbm>> -> memref<128xi32, #tpu.memory_space<hbm>>
        tpu.wait_dma2 semaphore(%run_scoped3A : memref<!tpu.dma_semaphore, #tpu.memory_space<semaphore_mem>>) src(%dma_wait3A_45 : memref<128xi32, #tpu.memory_space<hbm>>) dst(%arg12 : memref<128xi32, #tpu.memory_space<vmem>>)
        tpu.yield
      }) : () -> ()
      "tpu.region"() ({
        %run_scoped3A = tpu.sem_alloc : memref<!tpu.dma_semaphore, #tpu.memory_space<semaphore_mem>>
        %dma_start3A_42 = tpu.memref_slice %arg5[%mul3A_17] : memref<16384xi32, #tpu.memory_space<hbm>> -> memref<128xi32, #tpu.memory_space<hbm>>
        %dma_start3A_43 = tpu.memref_slice %arg5[%mul3A_17] : memref<16384xi32, #tpu.memory_space<hbm>> -> memref<128xi32, #tpu.memory_space<hbm>>
        tpu.enqueue_dma source(%dma_start3A_43 : memref<128xi32, #tpu.memory_space<hbm>>) target(%arg13 : memref<128xi32, #tpu.memory_space<vmem>>) target_semaphore(%run_scoped3A : memref<!tpu.dma_semaphore, #tpu.memory_space<semaphore_mem>>)
        %dma_wait3A_44 = tpu.memref_slice %arg5[%mul3A_17] : memref<16384xi32, #tpu.memory_space<hbm>> -> memref<128xi32, #tpu.memory_space<hbm>>
        %dma_wait3A_45 = tpu.memref_slice %arg5[%mul3A_17] : memref<16384xi32, #tpu.memory_space<hbm>> -> memref<128xi32, #tpu.memory_space<hbm>>
        tpu.wait_dma2 semaphore(%run_scoped3A : memref<!tpu.dma_semaphore, #tpu.memory_space<semaphore_mem>>) src(%dma_wait3A_45 : memref<128xi32, #tpu.memory_space<hbm>>) dst(%arg13 : memref<128xi32, #tpu.memory_space<vmem>>)
        tpu.yield
      }) : () -> ()
      "tpu.region"() ({
        %run_scoped3A = tpu.sem_alloc : memref<!tpu.dma_semaphore, #tpu.memory_space<semaphore_mem>>
        %dma_start3A_42 = tpu.memref_slice %arg6[%mul3A_17] : memref<16384xi32, #tpu.memory_space<hbm>> -> memref<128xi32, #tpu.memory_space<hbm>>
        %dma_start3A_43 = tpu.memref_slice %arg6[%mul3A_17] : memref<16384xi32, #tpu.memory_space<hbm>> -> memref<128xi32, #tpu.memory_space<hbm>>
        tpu.enqueue_dma source(%dma_start3A_43 : memref<128xi32, #tpu.memory_space<hbm>>) target(%arg14 : memref<128xi32, #tpu.memory_space<vmem>>) target_semaphore(%run_scoped3A : memref<!tpu.dma_semaphore, #tpu.memory_space<semaphore_mem>>)
        %dma_wait3A_44 = tpu.memref_slice %arg6[%mul3A_17] : memref<16384xi32, #tpu.memory_space<hbm>> -> memref<128xi32, #tpu.memory_space<hbm>>
        %dma_wait3A_45 = tpu.memref_slice %arg6[%mul3A_17] : memref<16384xi32, #tpu.memory_space<hbm>> -> memref<128xi32, #tpu.memory_space<hbm>>
        tpu.wait_dma2 semaphore(%run_scoped3A : memref<!tpu.dma_semaphore, #tpu.memory_space<semaphore_mem>>) src(%dma_wait3A_45 : memref<128xi32, #tpu.memory_space<hbm>>) dst(%arg14 : memref<128xi32, #tpu.memory_space<vmem>>)
        tpu.yield
      }) : () -> ()
      %dma_start3A = arith.constant 0 : i32
      %dma_start3A_18 = arith.constant 0 : i32
      %dma_start3A_19 = tpu.memref_slice %arg2[%dma_start3A, %dma_start3A_18] : memref<10000x128xf32, #tpu.memory_space<hbm>> -> memref<10000x128xf32, #tpu.memory_space<hbm>>
      tpu.enqueue_indirect_dma source(%dma_start3A_19 : memref<10000x128xf32, #tpu.memory_space<hbm>>) target(%arg15 : memref<128x128xf32, #tpu.memory_space<vmem>>) offsets(%arg12 : memref<128xi32, #tpu.memory_space<vmem>>) semaphore(%arg19 : memref<!tpu.dma_semaphore, #tpu.memory_space<semaphore_mem>>)
      %dma_wait3A = arith.constant 0 : i32
      %dma_wait3A_20 = arith.constant 0 : i32
      %dma_wait3A_21 = tpu.memref_slice %arg2[%dma_wait3A, %dma_wait3A_20] : memref<10000x128xf32, #tpu.memory_space<hbm>> -> memref<10000x128xf32, #tpu.memory_space<hbm>>
      tpu.wait_indirect_dma semaphore(%arg19 : memref<!tpu.dma_semaphore, #tpu.memory_space<semaphore_mem>>) src(%dma_wait3A_21 : memref<10000x128xf32, #tpu.memory_space<hbm>>) dst(%arg15 : memref<128x128xf32, #tpu.memory_space<vmem>>)
      %dma_start3A_22 = arith.constant 0 : i32
      %dma_start3A_23 = arith.constant 0 : i32
      %dma_start3A_24 = tpu.memref_slice %arg3[%dma_start3A_22, %dma_start3A_23] : memref<8x128xf32, #tpu.memory_space<hbm>> -> memref<8x128xf32, #tpu.memory_space<hbm>>
      tpu.enqueue_indirect_dma source(%dma_start3A_24 : memref<8x128xf32, #tpu.memory_space<hbm>>) target(%arg16 : memref<128x128xf32, #tpu.memory_space<vmem>>) offsets(%arg13 : memref<128xi32, #tpu.memory_space<vmem>>) semaphore(%arg19 : memref<!tpu.dma_semaphore, #tpu.memory_space<semaphore_mem>>)
      %dma_wait3A_25 = arith.constant 0 : i32
      %dma_wait3A_26 = arith.constant 0 : i32
      %dma_wait3A_27 = tpu.memref_slice %arg3[%dma_wait3A_25, %dma_wait3A_26] : memref<8x128xf32, #tpu.memory_space<hbm>> -> memref<8x128xf32, #tpu.memory_space<hbm>>
      tpu.wait_indirect_dma semaphore(%arg19 : memref<!tpu.dma_semaphore, #tpu.memory_space<semaphore_mem>>) src(%dma_wait3A_27 : memref<8x128xf32, #tpu.memory_space<hbm>>) dst(%arg16 : memref<128x128xf32, #tpu.memory_space<vmem>>)
      %dma_start3A_28 = arith.constant 0 : i32
      %dma_start3A_29 = arith.constant 0 : i32
      %dma_start3A_30 = tpu.memref_slice %arg2[%dma_start3A_28, %dma_start3A_29] : memref<10000x128xf32, #tpu.memory_space<hbm>> -> memref<10000x128xf32, #tpu.memory_space<hbm>>
      tpu.enqueue_indirect_dma source(%dma_start3A_30 : memref<10000x128xf32, #tpu.memory_space<hbm>>) target(%arg17 : memref<128x128xf32, #tpu.memory_space<vmem>>) offsets(%arg14 : memref<128xi32, #tpu.memory_space<vmem>>) semaphore(%arg19 : memref<!tpu.dma_semaphore, #tpu.memory_space<semaphore_mem>>)
      %dma_wait3A_31 = arith.constant 0 : i32
      %dma_wait3A_32 = arith.constant 0 : i32
      %dma_wait3A_33 = tpu.memref_slice %arg2[%dma_wait3A_31, %dma_wait3A_32] : memref<10000x128xf32, #tpu.memory_space<hbm>> -> memref<10000x128xf32, #tpu.memory_space<hbm>>
      tpu.wait_indirect_dma semaphore(%arg19 : memref<!tpu.dma_semaphore, #tpu.memory_space<semaphore_mem>>) src(%dma_wait3A_33 : memref<10000x128xf32, #tpu.memory_space<hbm>>) dst(%arg17 : memref<128x128xf32, #tpu.memory_space<vmem>>)
      %scan3A_34 = arith.constant 0 : i32
      %scan3A_35 = arith.constant 0 : i32
      %scan3A_36 = arith.constant 128 : i32
      %scan3A_37 = arith.addi %scan3A_35, %scan3A_36 : i32
      %scan3A_38 = arith.constant 1 : i32
      scf.for %scan3A_42 = %scan3A_35 to %scan3A_37 step %scan3A_38  : i32 {
        %broadcast_in_dim3A = arith.constant 0.000000e+00 : f32
        %broadcast_in_dim3A_43 = vector.broadcast %broadcast_in_dim3A : f32 to vector<16xf32>
        %get3A = arith.index_cast %scan3A_42 : i32 to index
        %get3A_44 = arith.constant 0 : index
        %get3A_45 = tpu.vector_load %arg15[%get3A, %get3A_44] {strides = array<i32>} : memref<128x128xf32, #tpu.memory_space<vmem>>, vector<1x16xf32>,
        %get3A_46 = vector.shape_cast %get3A_45 : vector<1x16xf32> to vector<16xf32>
        %get3A_47 = arith.index_cast %scan3A_42 : i32 to index
        %get3A_48 = arith.constant 0 : index
        %get3A_49 = tpu.vector_load %arg16[%get3A_47, %get3A_48] {strides = array<i32>} : memref<128x128xf32, #tpu.memory_space<vmem>>, vector<1x16xf32>,
        %get3A_50 = vector.shape_cast %get3A_49 : vector<1x16xf32> to vector<16xf32>
        %add3A_51 = arith.addf %get3A_46, %get3A_50 : vector<16xf32>
        %get3A_52 = arith.index_cast %scan3A_42 : i32 to index
        %get3A_53 = arith.constant 0 : index
        %get3A_54 = tpu.vector_load %arg17[%get3A_52, %get3A_53] {strides = array<i32>} : memref<128x128xf32, #tpu.memory_space<vmem>>, vector<1x16xf32>,
        %get3A_55 = vector.shape_cast %get3A_54 : vector<1x16xf32> to vector<16xf32>
        %sub3A = arith.subf %add3A_51, %get3A_55 : vector<16xf32>
        %mul3A_56 = arith.mulf %sub3A, %sub3A : vector<16xf32>
        %add3A_57 = arith.addf %broadcast_in_dim3A_43, %mul3A_56 : vector<16xf32>
        %get3A_58 = arith.index_cast %scan3A_42 : i32 to index
        %get3A_59 = arith.constant 16 : index
        %get3A_60 = tpu.vector_load %arg15[%get3A_58, %get3A_59] {strides = array<i32>} : memref<128x128xf32, #tpu.memory_space<vmem>>, vector<1x16xf32>,
        %get3A_61 = vector.shape_cast %get3A_60 : vector<1x16xf32> to vector<16xf32>
        %get3A_62 = arith.index_cast %scan3A_42 : i32 to index
        %get3A_63 = arith.constant 16 : index
        %get3A_64 = tpu.vector_load %arg16[%get3A_62, %get3A_63] {strides = array<i32>} : memref<128x128xf32, #tpu.memory_space<vmem>>, vector<1x16xf32>,
        %get3A_65 = vector.shape_cast %get3A_64 : vector<1x16xf32> to vector<16xf32>
        %add3A_66 = arith.addf %get3A_61, %get3A_65 : vector<16xf32>
        %get3A_67 = arith.index_cast %scan3A_42 : i32 to index
        %get3A_68 = arith.constant 16 : index
        %get3A_69 = tpu.vector_load %arg17[%get3A_67, %get3A_68] {strides = array<i32>} : memref<128x128xf32, #tpu.memory_space<vmem>>, vector<1x16xf32>,
        %get3A_70 = vector.shape_cast %get3A_69 : vector<1x16xf32> to vector<16xf32>
        %sub3A_71 = arith.subf %add3A_66, %get3A_70 : vector<16xf32>
        %mul3A_72 = arith.mulf %sub3A_71, %sub3A_71 : vector<16xf32>
        %add3A_73 = arith.addf %add3A_57, %mul3A_72 : vector<16xf32>
        %get3A_74 = arith.index_cast %scan3A_42 : i32 to index
        %get3A_75 = arith.constant 32 : index
        %get3A_76 = tpu.vector_load %arg15[%get3A_74, %get3A_75] {strides = array<i32>} : memref<128x128xf32, #tpu.memory_space<vmem>>, vector<1x16xf32>,
        %get3A_77 = vector.shape_cast %get3A_76 : vector<1x16xf32> to vector<16xf32>
        %get3A_78 = arith.index_cast %scan3A_42 : i32 to index
        %get3A_79 = arith.constant 32 : index
        %get3A_80 = tpu.vector_load %arg16[%get3A_78, %get3A_79] {strides = array<i32>} : memref<128x128xf32, #tpu.memory_space<vmem>>, vector<1x16xf32>,
        %get3A_81 = vector.shape_cast %get3A_80 : vector<1x16xf32> to vector<16xf32>
        %add3A_82 = arith.addf %get3A_77, %get3A_81 : vector<16xf32>
        %get3A_83 = arith.index_cast %scan3A_42 : i32 to index
        %get3A_84 = arith.constant 32 : index
        %get3A_85 = tpu.vector_load %arg17[%get3A_83, %get3A_84] {strides = array<i32>} : memref<128x128xf32, #tpu.memory_space<vmem>>, vector<1x16xf32>,
        %get3A_86 = vector.shape_cast %get3A_85 : vector<1x16xf32> to vector<16xf32>
        %sub3A_87 = arith.subf %add3A_82, %get3A_86 : vector<16xf32>
        %mul3A_88 = arith.mulf %sub3A_87, %sub3A_87 : vector<16xf32>
        %add3A_89 = arith.addf %add3A_73, %mul3A_88 : vector<16xf32>
        %get3A_90 = arith.index_cast %scan3A_42 : i32 to index
        %get3A_91 = arith.constant 48 : index
        %get3A_92 = tpu.vector_load %arg15[%get3A_90, %get3A_91] {strides = array<i32>} : memref<128x128xf32, #tpu.memory_space<vmem>>, vector<1x16xf32>,
        %get3A_93 = vector.shape_cast %get3A_92 : vector<1x16xf32> to vector<16xf32>
        %get3A_94 = arith.index_cast %scan3A_42 : i32 to index
        %get3A_95 = arith.constant 48 : index
        %get3A_96 = tpu.vector_load %arg16[%get3A_94, %get3A_95] {strides = array<i32>} : memref<128x128xf32, #tpu.memory_space<vmem>>, vector<1x16xf32>,
        %get3A_97 = vector.shape_cast %get3A_96 : vector<1x16xf32> to vector<16xf32>
        %add3A_98 = arith.addf %get3A_93, %get3A_97 : vector<16xf32>
        %get3A_99 = arith.index_cast %scan3A_42 : i32 to index
        %get3A_100 = arith.constant 48 : index
        %get3A_101 = tpu.vector_load %arg17[%get3A_99, %get3A_100] {strides = array<i32>} : memref<128x128xf32, #tpu.memory_space<vmem>>, vector<1x16xf32>,
        %get3A_102 = vector.shape_cast %get3A_101 : vector<1x16xf32> to vector<16xf32>
        %sub3A_103 = arith.subf %add3A_98, %get3A_102 : vector<16xf32>
        %mul3A_104 = arith.mulf %sub3A_103, %sub3A_103 : vector<16xf32>
        %add3A_105 = arith.addf %add3A_89, %mul3A_104 : vector<16xf32>
        %get3A_106 = arith.index_cast %scan3A_42 : i32 to index
        %get3A_107 = arith.constant 64 : index
        %get3A_108 = tpu.vector_load %arg15[%get3A_106, %get3A_107] {strides = array<i32>} : memref<128x128xf32, #tpu.memory_space<vmem>>, vector<1x16xf32>,
        %get3A_109 = vector.shape_cast %get3A_108 : vector<1x16xf32> to vector<16xf32>
        %get3A_110 = arith.index_cast %scan3A_42 : i32 to index
        %get3A_111 = arith.constant 64 : index
        %get3A_112 = tpu.vector_load %arg16[%get3A_110, %get3A_111] {strides = array<i32>} : memref<128x128xf32, #tpu.memory_space<vmem>>, vector<1x16xf32>,
        %get3A_113 = vector.shape_cast %get3A_112 : vector<1x16xf32> to vector<16xf32>
        %add3A_114 = arith.addf %get3A_109, %get3A_113 : vector<16xf32>
        %get3A_115 = arith.index_cast %scan3A_42 : i32 to index
        %get3A_116 = arith.constant 64 : index
        %get3A_117 = tpu.vector_load %arg17[%get3A_115, %get3A_116] {strides = array<i32>} : memref<128x128xf32, #tpu.memory_space<vmem>>, vector<1x16xf32>,
        %get3A_118 = vector.shape_cast %get3A_117 : vector<1x16xf32> to vector<16xf32>
        %sub3A_119 = arith.subf %add3A_114, %get3A_118 : vector<16xf32>
        %mul3A_120 = arith.mulf %sub3A_119, %sub3A_119 : vector<16xf32>
        %add3A_121 = arith.addf %add3A_105, %mul3A_120 : vector<16xf32>
        %get3A_122 = arith.index_cast %scan3A_42 : i32 to index
        %get3A_123 = arith.constant 80 : index
        %get3A_124 = tpu.vector_load %arg15[%get3A_122, %get3A_123] {strides = array<i32>} : memref<128x128xf32, #tpu.memory_space<vmem>>, vector<1x16xf32>,
        %get3A_125 = vector.shape_cast %get3A_124 : vector<1x16xf32> to vector<16xf32>
        %get3A_126 = arith.index_cast %scan3A_42 : i32 to index
        %get3A_127 = arith.constant 80 : index
        %get3A_128 = tpu.vector_load %arg16[%get3A_126, %get3A_127] {strides = array<i32>} : memref<128x128xf32, #tpu.memory_space<vmem>>, vector<1x16xf32>,
        %get3A_129 = vector.shape_cast %get3A_128 : vector<1x16xf32> to vector<16xf32>
        %add3A_130 = arith.addf %get3A_125, %get3A_129 : vector<16xf32>
        %get3A_131 = arith.index_cast %scan3A_42 : i32 to index
        %get3A_132 = arith.constant 80 : index
        %get3A_133 = tpu.vector_load %arg17[%get3A_131, %get3A_132] {strides = array<i32>} : memref<128x128xf32, #tpu.memory_space<vmem>>, vector<1x16xf32>,
        %get3A_134 = vector.shape_cast %get3A_133 : vector<1x16xf32> to vector<16xf32>
        %sub3A_135 = arith.subf %add3A_130, %get3A_134 : vector<16xf32>
        %mul3A_136 = arith.mulf %sub3A_135, %sub3A_135 : vector<16xf32>
        %add3A_137 = arith.addf %add3A_121, %mul3A_136 : vector<16xf32>
        %get3A_138 = arith.index_cast %scan3A_42 : i32 to index
        %get3A_139 = arith.constant 96 : index
        %get3A_140 = tpu.vector_load %arg15[%get3A_138, %get3A_139] {strides = array<i32>} : memref<128x128xf32, #tpu.memory_space<vmem>>, vector<1x16xf32>,
        %get3A_141 = vector.shape_cast %get3A_140 : vector<1x16xf32> to vector<16xf32>
        %get3A_142 = arith.index_cast %scan3A_42 : i32 to index
        %get3A_143 = arith.constant 96 : index
        %get3A_144 = tpu.vector_load %arg16[%get3A_142, %get3A_143] {strides = array<i32>} : memref<128x128xf32, #tpu.memory_space<vmem>>, vector<1x16xf32>,
        %get3A_145 = vector.shape_cast %get3A_144 : vector<1x16xf32> to vector<16xf32>
        %add3A_146 = arith.addf %get3A_141, %get3A_145 : vector<16xf32>
        %get3A_147 = arith.index_cast %scan3A_42 : i32 to index
        %get3A_148 = arith.constant 96 : index
        %get3A_149 = tpu.vector_load %arg17[%get3A_147, %get3A_148] {strides = array<i32>} : memref<128x128xf32, #tpu.memory_space<vmem>>, vector<1x16xf32>,
        %get3A_150 = vector.shape_cast %get3A_149 : vector<1x16xf32> to vector<16xf32>
        %sub3A_151 = arith.subf %add3A_146, %get3A_150 : vector<16xf32>
        %mul3A_152 = arith.mulf %sub3A_151, %sub3A_151 : vector<16xf32>
        %add3A_153 = arith.addf %add3A_137, %mul3A_152 : vector<16xf32>
        %get3A_154 = arith.index_cast %scan3A_42 : i32 to index
        %get3A_155 = arith.constant 112 : index
        %get3A_156 = tpu.vector_load %arg15[%get3A_154, %get3A_155] {strides = array<i32>} : memref<128x128xf32, #tpu.memory_space<vmem>>, vector<1x16xf32>,
        %get3A_157 = vector.shape_cast %get3A_156 : vector<1x16xf32> to vector<16xf32>
        %get3A_158 = arith.index_cast %scan3A_42 : i32 to index
        %get3A_159 = arith.constant 112 : index
        %get3A_160 = tpu.vector_load %arg16[%get3A_158, %get3A_159] {strides = array<i32>} : memref<128x128xf32, #tpu.memory_space<vmem>>, vector<1x16xf32>,
        %get3A_161 = vector.shape_cast %get3A_160 : vector<1x16xf32> to vector<16xf32>
        %add3A_162 = arith.addf %get3A_157, %get3A_161 : vector<16xf32>
        %get3A_163 = arith.index_cast %scan3A_42 : i32 to index
        %get3A_164 = arith.constant 112 : index
        %get3A_165 = tpu.vector_load %arg17[%get3A_163, %get3A_164] {strides = array<i32>} : memref<128x128xf32, #tpu.memory_space<vmem>>, vector<1x16xf32>,
        %get3A_166 = vector.shape_cast %get3A_165 : vector<1x16xf32> to vector<16xf32>
        %sub3A_167 = arith.subf %add3A_162, %get3A_166 : vector<16xf32>
        %mul3A_168 = arith.mulf %sub3A_167, %sub3A_167 : vector<16xf32>
        %add3A_169 = arith.addf %add3A_153, %mul3A_168 : vector<16xf32>
        %mul3A_170 = arith.constant 16 : i32
        %mul3A_171 = arith.muli %scan3A_42, %mul3A_170 : i32
        %swap3A = arith.index_cast %mul3A_171 : i32 to index
        %swap3A_172 = tpu.vector_load %arg18[%swap3A] {strides = array<i32>} : memref<2048xf32, #tpu.memory_space<vmem>>, vector<16xf32>,
        %swap3A_173 = vector.shape_cast %swap3A_172 : vector<16xf32> to vector<16xf32>
        %swap3A_174 = vector.shape_cast %add3A_169 : vector<16xf32> to vector<16xf32>
        tpu.vector_store %arg18[%swap3A], %swap3A_174 {strides = array<i32>} : memref<2048xf32, #tpu.memory_space<vmem>>, vector<16xf32>,
      }
      %scan3A_39 = arith.constant 128 : i32
      %mul3A_40 = arith.constant 2048 : i32
      %mul3A_41 = arith.muli %add3A_15, %mul3A_40 : i32
      "tpu.region"() ({
        %run_scoped3A = tpu.sem_alloc : memref<!tpu.dma_semaphore, #tpu.memory_space<semaphore_mem>>
        %dma_start3A_42 = tpu.memref_slice %arg10[%mul3A_41] : memref<262144xf32, #tpu.memory_space<hbm>> -> memref<2048xf32, #tpu.memory_space<hbm>>
        %dma_start3A_43 = tpu.memref_slice %arg10[%mul3A_41] : memref<262144xf32, #tpu.memory_space<hbm>> -> memref<2048xf32, #tpu.memory_space<hbm>>
        tpu.enqueue_dma source(%arg18 : memref<2048xf32, #tpu.memory_space<vmem>>) target(%dma_start3A_43 : memref<2048xf32, #tpu.memory_space<hbm>>) target_semaphore(%run_scoped3A : memref<!tpu.dma_semaphore, #tpu.memory_space<semaphore_mem>>)
        %dma_wait3A_44 = tpu.memref_slice %arg10[%mul3A_41] : memref<262144xf32, #tpu.memory_space<hbm>> -> memref<2048xf32, #tpu.memory_space<hbm>>
        %dma_wait3A_45 = tpu.memref_slice %arg10[%mul3A_41] : memref<262144xf32, #tpu.memory_space<hbm>> -> memref<2048xf32, #tpu.memory_space<hbm>>
        tpu.wait_dma2 semaphore(%run_scoped3A : memref<!tpu.dma_semaphore, #tpu.memory_space<semaphore_mem>>) src(%arg18 : memref<2048xf32, #tpu.memory_space<vmem>>) dst(%dma_wait3A_45 : memref<2048xf32, #tpu.memory_space<hbm>>)
        tpu.yield
      }) : () -> ()
    }
    %scan3A_5 = arith.constant 4 : i32
    %scan3A_6 = arith.constant 0 : i32
    %scan3A_7 = arith.constant 0 : i32
    %scan3A_8 = arith.constant 4 : i32
    %scan3A_9 = arith.addi %scan3A_7, %scan3A_8 : i32
    %scan3A_10 = arith.constant 1 : i32
    scf.for %scan3A_12 = %scan3A_7 to %scan3A_9 step %scan3A_10  : i32 {
      %mul3A_13 = arith.constant 4 : i32
      %mul3A_14 = arith.muli %add3A, %mul3A_13 : i32
      %add3A_15 = arith.addi %mul3A_14, %scan3A_12 : i32
      %mul3A_16 = arith.constant 128 : i32
      %mul3A_17 = arith.muli %add3A_15, %mul3A_16 : i32
      "tpu.region"() ({
        %run_scoped3A = tpu.sem_alloc : memref<!tpu.dma_semaphore, #tpu.memory_space<semaphore_mem>>
        %dma_start3A_42 = tpu.memref_slice %arg7[%mul3A_17] : memref<16384xi32, #tpu.memory_space<hbm>> -> memref<128xi32, #tpu.memory_space<hbm>>
        %dma_start3A_43 = tpu.memref_slice %arg7[%mul3A_17] : memref<16384xi32, #tpu.memory_space<hbm>> -> memref<128xi32, #tpu.memory_space<hbm>>
        tpu.enqueue_dma source(%dma_start3A_43 : memref<128xi32, #tpu.memory_space<hbm>>) target(%arg12 : memref<128xi32, #tpu.memory_space<vmem>>) target_semaphore(%run_scoped3A : memref<!tpu.dma_semaphore, #tpu.memory_space<semaphore_mem>>)
        %dma_wait3A_44 = tpu.memref_slice %arg7[%mul3A_17] : memref<16384xi32, #tpu.memory_space<hbm>> -> memref<128xi32, #tpu.memory_space<hbm>>
        %dma_wait3A_45 = tpu.memref_slice %arg7[%mul3A_17] : memref<16384xi32, #tpu.memory_space<hbm>> -> memref<128xi32, #tpu.memory_space<hbm>>
        tpu.wait_dma2 semaphore(%run_scoped3A : memref<!tpu.dma_semaphore, #tpu.memory_space<semaphore_mem>>) src(%dma_wait3A_45 : memref<128xi32, #tpu.memory_space<hbm>>) dst(%arg12 : memref<128xi32, #tpu.memory_space<vmem>>)
        tpu.yield
      }) : () -> ()
      "tpu.region"() ({
        %run_scoped3A = tpu.sem_alloc : memref<!tpu.dma_semaphore, #tpu.memory_space<semaphore_mem>>
        %dma_start3A_42 = tpu.memref_slice %arg8[%mul3A_17] : memref<16384xi32, #tpu.memory_space<hbm>> -> memref<128xi32, #tpu.memory_space<hbm>>
        %dma_start3A_43 = tpu.memref_slice %arg8[%mul3A_17] : memref<16384xi32, #tpu.memory_space<hbm>> -> memref<128xi32, #tpu.memory_space<hbm>>
        tpu.enqueue_dma source(%dma_start3A_43 : memref<128xi32, #tpu.memory_space<hbm>>) target(%arg13 : memref<128xi32, #tpu.memory_space<vmem>>) target_semaphore(%run_scoped3A : memref<!tpu.dma_semaphore, #tpu.memory_space<semaphore_mem>>)
        %dma_wait3A_44 = tpu.memref_slice %arg8[%mul3A_17] : memref<16384xi32, #tpu.memory_space<hbm>> -> memref<128xi32, #tpu.memory_space<hbm>>
        %dma_wait3A_45 = tpu.memref_slice %arg8[%mul3A_17] : memref<16384xi32, #tpu.memory_space<hbm>> -> memref<128xi32, #tpu.memory_space<hbm>>
        tpu.wait_dma2 semaphore(%run_scoped3A : memref<!tpu.dma_semaphore, #tpu.memory_space<semaphore_mem>>) src(%dma_wait3A_45 : memref<128xi32, #tpu.memory_space<hbm>>) dst(%arg13 : memref<128xi32, #tpu.memory_space<vmem>>)
        tpu.yield
      }) : () -> ()
      "tpu.region"() ({
        %run_scoped3A = tpu.sem_alloc : memref<!tpu.dma_semaphore, #tpu.memory_space<semaphore_mem>>
        %dma_start3A_42 = tpu.memref_slice %arg9[%mul3A_17] : memref<16384xi32, #tpu.memory_space<hbm>> -> memref<128xi32, #tpu.memory_space<hbm>>
        %dma_start3A_43 = tpu.memref_slice %arg9[%mul3A_17] : memref<16384xi32, #tpu.memory_space<hbm>> -> memref<128xi32, #tpu.memory_space<hbm>>
        tpu.enqueue_dma source(%dma_start3A_43 : memref<128xi32, #tpu.memory_space<hbm>>) target(%arg14 : memref<128xi32, #tpu.memory_space<vmem>>) target_semaphore(%run_scoped3A : memref<!tpu.dma_semaphore, #tpu.memory_space<semaphore_mem>>)
        %dma_wait3A_44 = tpu.memref_slice %arg9[%mul3A_17] : memref<16384xi32, #tpu.memory_space<hbm>> -> memref<128xi32, #tpu.memory_space<hbm>>
        %dma_wait3A_45 = tpu.memref_slice %arg9[%mul3A_17] : memref<16384xi32, #tpu.memory_space<hbm>> -> memref<128xi32, #tpu.memory_space<hbm>>
        tpu.wait_dma2 semaphore(%run_scoped3A : memref<!tpu.dma_semaphore, #tpu.memory_space<semaphore_mem>>) src(%dma_wait3A_45 : memref<128xi32, #tpu.memory_space<hbm>>) dst(%arg14 : memref<128xi32, #tpu.memory_space<vmem>>)
        tpu.yield
      }) : () -> ()
      %dma_start3A = arith.constant 0 : i32
      %dma_start3A_18 = arith.constant 0 : i32
      %dma_start3A_19 = tpu.memref_slice %arg2[%dma_start3A, %dma_start3A_18] : memref<10000x128xf32, #tpu.memory_space<hbm>> -> memref<10000x128xf32, #tpu.memory_space<hbm>>
      tpu.enqueue_indirect_dma source(%dma_start3A_19 : memref<10000x128xf32, #tpu.memory_space<hbm>>) target(%arg15 : memref<128x128xf32, #tpu.memory_space<vmem>>) offsets(%arg12 : memref<128xi32, #tpu.memory_space<vmem>>) semaphore(%arg19 : memref<!tpu.dma_semaphore, #tpu.memory_space<semaphore_mem>>)
      %dma_wait3A = arith.constant 0 : i32
      %dma_wait3A_20 = arith.constant 0 : i32
      %dma_wait3A_21 = tpu.memref_slice %arg2[%dma_wait3A, %dma_wait3A_20] : memref<10000x128xf32, #tpu.memory_space<hbm>> -> memref<10000x128xf32, #tpu.memory_space<hbm>>
      tpu.wait_indirect_dma semaphore(%arg19 : memref<!tpu.dma_semaphore, #tpu.memory_space<semaphore_mem>>) src(%dma_wait3A_21 : memref<10000x128xf32, #tpu.memory_space<hbm>>) dst(%arg15 : memref<128x128xf32, #tpu.memory_space<vmem>>)
      %dma_start3A_22 = arith.constant 0 : i32
      %dma_start3A_23 = arith.constant 0 : i32
      %dma_start3A_24 = tpu.memref_slice %arg3[%dma_start3A_22, %dma_start3A_23] : memref<8x128xf32, #tpu.memory_space<hbm>> -> memref<8x128xf32, #tpu.memory_space<hbm>>
      tpu.enqueue_indirect_dma source(%dma_start3A_24 : memref<8x128xf32, #tpu.memory_space<hbm>>) target(%arg16 : memref<128x128xf32, #tpu.memory_space<vmem>>) offsets(%arg13 : memref<128xi32, #tpu.memory_space<vmem>>) semaphore(%arg19 : memref<!tpu.dma_semaphore, #tpu.memory_space<semaphore_mem>>)
      %dma_wait3A_25 = arith.constant 0 : i32
      %dma_wait3A_26 = arith.constant 0 : i32
      %dma_wait3A_27 = tpu.memref_slice %arg3[%dma_wait3A_25, %dma_wait3A_26] : memref<8x128xf32, #tpu.memory_space<hbm>> -> memref<8x128xf32, #tpu.memory_space<hbm>>
      tpu.wait_indirect_dma semaphore(%arg19 : memref<!tpu.dma_semaphore, #tpu.memory_space<semaphore_mem>>) src(%dma_wait3A_27 : memref<8x128xf32, #tpu.memory_space<hbm>>) dst(%arg16 : memref<128x128xf32, #tpu.memory_space<vmem>>)
      %dma_start3A_28 = arith.constant 0 : i32
      %dma_start3A_29 = arith.constant 0 : i32
      %dma_start3A_30 = tpu.memref_slice %arg2[%dma_start3A_28, %dma_start3A_29] : memref<10000x128xf32, #tpu.memory_space<hbm>> -> memref<10000x128xf32, #tpu.memory_space<hbm>>
      tpu.enqueue_indirect_dma source(%dma_start3A_30 : memref<10000x128xf32, #tpu.memory_space<hbm>>) target(%arg17 : memref<128x128xf32, #tpu.memory_space<vmem>>) offsets(%arg14 : memref<128xi32, #tpu.memory_space<vmem>>) semaphore(%arg19 : memref<!tpu.dma_semaphore, #tpu.memory_space<semaphore_mem>>)
      %dma_wait3A_31 = arith.constant 0 : i32
      %dma_wait3A_32 = arith.constant 0 : i32
      %dma_wait3A_33 = tpu.memref_slice %arg2[%dma_wait3A_31, %dma_wait3A_32] : memref<10000x128xf32, #tpu.memory_space<hbm>> -> memref<10000x128xf32, #tpu.memory_space<hbm>>
      tpu.wait_indirect_dma semaphore(%arg19 : memref<!tpu.dma_semaphore, #tpu.memory_space<semaphore_mem>>) src(%dma_wait3A_33 : memref<10000x128xf32, #tpu.memory_space<hbm>>) dst(%arg17 : memref<128x128xf32, #tpu.memory_space<vmem>>)
      %scan3A_34 = arith.constant 0 : i32
      %scan3A_35 = arith.constant 0 : i32
      %scan3A_36 = arith.constant 128 : i32
      %scan3A_37 = arith.addi %scan3A_35, %scan3A_36 : i32
      %scan3A_38 = arith.constant 1 : i32
      scf.for %scan3A_42 = %scan3A_35 to %scan3A_37 step %scan3A_38  : i32 {
        %broadcast_in_dim3A = arith.constant 0.000000e+00 : f32
        %broadcast_in_dim3A_43 = vector.broadcast %broadcast_in_dim3A : f32 to vector<16xf32>
        %get3A = arith.index_cast %scan3A_42 : i32 to index
        %get3A_44 = arith.constant 0 : index
        %get3A_45 = tpu.vector_load %arg15[%get3A, %get3A_44] {strides = array<i32>} : memref<128x128xf32, #tpu.memory_space<vmem>>, vector<1x16xf32>,
        %get3A_46 = vector.shape_cast %get3A_45 : vector<1x16xf32> to vector<16xf32>
        %get3A_47 = arith.index_cast %scan3A_42 : i32 to index
        %get3A_48 = arith.constant 0 : index
        %get3A_49 = tpu.vector_load %arg16[%get3A_47, %get3A_48] {strides = array<i32>} : memref<128x128xf32, #tpu.memory_space<vmem>>, vector<1x16xf32>,
        %get3A_50 = vector.shape_cast %get3A_49 : vector<1x16xf32> to vector<16xf32>
        %add3A_51 = arith.addf %get3A_46, %get3A_50 : vector<16xf32>
        %get3A_52 = arith.index_cast %scan3A_42 : i32 to index
        %get3A_53 = arith.constant 0 : index
        %get3A_54 = tpu.vector_load %arg17[%get3A_52, %get3A_53] {strides = array<i32>} : memref<128x128xf32, #tpu.memory_space<vmem>>, vector<1x16xf32>,
        %get3A_55 = vector.shape_cast %get3A_54 : vector<1x16xf32> to vector<16xf32>
        %sub3A = arith.subf %add3A_51, %get3A_55 : vector<16xf32>
        %mul3A_56 = arith.mulf %sub3A, %sub3A : vector<16xf32>
        %add3A_57 = arith.addf %broadcast_in_dim3A_43, %mul3A_56 : vector<16xf32>
        %get3A_58 = arith.index_cast %scan3A_42 : i32 to index
        %get3A_59 = arith.constant 16 : index
        %get3A_60 = tpu.vector_load %arg15[%get3A_58, %get3A_59] {strides = array<i32>} : memref<128x128xf32, #tpu.memory_space<vmem>>, vector<1x16xf32>,
        %get3A_61 = vector.shape_cast %get3A_60 : vector<1x16xf32> to vector<16xf32>
        %get3A_62 = arith.index_cast %scan3A_42 : i32 to index
        %get3A_63 = arith.constant 16 : index
        %get3A_64 = tpu.vector_load %arg16[%get3A_62, %get3A_63] {strides = array<i32>} : memref<128x128xf32, #tpu.memory_space<vmem>>, vector<1x16xf32>,
        %get3A_65 = vector.shape_cast %get3A_64 : vector<1x16xf32> to vector<16xf32>
        %add3A_66 = arith.addf %get3A_61, %get3A_65 : vector<16xf32>
        %get3A_67 = arith.index_cast %scan3A_42 : i32 to index
        %get3A_68 = arith.constant 16 : index
        %get3A_69 = tpu.vector_load %arg17[%get3A_67, %get3A_68] {strides = array<i32>} : memref<128x128xf32, #tpu.memory_space<vmem>>, vector<1x16xf32>,
        %get3A_70 = vector.shape_cast %get3A_69 : vector<1x16xf32> to vector<16xf32>
        %sub3A_71 = arith.subf %add3A_66, %get3A_70 : vector<16xf32>
        %mul3A_72 = arith.mulf %sub3A_71, %sub3A_71 : vector<16xf32>
        %add3A_73 = arith.addf %add3A_57, %mul3A_72 : vector<16xf32>
        %get3A_74 = arith.index_cast %scan3A_42 : i32 to index
        %get3A_75 = arith.constant 32 : index
        %get3A_76 = tpu.vector_load %arg15[%get3A_74, %get3A_75] {strides = array<i32>} : memref<128x128xf32, #tpu.memory_space<vmem>>, vector<1x16xf32>,
        %get3A_77 = vector.shape_cast %get3A_76 : vector<1x16xf32> to vector<16xf32>
        %get3A_78 = arith.index_cast %scan3A_42 : i32 to index
        %get3A_79 = arith.constant 32 : index
        %get3A_80 = tpu.vector_load %arg16[%get3A_78, %get3A_79] {strides = array<i32>} : memref<128x128xf32, #tpu.memory_space<vmem>>, vector<1x16xf32>,
        %get3A_81 = vector.shape_cast %get3A_80 : vector<1x16xf32> to vector<16xf32>
        %add3A_82 = arith.addf %get3A_77, %get3A_81 : vector<16xf32>
        %get3A_83 = arith.index_cast %scan3A_42 : i32 to index
        %get3A_84 = arith.constant 32 : index
        %get3A_85 = tpu.vector_load %arg17[%get3A_83, %get3A_84] {strides = array<i32>} : memref<128x128xf32, #tpu.memory_space<vmem>>, vector<1x16xf32>,
        %get3A_86 = vector.shape_cast %get3A_85 : vector<1x16xf32> to vector<16xf32>
        %sub3A_87 = arith.subf %add3A_82, %get3A_86 : vector<16xf32>
        %mul3A_88 = arith.mulf %sub3A_87, %sub3A_87 : vector<16xf32>
        %add3A_89 = arith.addf %add3A_73, %mul3A_88 : vector<16xf32>
        %get3A_90 = arith.index_cast %scan3A_42 : i32 to index
        %get3A_91 = arith.constant 48 : index
        %get3A_92 = tpu.vector_load %arg15[%get3A_90, %get3A_91] {strides = array<i32>} : memref<128x128xf32, #tpu.memory_space<vmem>>, vector<1x16xf32>,
        %get3A_93 = vector.shape_cast %get3A_92 : vector<1x16xf32> to vector<16xf32>
        %get3A_94 = arith.index_cast %scan3A_42 : i32 to index
        %get3A_95 = arith.constant 48 : index
        %get3A_96 = tpu.vector_load %arg16[%get3A_94, %get3A_95] {strides = array<i32>} : memref<128x128xf32, #tpu.memory_space<vmem>>, vector<1x16xf32>,
        %get3A_97 = vector.shape_cast %get3A_96 : vector<1x16xf32> to vector<16xf32>
        %add3A_98 = arith.addf %get3A_93, %get3A_97 : vector<16xf32>
        %get3A_99 = arith.index_cast %scan3A_42 : i32 to index
        %get3A_100 = arith.constant 48 : index
        %get3A_101 = tpu.vector_load %arg17[%get3A_99, %get3A_100] {strides = array<i32>} : memref<128x128xf32, #tpu.memory_space<vmem>>, vector<1x16xf32>,
        %get3A_102 = vector.shape_cast %get3A_101 : vector<1x16xf32> to vector<16xf32>
        %sub3A_103 = arith.subf %add3A_98, %get3A_102 : vector<16xf32>
        %mul3A_104 = arith.mulf %sub3A_103, %sub3A_103 : vector<16xf32>
        %add3A_105 = arith.addf %add3A_89, %mul3A_104 : vector<16xf32>
        %get3A_106 = arith.index_cast %scan3A_42 : i32 to index
        %get3A_107 = arith.constant 64 : index
        %get3A_108 = tpu.vector_load %arg15[%get3A_106, %get3A_107] {strides = array<i32>} : memref<128x128xf32, #tpu.memory_space<vmem>>, vector<1x16xf32>,
        %get3A_109 = vector.shape_cast %get3A_108 : vector<1x16xf32> to vector<16xf32>
        %get3A_110 = arith.index_cast %scan3A_42 : i32 to index
        %get3A_111 = arith.constant 64 : index
        %get3A_112 = tpu.vector_load %arg16[%get3A_110, %get3A_111] {strides = array<i32>} : memref<128x128xf32, #tpu.memory_space<vmem>>, vector<1x16xf32>,
        %get3A_113 = vector.shape_cast %get3A_112 : vector<1x16xf32> to vector<16xf32>
        %add3A_114 = arith.addf %get3A_109, %get3A_113 : vector<16xf32>
        %get3A_115 = arith.index_cast %scan3A_42 : i32 to index
        %get3A_116 = arith.constant 64 : index
        %get3A_117 = tpu.vector_load %arg17[%get3A_115, %get3A_116] {strides = array<i32>} : memref<128x128xf32, #tpu.memory_space<vmem>>, vector<1x16xf32>,
        %get3A_118 = vector.shape_cast %get3A_117 : vector<1x16xf32> to vector<16xf32>
        %sub3A_119 = arith.subf %add3A_114, %get3A_118 : vector<16xf32>
        %mul3A_120 = arith.mulf %sub3A_119, %sub3A_119 : vector<16xf32>
        %add3A_121 = arith.addf %add3A_105, %mul3A_120 : vector<16xf32>
        %get3A_122 = arith.index_cast %scan3A_42 : i32 to index
        %get3A_123 = arith.constant 80 : index
        %get3A_124 = tpu.vector_load %arg15[%get3A_122, %get3A_123] {strides = array<i32>} : memref<128x128xf32, #tpu.memory_space<vmem>>, vector<1x16xf32>,
        %get3A_125 = vector.shape_cast %get3A_124 : vector<1x16xf32> to vector<16xf32>
        %get3A_126 = arith.index_cast %scan3A_42 : i32 to index
        %get3A_127 = arith.constant 80 : index
        %get3A_128 = tpu.vector_load %arg16[%get3A_126, %get3A_127] {strides = array<i32>} : memref<128x128xf32, #tpu.memory_space<vmem>>, vector<1x16xf32>,
        %get3A_129 = vector.shape_cast %get3A_128 : vector<1x16xf32> to vector<16xf32>
        %add3A_130 = arith.addf %get3A_125, %get3A_129 : vector<16xf32>
        %get3A_131 = arith.index_cast %scan3A_42 : i32 to index
        %get3A_132 = arith.constant 80 : index
        %get3A_133 = tpu.vector_load %arg17[%get3A_131, %get3A_132] {strides = array<i32>} : memref<128x128xf32, #tpu.memory_space<vmem>>, vector<1x16xf32>,
        %get3A_134 = vector.shape_cast %get3A_133 : vector<1x16xf32> to vector<16xf32>
        %sub3A_135 = arith.subf %add3A_130, %get3A_134 : vector<16xf32>
        %mul3A_136 = arith.mulf %sub3A_135, %sub3A_135 : vector<16xf32>
        %add3A_137 = arith.addf %add3A_121, %mul3A_136 : vector<16xf32>
        %get3A_138 = arith.index_cast %scan3A_42 : i32 to index
        %get3A_139 = arith.constant 96 : index
        %get3A_140 = tpu.vector_load %arg15[%get3A_138, %get3A_139] {strides = array<i32>} : memref<128x128xf32, #tpu.memory_space<vmem>>, vector<1x16xf32>,
        %get3A_141 = vector.shape_cast %get3A_140 : vector<1x16xf32> to vector<16xf32>
        %get3A_142 = arith.index_cast %scan3A_42 : i32 to index
        %get3A_143 = arith.constant 96 : index
        %get3A_144 = tpu.vector_load %arg16[%get3A_142, %get3A_143] {strides = array<i32>} : memref<128x128xf32, #tpu.memory_space<vmem>>, vector<1x16xf32>,
        %get3A_145 = vector.shape_cast %get3A_144 : vector<1x16xf32> to vector<16xf32>
        %add3A_146 = arith.addf %get3A_141, %get3A_145 : vector<16xf32>
        %get3A_147 = arith.index_cast %scan3A_42 : i32 to index
        %get3A_148 = arith.constant 96 : index
        %get3A_149 = tpu.vector_load %arg17[%get3A_147, %get3A_148] {strides = array<i32>} : memref<128x128xf32, #tpu.memory_space<vmem>>, vector<1x16xf32>,
        %get3A_150 = vector.shape_cast %get3A_149 : vector<1x16xf32> to vector<16xf32>
        %sub3A_151 = arith.subf %add3A_146, %get3A_150 : vector<16xf32>
        %mul3A_152 = arith.mulf %sub3A_151, %sub3A_151 : vector<16xf32>
        %add3A_153 = arith.addf %add3A_137, %mul3A_152 : vector<16xf32>
        %get3A_154 = arith.index_cast %scan3A_42 : i32 to index
        %get3A_155 = arith.constant 112 : index
        %get3A_156 = tpu.vector_load %arg15[%get3A_154, %get3A_155] {strides = array<i32>} : memref<128x128xf32, #tpu.memory_space<vmem>>, vector<1x16xf32>,
        %get3A_157 = vector.shape_cast %get3A_156 : vector<1x16xf32> to vector<16xf32>
        %get3A_158 = arith.index_cast %scan3A_42 : i32 to index
        %get3A_159 = arith.constant 112 : index
        %get3A_160 = tpu.vector_load %arg16[%get3A_158, %get3A_159] {strides = array<i32>} : memref<128x128xf32, #tpu.memory_space<vmem>>, vector<1x16xf32>,
        %get3A_161 = vector.shape_cast %get3A_160 : vector<1x16xf32> to vector<16xf32>
        %add3A_162 = arith.addf %get3A_157, %get3A_161 : vector<16xf32>
        %get3A_163 = arith.index_cast %scan3A_42 : i32 to index
        %get3A_164 = arith.constant 112 : index
        %get3A_165 = tpu.vector_load %arg17[%get3A_163, %get3A_164] {strides = array<i32>} : memref<128x128xf32, #tpu.memory_space<vmem>>, vector<1x16xf32>,
        %get3A_166 = vector.shape_cast %get3A_165 : vector<1x16xf32> to vector<16xf32>
        %sub3A_167 = arith.subf %add3A_162, %get3A_166 : vector<16xf32>
        %mul3A_168 = arith.mulf %sub3A_167, %sub3A_167 : vector<16xf32>
        %add3A_169 = arith.addf %add3A_153, %mul3A_168 : vector<16xf32>
        %mul3A_170 = arith.constant 16 : i32
        %mul3A_171 = arith.muli %scan3A_42, %mul3A_170 : i32
        %swap3A = arith.index_cast %mul3A_171 : i32 to index
        %swap3A_172 = tpu.vector_load %arg18[%swap3A] {strides = array<i32>} : memref<2048xf32, #tpu.memory_space<vmem>>, vector<16xf32>,
        %swap3A_173 = vector.shape_cast %swap3A_172 : vector<16xf32> to vector<16xf32>
        %swap3A_174 = vector.shape_cast %add3A_169 : vector<16xf32> to vector<16xf32>
        tpu.vector_store %arg18[%swap3A], %swap3A_174 {strides = array<i32>} : memref<2048xf32, #tpu.memory_space<vmem>>, vector<16xf32>,
      }
      %scan3A_39 = arith.constant 128 : i32
      %mul3A_40 = arith.constant 2048 : i32
      %mul3A_41 = arith.muli %add3A_15, %mul3A_40 : i32
      "tpu.region"() ({
        %run_scoped3A = tpu.sem_alloc : memref<!tpu.dma_semaphore, #tpu.memory_space<semaphore_mem>>
        %dma_start3A_42 = tpu.memref_slice %arg11[%mul3A_41] : memref<262144xf32, #tpu.memory_space<hbm>> -> memref<2048xf32, #tpu.memory_space<hbm>>
        %dma_start3A_43 = tpu.memref_slice %arg11[%mul3A_41] : memref<262144xf32, #tpu.memory_space<hbm>> -> memref<2048xf32, #tpu.memory_space<hbm>>
        tpu.enqueue_dma source(%arg18 : memref<2048xf32, #tpu.memory_space<vmem>>) target(%dma_start3A_43 : memref<2048xf32, #tpu.memory_space<hbm>>) target_semaphore(%run_scoped3A : memref<!tpu.dma_semaphore, #tpu.memory_space<semaphore_mem>>)
        %dma_wait3A_44 = tpu.memref_slice %arg11[%mul3A_41] : memref<262144xf32, #tpu.memory_space<hbm>> -> memref<2048xf32, #tpu.memory_space<hbm>>
        %dma_wait3A_45 = tpu.memref_slice %arg11[%mul3A_41] : memref<262144xf32, #tpu.memory_space<hbm>> -> memref<2048xf32, #tpu.memory_space<hbm>>
        tpu.wait_dma2 semaphore(%run_scoped3A : memref<!tpu.dma_semaphore, #tpu.memory_space<semaphore_mem>>) src(%arg18 : memref<2048xf32, #tpu.memory_space<vmem>>) dst(%dma_wait3A_45 : memref<2048xf32, #tpu.memory_space<hbm>>)
        tpu.yield
      }) : () -> ()
    }
    %scan3A_11 = arith.constant 4 : i32
    return
  }
}

module attributes {stable_mosaic.version = 14 : i64} {
  func.func @_transform_body(%arg0: i32, %arg1: i32, %arg2: memref<2000x128xf32, #tpu.memory_space<vmem>>, %arg3: memref<1x128x128xf32, #tpu.memory_space<vmem>>, %arg4: memref<1x2000x128xf32, #tpu.memory_space<vmem>>) attributes {dimension_semantics = [#tpu.dimension_semantics<arbitrary>, #tpu.dimension_semantics<arbitrary>], iteration_bounds = array<i64: 5, 8>, scalar_prefetch = 0 : i64, scratch_operands = 0 : i64, tpu.core_type = #tpu.core_type<tc>, window_params = [{transform_indices = @transform_0, window_bounds = array<i64: 2000, 128>}, {transform_indices = @transform_1, window_bounds = array<i64: 1, 128, 128>}, {transform_indices = @transform_2, window_bounds = array<i64: 1, 2000, 128>}]} {
    %get3A = arith.constant 0 : index
    %get3A_0 = arith.constant 0 : index
    %get3A_1 = vector.load %arg2[%get3A, %get3A_0] : memref<2000x128xf32, #tpu.memory_space<vmem>>, vector<2000x128xf32>
    %get3A_2 = arith.constant 0 : index
    %get3A_3 = arith.constant 0 : index
    %get3A_4 = arith.constant 0 : index
    %get3A_5 = vector.load %arg3[%get3A_2, %get3A_3, %get3A_4] : memref<1x128x128xf32, #tpu.memory_space<vmem>>, vector<1x128x128xf32>
    %get3A_6 = vector.shape_cast %get3A_5 : vector<1x128x128xf32> to vector<128x128xf32>
    %dot_general3A = arith.constant dense<0.000000e+00> : vector<2000x128xf32>
    %dot_general3A_7 = tpu.matmul %get3A_1, %get3A_6, %dot_general3A {dimension_numbers = #tpu.dot_dimension_numbers<[1], [0], [0], [1], [0, 0, 1, 1], [], []>, transpose_lhs_hint = false} : vector<2000x128xf32>, vector<128x128xf32>, vector<2000x128xf32> -> vector<2000x128xf32>
    %swap3A = arith.constant 0 : index
    %swap3A_8 = arith.constant 0 : index
    %swap3A_9 = arith.constant 0 : index
    %swap3A_10 = vector.load %arg4[%swap3A, %swap3A_8, %swap3A_9] : memref<1x2000x128xf32, #tpu.memory_space<vmem>>, vector<1x2000x128xf32>
    %swap3A_11 = vector.shape_cast %swap3A_10 : vector<1x2000x128xf32> to vector<2000x128xf32>
    %swap3A_12 = vector.shape_cast %dot_general3A_7 : vector<2000x128xf32> to vector<1x2000x128xf32>
    tpu.vector_store %arg4[%swap3A, %swap3A_8, %swap3A_9], %swap3A_12 {strides = array<i32>} : memref<1x2000x128xf32, #tpu.memory_space<vmem>>, vector<1x2000x128xf32>,
    return
  }
  func.func @transform_0(%arg0: i32, %arg1: i32) -> (i32, i32) {
    %c0_i32 = arith.constant 0 : i32
    %c0_i32_0 = arith.constant 0 : i32
    return %arg0, %c0_i32 : i32, i32
  }
  func.func @transform_1(%arg0: i32, %arg1: i32) -> (i32, i32, i32) {
    %c0_i32 = arith.constant 0 : i32
    %c0_i32_0 = arith.constant 0 : i32
    %c0_i32_1 = arith.constant 0 : i32
    return %arg1, %c0_i32, %c0_i32_0 : i32, i32, i32
  }
  func.func @transform_2(%arg0: i32, %arg1: i32) -> (i32, i32, i32) {
    %c0_i32 = arith.constant 0 : i32
    %c0_i32_0 = arith.constant 0 : i32
    return %arg1, %arg0, %c0_i32 : i32, i32, i32
  }
}

module attributes {stable_mosaic.version = 14 : i64} {
  func.func @_combine_body(%arg0: i32, %arg1: memref<2x2000x128xf32, #tpu.memory_space<vmem>>, %arg2: memref<2000x128xf32, #tpu.memory_space<vmem>>) attributes {dimension_semantics = [#tpu.dimension_semantics<arbitrary>], iteration_bounds = array<i64: 5>, scalar_prefetch = 0 : i64, scratch_operands = 0 : i64, tpu.core_type = #tpu.core_type<tc>, window_params = [{transform_indices = @transform_0, window_bounds = array<i64: 2, 2000, 128>}, {transform_indices = @transform_1, window_bounds = array<i64: 2000, 128>}]} {
    %get3A = arith.constant 0 : index
    %get3A_0 = arith.constant 0 : index
    %get3A_1 = arith.constant 0 : index
    %get3A_2 = vector.load %arg1[%get3A, %get3A_0, %get3A_1] : memref<2x2000x128xf32, #tpu.memory_space<vmem>>, vector<1x2000x128xf32>
    %get3A_3 = vector.shape_cast %get3A_2 : vector<1x2000x128xf32> to vector<2000x128xf32>
    %get3A_4 = arith.constant 1 : index
    %get3A_5 = arith.constant 0 : index
    %get3A_6 = arith.constant 0 : index
    %get3A_7 = vector.load %arg1[%get3A_4, %get3A_5, %get3A_6] : memref<2x2000x128xf32, #tpu.memory_space<vmem>>, vector<1x2000x128xf32>
    %get3A_8 = vector.shape_cast %get3A_7 : vector<1x2000x128xf32> to vector<2000x128xf32>
    %add3A = arith.addf %get3A_3, %get3A_8 : vector<2000x128xf32>
    %max3A = arith.constant 0.000000e+00 : f32
    %max3A_9 = vector.broadcast %max3A : f32 to vector<2000x128xf32>
    %max3A_10 = arith.maximumf %add3A, %max3A_9 : vector<2000x128xf32>
    %swap3A = arith.constant 0 : index
    %swap3A_11 = arith.constant 0 : index
    %swap3A_12 = vector.load %arg2[%swap3A, %swap3A_11] : memref<2000x128xf32, #tpu.memory_space<vmem>>, vector<2000x128xf32>
    tpu.vector_store %arg2[%swap3A, %swap3A_11], %max3A_10 {strides = array<i32>} : memref<2000x128xf32, #tpu.memory_space<vmem>>, vector<2000x128xf32>,
    return
  }
  func.func @transform_0(%arg0: i32) -> (i32, i32, i32) {
    %c0_i32 = arith.constant 0 : i32
    %c0_i32_0 = arith.constant 0 : i32
    %c0_i32_1 = arith.constant 0 : i32
    return %c0_i32, %arg0, %c0_i32_0 : i32, i32, i32
  }
  func.func @transform_1(%arg0: i32) -> (i32, i32) {
    %c0_i32 = arith.constant 0 : i32
    %c0_i32_0 = arith.constant 0 : i32
    return %arg0, %c0_i32 : i32, i32
  }
}

module attributes {stable_mosaic.version = 14 : i64} {
  func.func @_loss_body(%arg0: memref<2x16384x16xf32, #tpu.memory_space<vmem>>, %arg1: memref<1x1xf32, #tpu.memory_space<vmem>>) attributes {dimension_semantics = [], scalar_prefetch = 0 : i64, scratch_operands = 0 : i64, tpu.core_type = #tpu.core_type<tc>} {
    %get3A = arith.constant 0 : index
    %get3A_0 = arith.constant 0 : index
    %get3A_1 = arith.constant 0 : index
    %get3A_2 = vector.load %arg0[%get3A, %get3A_0, %get3A_1] : memref<2x16384x16xf32, #tpu.memory_space<vmem>>, vector<1x16384x16xf32>
    %get3A_3 = vector.shape_cast %get3A_2 : vector<1x16384x16xf32> to vector<16384x16xf32>
    %get3A_4 = arith.constant 1 : index
    %get3A_5 = arith.constant 0 : index
    %get3A_6 = arith.constant 0 : index
    %get3A_7 = vector.load %arg0[%get3A_4, %get3A_5, %get3A_6] : memref<2x16384x16xf32, #tpu.memory_space<vmem>>, vector<1x16384x16xf32>
    %get3A_8 = vector.shape_cast %get3A_7 : vector<1x16384x16xf32> to vector<16384x16xf32>
    %reduce_sum3A = arith.constant dense<0.000000e+00> : vector<16384xf32>
    %reduce_sum3A_9 = vector.multi_reduction <add>, %get3A_3, %reduce_sum3A [1] : vector<16384x16xf32> to vector<16384xf32>
    %broadcast_in_dim3A = vector.shape_cast %reduce_sum3A_9 : vector<16384xf32> to vector<16384x1xf32>
    %sqrt3A = math.sqrt %broadcast_in_dim3A : vector<16384x1xf32>
    %reduce_sum3A_10 = arith.constant dense<0.000000e+00> : vector<16384xf32>
    %reduce_sum3A_11 = vector.multi_reduction <add>, %get3A_8, %reduce_sum3A_10 [1] : vector<16384x16xf32> to vector<16384xf32>
    %broadcast_in_dim3A_12 = vector.shape_cast %reduce_sum3A_11 : vector<16384xf32> to vector<16384x1xf32>
    %sqrt3A_13 = math.sqrt %broadcast_in_dim3A_12 : vector<16384x1xf32>
    %sub3A = arith.subf %sqrt3A, %sqrt3A_13 : vector<16384x1xf32>
    %add3A = arith.constant 1.000000e+00 : f32
    %add3A_14 = vector.broadcast %add3A : f32 to vector<16384x1xf32>
    %add3A_15 = arith.addf %sub3A, %add3A_14 : vector<16384x1xf32>
    %max3A = arith.constant 0.000000e+00 : f32
    %max3A_16 = vector.broadcast %max3A : f32 to vector<16384x1xf32>
    %max3A_17 = arith.maximumf %add3A_15, %max3A_16 : vector<16384x1xf32>
    %reduce_sum3A_18 = vector.shape_cast %max3A_17 : vector<16384x1xf32> to vector<1x16384x1xf32>
    %reduce_sum3A_19 = arith.constant dense<0.000000e+00> : vector<1xf32>
    %reduce_sum3A_20 = vector.multi_reduction <add>, %reduce_sum3A_18, %reduce_sum3A_19 [1, 2] : vector<1x16384x1xf32> to vector<1xf32>
    %reduce_sum3A_21 = vector.shape_cast %reduce_sum3A_20 : vector<1xf32> to vector<1x1x1xf32>
    %reduce_sum3A_22 = vector.extract %reduce_sum3A_21[0, 0, 0] : f32 from vector<1x1x1xf32>
    %broadcast_in_dim3A_23 = vector.broadcast %reduce_sum3A_22 : f32 to vector<1x1xf32>
    %div3A = arith.constant 1.638400e+04 : f32
    %div3A_24 = vector.broadcast %div3A : f32 to vector<1x1xf32>
    %div3A_25 = arith.divf %broadcast_in_dim3A_23, %div3A_24 : vector<1x1xf32>
    %swap3A = arith.constant 0 : index
    %swap3A_26 = arith.constant 0 : index
    %swap3A_27 = vector.load %arg1[%swap3A, %swap3A_26] : memref<1x1xf32, #tpu.memory_space<vmem>>, vector<1x1xf32>
    tpu.vector_store %arg1[%swap3A, %swap3A_26], %div3A_25 {strides = array<i32>} : memref<1x1xf32, #tpu.memory_space<vmem>>, vector<1x1xf32>,
    return
  }
}

</mosaic_0001>

<sc_bundles>
// kernel: kernel.10.cloned.1.call-start
scs
__scs_entry_jumppad:
0x0: {  	(pc) =	sbr.rel $0x88, $3  }
0x1: {  	(tag) =	ssettag $0x0;
	lr =	simm.s32 $0x1  }
0x2: {  	[smem:$0x3F9A] =	sst lr;
	_ =	strace $0xD0000000  }
0x3: {  	_ = 	snop  }
0x4: {  	_ = 	snop  }
0x5: {  	_ = 	snop  }
0x6: {  	_ = 	snop  }
0x7: {  	_ = 	snop  }
__scs_overlays_trampoline_lowered:
0x8: {  	[smem:$0x3FA9] =	sst s0  }
0x9: {  	[smem:$0x3FAA] =	sst s1  }
0xa: {  	[smem:$0x3FAB] =	sst s2  }
0xb: {  	[smem:$0x3FAC] =	sst s3  }
0xc: {  	[smem:$0x3FAD] =	sst s4  }
0xd: {  	[smem:$0x3FAE] =	sst s5  }
0xe: {  	[smem:$0x3FAF] =	sst s6  }
0xf: {  	[smem:$0x3FB0] =	sst s7  }
0x10: {  	[smem:$0x3FB1] =	sst s8  }
0x11: {  	[smem:$0x3FB2] =	sst s9;
	s0 =	simm.s32 @!p0 $0x0  }
0x12: {  	s1 =	sld [smem:$0x3F98];
	s0 =	simm.s32 @p0 $0x1  }
0x13: {  	[smem:$0x3FB3] =	sst s0;
	s0 =	simm.s32 @!p1 $0x0  }
0x14: {  	s2 =	sld [smem:$0x3F97];
	s0 =	simm.s32 @p1 $0x1  }
0x15: {  	[smem:$0x3FB4] =	sst s0;
	s0 =	simm.s32 @!p2 $0x0  }
0x16: {  	s3 =	sld [smem:$0x3FDB];
	s0 =	simm.s32 @p2 $0x1  }
0x17: {  	s4 =	simm.s32 $0x1BF5;
	[smem:$0x3FB6] =	sst s0  }
0x18: {  	s0 =	sld [smem:$0x3F99];
	_ =	swait.ge [sflag:s4], $0x0  }
0x19: {  	s7 =	sld [smem:$0x3F9A]  }
0x1a: {  	s8 =	sadd.s32 $0xFFFFE003, lr  }
0x1b: {  	s9 =	sadd.s32 $0xFFFFFEF7, lr;
	s5 =	simm.s32 $0xFFFFFFFF;
	p2 =	slt.u32 s8, $0xFFFFF086  }
0x1c: {  	p1 =	slt.u32 s9, $0xF7A;
	s5 =	simm.s32 @!p2 $0x0  }
0x1d: {  	s5 =	simm.s32 @p1 $0x1;
	p0 =	seq.s32 s7, s2  }
0x1e: {  	s7 =	smul.u32 @!p0 $0xF7A, s2;
	p2 =	seq.s32 @!p0 s5, $0x0  }
0x1f: {  	s9 =	smul.u32 $0xF7A, s1;
	s8 =	simm.s32 @!p0 $0x1BF5;
	p2 =	por !p2, p0  }
0x20: {  	[sflag:s8] =	ssyncset.s32 @!p0 $0xFFFFF086;
	s6 =	sadd.s32 @!p0 s3, s7;
	s7 =	simm.s32 @!p0 $0x108  }
0x21: {  	s3 =	sadd.s32 s3, s9;
	s6 =	sadd.s32 @!p0 $0x88, s6;
	s7 =	simm.s32 @p2 $0x1082  }
0x22: {  	[simem:s7], [sflag:s8] =	dma.local @!p0 [hbm:s6], $0xF7A  }
0x23: {  	s9 =	sor.u32 $0xD0000000, s2;
	s6 =	simm.s32 $0x108;
	_ =	swait.ge @!p0 [sflag:s8], $0x0  }
0x24: {  	s3 =	sadd.s32 $0x88, s3;
	s6 =	simm.s32 @!p1 $0x1082;
	[sflag:s4] =	ssyncset.s32 $0xFFFFF086  }
0x25: {  	[simem:s6], [sflag:s4] =	dma.local [hbm:s3], $0xF7A  }
0x26: {  	[smem:$0x3F9A] =	sst s1;
	(tag) =	ssettag s2;
	_ =	strace s9  }
0x27: {  	s1 =	sld [smem:$0x3FAA]  }
0x28: {  	s2 =	sld [smem:$0x3FAB]  }
0x29: {  	s4 =	sld [smem:$0x3FAD]  }
0x2a: {  	p0 =	seq.s32 s5, $0x0;
	s5 =	sld [smem:$0x3FAE]  }
0x2b: {  	s6 =	sld [smem:$0x3FAF]  }
0x2c: {  	s7 =	sld [smem:$0x3FB0]  }
0x2d: {  	s3 =	simm.s32 $0x108;
	s8 =	sld [smem:$0x3FB1]  }
0x2e: {  	s3 =	simm.s32 @!p0 $0x1082;
	s9 =	sld [smem:$0x3FB2]  }
0x2f: {  	lr =	sadd.s32 s0, s3;
	s0 =	sld [smem:$0x3FA9]  }
0x30: {  	s3 =	sld [smem:$0x3FAC]  }
0x31: {  	[smem:$0x3FB5] =	sst s10  }
0x32: {  	s10 =	sld [smem:$0x3FB3];
	_ =	sdelay $0x3  }
0x33: {  	p0 =	seq.s32 s10, $0x1;
	s10 =	sld [smem:$0x3FB5];
	_ =	sdelay $0x3  }
0x34: {  	[smem:$0x3FB5] =	sst s10  }
0x35: {  	s10 =	sld [smem:$0x3FB4];
	_ =	sdelay $0x3  }
0x36: {  	p1 =	seq.s32 s10, $0x1;
	s10 =	sld [smem:$0x3FB5];
	_ =	sdelay $0x3  }
0x37: {  	[smem:$0x3FB5] =	sst s10  }
0x38: {  	s10 =	sld [smem:$0x3FB6]  }
0x39: {  	_ = 	snop;
	(pc) =	sbr.ind lr, $3  }
0x3a: {  	_ = 	snop  }
0x3b: {  	_ = 	snop  }
0x3c: {  	p2 =	seq.s32 s10, $0x1;
	s10 =	sld [smem:$0x3FB5]  }
0x3d: {  	_ =	shalt  }
0x3e: {  	_ =	shalt  }
0x3f: {  	_ =	shalt  }
0x40: {  	_ =	shalt  }
0x41: {  	_ =	shalt  }
0x42: {  	_ =	shalt  }
0x43: {  	_ =	shalt  }
0x44: {  	_ =	shalt  }
0x45: {  	_ =	shalt  }
0x46: {  	_ =	shalt  }
0x47: {  	_ =	shalt  }
0x48: {  	_ =	shalt  }
0x49: {  	_ =	shalt  }
0x4a: {  	_ =	shalt  }
0x4b: {  	_ =	shalt  }
0x4c: {  	_ =	shalt  }
0x4d: {  	_ =	shalt  }
0x4e: {  	_ =	shalt  }
0x4f: {  	_ =	shalt  }
0x50: {  	_ =	shalt  }
0x51: {  	_ =	shalt  }
0x52: {  	_ =	shalt  }
0x53: {  	_ =	shalt  }
0x54: {  	_ =	shalt  }
0x55: {  	_ =	shalt  }
0x56: {  	_ =	shalt  }
0x57: {  	_ =	shalt  }
0x58: {  	_ =	shalt  }
0x59: {  	_ =	shalt  }
0x5a: {  	_ =	shalt  }
0x5b: {  	_ =	shalt  }
0x5c: {  	_ =	shalt  }
0x5d: {  	_ =	shalt  }
0x5e: {  	_ =	shalt  }
0x5f: {  	_ =	shalt  }
0x60: {  	_ =	shalt  }
0x61: {  	_ =	shalt  }
0x62: {  	_ =	shalt  }
0x63: {  	_ =	shalt  }
0x64: {  	_ =	shalt  }
0x65: {  	_ =	shalt  }
0x66: {  	_ =	shalt  }
0x67: {  	_ =	shalt  }
0x68: {  	_ =	shalt  }
0x69: {  	_ =	shalt  }
0x6a: {  	_ =	shalt  }
0x6b: {  	_ =	shalt  }
0x6c: {  	_ =	shalt  }
0x6d: {  	_ =	shalt  }
0x6e: {  	_ =	shalt  }
0x6f: {  	_ =	shalt  }
0x70: {  	_ =	shalt  }
0x71: {  	_ =	shalt  }
0x72: {  	_ =	shalt  }
0x73: {  	_ =	shalt  }
0x74: {  	_ =	shalt  }
0x75: {  	_ =	shalt  }
0x76: {  	_ =	shalt  }
0x77: {  	_ =	shalt  }
0x78: {  	_ =	shalt  }
0x79: {  	_ =	shalt  }
0x7a: {  	_ =	shalt  }
0x7b: {  	_ =	shalt  }
0x7c: {  	_ =	shalt  }
0x7d: {  	_ =	shalt  }
0x7e: {  	_ =	shalt  }
0x7f: {  	_ =	shalt  }
0x80: {  	_ =	shalt  }
0x81: {  	_ =	shalt  }
0x82: {  	_ =	shalt  }
0x83: {  	_ =	shalt  }
0x84: {  	_ =	shalt  }
0x85: {  	_ =	shalt  }
0x86: {  	_ =	shalt  }
0x87: {  	_ =	shalt  }
.Lfunc_end0:
.L_simem_size_0:
called_computation.1_lowered:
.L_overlay_start_0:
0x88: {  	s2 =	sld [smem:$0x3FD9]  }
0x89: {  	s3 =	sld [smem:$0x3FFE];
	_ =	sdelay $0x1  }
0x8a: {  	s1 =	srdreg.scid  }
0x8b: {  	s0 =	sand.u32 $0x1, s1  }
0x8c: {  	s17 =	sshll.u32 s0, $0xA;
	s2 =	sadd.s32 s3, s2  }
0x8d: {  	s2 =	sadd.s32 s2, s17  }
0x8e: {  	[smem:$0x3FC1] =	sst s2  }
0x8f: {  	_ = 	snop  }
0x90: {  	s2 =	sld [smem:$0x3FC8];
	(tm) =	ssettm $0x1  }
0x91: {  	s18 =	sld [smem:$0x3FFB];
	_ =	sdelay $0x3  }
0x92: {  	_ =	strace s18  }
0x93: {  	s3 =	sld [smem:$0x3FFC];
	_ =	sdelay $0x3  }
0x94: {  	_ =	strace s3  }
0x95: {  	s3 =	sld [smem:$0x3FFD];
	_ =	sdelay $0x3  }
0x96: {  	_ =	strace s3  }
0x97: {  	_ =	strace $0x8FFFFFFF  }
0x98: {  	s19 =	sld [smem:$0x3FDB];
	_ =	sdelay $0x1  }
0x99: {  	s4 =	simm.s32 $_scs_section_size  }
0x9a: {  	s5 =	simm.s32 $_size__tile_overlayer_lowered;
	s6 =	simm.s32 $_tile_overlayer_lowered  }
0x9b: {  	s22 =	simm.s32 $0x1BFF;
	s21 =	sshll.u32 s6, $0x1;
	s3 =	sadd.s32 s4, s19  }
0x9c: {  	s7 =	simm.s32 $0x0;
	s20 =	sshll.u32 s5, $0x1;
	s5 =	sadd.s32 s21, s3  }
0x9d: {  	[timem:s7], [sflag:s22] =	dma.local [hbm:s5], s20  }
0x9e: {  	_ =	swait.ge [sflag:s22], s20  }
0x9f: {  	s4 =	ssub.s32 $0x0, s20;
	[sflag:s22] =	ssyncset.done $0x0  }
0xa0: {  	[sflag:s22] =	ssyncadd.s32 s4;
	_ =	sdelay $0x1  }
0xa1: {  	s23 =	simm.s32 $0x1B8B  }
0xa2: {  	_ =	swait.ge [sflag:s23], $0x1  }
0xa3: {  	[sflag:s23] =	ssyncset.done $0x0  }
0xa4: {  	s25 =	simm.s32 $0x1B8E;
	s24 =	sld [smem:$0x3FFE];
	[sflag:s23] =	ssyncadd.s32 $0xFFFFFFFF  }
0xa5: {  	s26 =	simm.s32 $execute0_lowered;
	[smem:$0x3FD2] =	sst s25  }
0xa6: {  	s5 =	sshll.u32 s26, $0x1;
	_ =	strace $0x80000049;
	[dreg:$0x1] =	wrdreg $0xFFFFFFFF  }
0xa7: {  	s28 =	simm.s32 $_size_execute0_lowered;
	s3 =	sadd.s32 s3, s5;
	[dreg:$0x0] =	wrdreg $0x0  }
0xa8: {  	s5 =	sshll.u32 s28, $0x1;
	[dreg:$0x2] =	wrdreg s3  }
0xa9: {  	[dreg:$0x3] =	wrdreg s5  }
0xaa: {  	[dreg:$0x4] =	wrdreg $0xC0  }
0xab: {  	_ =	task [dreg:s7], $0x5FFFF  }
0xac: {  	[dreg:$0x1] =	wrdreg $0xFFFFFFFF  }
0xad: {  	[dreg:$0x0] =	wrdreg $0x60  }
0xae: {  	[dreg:$0x2] =	wrdreg s24  }
0xaf: {  	[dreg:$0x3] =	wrdreg s2  }
0xb0: {  	[dreg:$0x4] =	wrdreg $0x9  }
0xb1: {  	_ =	task.clear_ibuf [dreg:s7], $0x5FFFF;
	_ =	strace $0x90000049  }
0xb2: {  	s29 =	simm.s32 $0x9;
	_ =	strace $0x8000004B  }
0xb3: {  	_ =	swait.ge [sflag:s29], $0x1  }
0xb4: {  	[sflag:s29] =	ssyncadd.s32 $0xFFFFFFFF  }
0xb5: {  	_ =	strace $0x9000004B  }
0xb6: {  	_ =	sfence  }
0xb7: {  	s30 =	sld [smem:$0x0];
	_ =	sdelay $0x2  }
0xb8: {  	s31 =	sshll.u32 s1, $0xD;
	s1 =	sshrl.u32 s1, $0x2  }
0xb9: {  	s3 =	sand.u32 $0x4000, s31;
	s1 =	sadd.s32 s1, s30  }
0xba: {  	s0 =	sor.u32 s3, s0;
	s1 =	sshll.u32 s1, $0x11  }
0xbb: {  	s0 =	sor.u32 s1, s0  }
0xbc: {  	s0 =	sadd.s32 $0x8F2B, s0  }
0xbd: {  	[sflag:s0] =	ssyncadd.remote.s32 $0x1  }
0xbe: {  	_ =	sfence.sel $0xFFFF  }
0xbf: {  	[dreg:$0x0] =	wrdreg $0xFFFFFFFF;
	(pc) =	sbr.abs _section_cstart, $3  }
0xc0: {  	[dreg:$0x1] =	wrdreg $0xFFFFFFFF  }
0xc1: {  	_ =	task.clear_ibuf [dreg:s7], $0x2FFFF;
	_ =	strace $0x9FFFFFFF  }
0xc2: {  	(tm) =	ssettm $0x7FFFFFFF  }
0xc3: {  	_ =	shalt  }
tec
execute0_lowered:
.L_overlay_start_1:
0x0: {  	(tag) =	ssettag $0x1  }
0x1: {  	s12 =	rddreg [dreg:$0x0]  }
0x2: {  	s1 =	rddreg [dreg:$0x1]  }
0x3: {  	s0 =	rddreg [dreg:$0x2];
	s2 =	simm.s32 $0x0  }
0x4: {  	s8 =	srdreg.scid;
	s16 =	simm.s32 $0x80;
	s17 =	simm.s32 $0x100  }
0x5: {  	s18 =	simm.s32 $0x180;
	s20 =	simm.s32 $0x4180;
	s21 =	simm.s32 $0x8180  }
0x6: {  	s22 =	simm.s32 $0xC180;
	[smem:$0x7FF] =	sst s2;
	s3 =	sadd.s32 $0x1600, s12  }
0x7: {  	s19 =	simm.s32 $0x1;
	s4 =	sadd.s32 $0x19CC00, s12;
	s5 =	sadd.s32 $0x19C400, s12  }
0x8: {  	s23 =	simm.s32 $0x0;
	s6 =	sadd.s32 $0x19BC00, s12;
	s7 =	sadd.s32 $0x19E400, s12  }
0x9: {  	s13 =	sand.u32 $0x1, s8;
	s9 =	sadd.s32 $0x19DC00, s12;
	s10 =	sadd.s32 $0x19D400, s12  }
0xa: {  	s11 =	sadd.s32 $0x28800, s12;
	s8 =	stileid.u32;
	s14 =	ssub.s32 $0x2, s13  }
0xb: {  	s12 =	sadd.s32 $0x30800, s12;
	_ =	strace $0x8000004A;
	s15 =	sshrl.u32 s14, $0x1  }
0xc: {  	s31 =	sshll.u32 s8, $0x3;
	s13 =	sshll.u32 s13, $0x2;
	s14 =	ssub.s32 s14, s15  }
0xd: {  	s13 =	sor.u32 s13, s31;
	s15 =	simm.s32 $0x2;
	s14 =	smax.u32 s14, $0x1  }
.LBB2_1:
0xe: {  	s25 =	simm.s32 $0x0  }
.LBB2_2:
0xf: {  	s24 =	sadd.s32 s13, s25  }
0x10: {  	s26 =	sshll.u32 s24, $0x4  }
0x11: {  	s29 =	simm.s32 $0x0;
	s28 =	sadd.s32 s4, s26  }
0x12: {  	[tilespmem:s29], [sflag:$0x2] =	stream.linear.gather [hbm4b:s28+s29], $0x80, $0x38;
	[tilespmem:$0xC980] =	vst v63  }
0x13: {  	_ =	swait.ge [sflag:s15], $0x80  }
0x14: {  	[sflag:s15] =	ssyncset.done $0x0  }
0x15: {  	s28 =	sadd.s32 s5, s26;
	[sflag:s15] =	ssyncadd.s32 $0xFFFFFF80  }
0x16: {  	[tilespmem:s16], [sflag:$0x2] =	stream.linear.gather [hbm4b:s28+s29], $0x80, $0x38;
	[tilespmem:$0xC980] =	vst v63  }
0x17: {  	_ =	swait.ge [sflag:s15], $0x80  }
0x18: {  	[sflag:s15] =	ssyncset.done $0x0  }
0x19: {  	s26 =	sadd.s32 s6, s26;
	[sflag:s15] =	ssyncadd.s32 $0xFFFFFF80  }
0x1a: {  	[tilespmem:s17], [sflag:$0x2] =	stream.linear.gather [hbm4b:s26+s29], $0x80, $0x38;
	[tilespmem:$0xC980] =	vst v63  }
0x1b: {  	_ =	swait.ge [sflag:s15], $0x80  }
0x1c: {  	[sflag:s15] =	ssyncset.done $0x0  }
0x1d: {  	[sflag:s15] =	ssyncadd.s32 $0xFFFFFF80  }
0x1e: {  	[tilespmem:s18], [sflag:$0x1] =	stream.indirect.gather [hbm4b:s3+s16], $0x80, s29, s16, $0xb8;
	[tilespmem:$0xC980] =	vst v63  }
0x1f: {  	_ =	swait.ge [sflag:s19], $0x4000  }
0x20: {  	[sflag:s19] =	ssyncset.done $0x0  }
0x21: {  	[sflag:s19] =	ssyncadd.s32 $0xFFFFC000  }
0x22: {  	[tilespmem:s20], [sflag:$0x1] =	stream.indirect.gather [hbm4b:s1+s16], $0x80, s16, s16, $0xb8;
	[tilespmem:$0xC980] =	vst v63  }
0x23: {  	_ =	swait.ge [sflag:s19], $0x4000  }
0x24: {  	[sflag:s19] =	ssyncset.done $0x0  }
0x25: {  	[sflag:s19] =	ssyncadd.s32 $0xFFFFC000  }
0x26: {  	[tilespmem:s21], [sflag:$0x1] =	stream.indirect.gather [hbm4b:s3+s16], $0x80, s17, s16, $0xb8;
	[tilespmem:$0xC980] =	vst v63  }
0x27: {  	_ =	swait.ge [sflag:s19], $0x4000  }
0x28: {  	[sflag:s19] =	ssyncset.done $0x0  }
0x29: {  	s31 =	simm.s32 $0x0;
	[sflag:s19] =	ssyncadd.s32 $0xFFFFC000  }
0x2a: {  	v0 =	vld [tilespmem:s31+$0x1F0]  }
0x2b: {  	v1 =	vld [tilespmem:s31+$0x1E0]  }
0x2c: {  	v2 =	vld [tilespmem:s31+$0x1D0]  }
0x2d: {  	v3 =	vld [tilespmem:s31+$0x1C0]  }
0x2e: {  	v4 =	vld [tilespmem:s31+$0x1B0]  }
0x2f: {  	v5 =	vld [tilespmem:s31+$0x8180]  }
0x30: {  	v6 =	vld [tilespmem:s31+$0x1A0]  }
0x31: {  	v7 =	vld [tilespmem:s31+$0x4180]  }
0x32: {  	v8 =	vld [tilespmem:s31+$0x180]  }
0x33: {  	v9 =	vld [tilespmem:s31+$0x190]  }
0x34: {  	v10 =	vld [tilespmem:s31+$0x4190]  }
0x35: {  	v11 =	vld [tilespmem:s31+$0x41A0]  }
0x36: {  	v12 =	vld [tilespmem:s31+$0x8190]  }
0x37: {  	v13 =	vld [tilespmem:s31+$0x41B0]  }
0x38: {  	v14 =	vld [tilespmem:s31+$0x81A0]  }
0x39: {  	v7 =	vadd.f32 v7, v8;
	v8 =	vadd.f32 v10, v9;
	v9 =	vld [tilespmem:s31+$0x41C0]  }
0x3a: {  	v6 =	vadd.f32 v11, v6;
	v10 =	vld [tilespmem:s31+$0x81B0]  }
0x3b: {  	v5 =	vsub.f32 v7, v5;
	v7 =	vsub.f32 v8, v12;
	v8 =	vld [tilespmem:s31+$0x41D0]  }
0x3c: {  	v4 =	vadd.f32 v13, v4;
	v11 =	vld [tilespmem:s31+$0x81C0]  }
0x3d: {  	v63 =	vld [tilespmem:s31+$0x41E0];
	v6 =	vsub.f32 v6, v14;
	v5 =	vmul.f32 v5, v5;
	v7 =	vmul.f32 v7, v7  }
0x3e: {  	v3 =	vadd.f32 v9, v3;
	v9 =	vld [tilespmem:s31+$0x81D0]  }
0x3f: {  	v6 =	vmul.f32 v6, v6;
	v4 =	vsub.f32 v4, v10;
	v5 =	vadd.f32 v7, v5;
	v7 =	vld [tilespmem:s31+$0x41F0]  }
0x40: {  	v2 =	vadd.f32 v8, v2;
	v8 =	vld [tilespmem:s31+$0x81E0]  }
0x41: {  	v4 =	vmul.f32 v4, v4;
	v3 =	vsub.f32 v3, v11;
	v5 =	vadd.f32 v6, v5  }
0x42: {  	v1 =	vadd.f32 v63, v1;
	v6 =	vld [tilespmem:s31+$0x81F0]  }
0x43: {  	v3 =	vmul.f32 v3, v3;
	v4 =	vadd.f32 v4, v5;
	v2 =	vsub.f32 v2, v9  }
0x44: {  	v0 =	vadd.f32 v7, v0  }
0x45: {  	v3 =	vadd.f32 v3, v4;
	v2 =	vmul.f32 v2, v2;
	v1 =	vsub.f32 v1, v8;
	_ =	sdelay $0x1  }
0x46: {  	v0 =	vsub.f32 v0, v6;
	v2 =	vadd.f32 v2, v3;
	v1 =	vmul.f32 v1, v1;
	_ =	sdelay $0x1  }
0x47: {  	v0 =	vmul.f32 v0, v0;
	v1 =	vadd.f32 v1, v2;
	_ =	sdelay $0x1  }
0x48: {  	v0 =	vadd.f32 v0, v1  }
0x49: {  	s26 =	simm.s32 $0xC180  }
0x4a: {  	s28 =	simm.s32 $0x80;
	[tilespmem:s26+$0x0] =	vst v0  }
0x4b: {  	v0 =	vld [tilespmem:s28+$0x1F0]  }
0x4c: {  	v1 =	vld [tilespmem:s28+$0x1E0]  }
0x4d: {  	v2 =	vld [tilespmem:s28+$0x1D0]  }
0x4e: {  	v3 =	vld [tilespmem:s28+$0x1C0]  }
0x4f: {  	v4 =	vld [tilespmem:s28+$0x1B0]  }
0x50: {  	v5 =	vld [tilespmem:s28+$0x8180]  }
0x51: {  	v6 =	vld [tilespmem:s28+$0x1A0]  }
0x52: {  	v7 =	vld [tilespmem:s28+$0x4180]  }
0x53: {  	v8 =	vld [tilespmem:s28+$0x180]  }
0x54: {  	s29 =	simm.s32 $0x400;
	v9 =	vld [tilespmem:s28+$0x190]  }
.LBB2_3:
0x55: {  	p0 =	sne.s32 s29, $0xFE00;
	v10 =	vld [tilespmem:s28+$0x4190]  }
0x56: {  	v11 =	vld [tilespmem:s28+$0x41A0]  }
0x57: {  	v12 =	vld [tilespmem:s28+$0x8190]  }
0x58: {  	v13 =	vld [tilespmem:s28+$0x41B0]  }
0x59: {  	v14 =	vld [tilespmem:s28+$0x81A0]  }
0x5a: {  	v7 =	vadd.f32 v7, v8;
	v8 =	vadd.f32 v10, v9;
	v9 =	vld [tilespmem:s28+$0x41C0]  }
0x5b: {  	v6 =	vadd.f32 v11, v6;
	v10 =	vld [tilespmem:s28+$0x81B0]  }
0x5c: {  	v5 =	vsub.f32 v7, v5;
	v7 =	vsub.f32 v8, v12;
	v8 =	vld [tilespmem:s28+$0x41D0]  }
0x5d: {  	v4 =	vadd.f32 v13, v4;
	v11 =	vld [tilespmem:s28+$0x81C0]  }
0x5e: {  	v5 =	vmul.f32 v5, v5;
	v7 =	vmul.f32 v7, v7;
	v6 =	vsub.f32 v6, v14;
	v12 =	vld [tilespmem:s28+$0x41E0]  }
0x5f: {  	v3 =	vadd.f32 v9, v3;
	v9 =	vld [tilespmem:s28+$0x81D0]  }
0x60: {  	v5 =	vadd.f32 v7, v5;
	v6 =	vmul.f32 v6, v6;
	v4 =	vsub.f32 v4, v10;
	v7 =	vld [tilespmem:s28+$0x41F0]  }
0x61: {  	v2 =	vadd.f32 v8, v2;
	v8 =	vld [tilespmem:s28+$0x81E0]  }
0x62: {  	v5 =	vadd.f32 v6, v5;
	v4 =	vmul.f32 v4, v4;
	v3 =	vsub.f32 v3, v11  }
0x63: {  	v1 =	vadd.f32 v12, v1;
	v6 =	vld [tilespmem:s28+$0x81F0]  }
0x64: {  	v4 =	vadd.f32 v4, v5;
	v3 =	vmul.f32 v3, v3;
	v2 =	vsub.f32 v2, v9  }
0x65: {  	v0 =	vadd.f32 v7, v0  }
0x66: {  	v3 =	vadd.f32 v3, v4;
	v2 =	vmul.f32 v2, v2;
	v1 =	vsub.f32 v1, v8;
	_ =	sdelay $0x1  }
0x67: {  	v2 =	vadd.f32 v2, v3;
	v1 =	vmul.f32 v1, v1;
	v0 =	vsub.f32 v0, v6;
	_ =	sdelay $0x1  }
0x68: {  	v1 =	vadd.f32 v1, v2;
	v0 =	vmul.f32 v0, v0;
	_ =	sdelay $0x1  }
0x69: {  	v0 =	vadd.f32 v0, v1  }
0x6a: {  	s26 =	sadd.s32 $0x10, s26  }
0x6b: {  	s28 =	sshra.s32 s29, $0x2;
	[tilespmem:s26+$0x0] =	vst v0  }
0x6c: {  	v0 =	vld [tilespmem:s28+$0x1F0]  }
0x6d: {  	v1 =	vld [tilespmem:s28+$0x1E0]  }
0x6e: {  	v2 =	vld [tilespmem:s28+$0x1D0]  }
0x6f: {  	v3 =	vld [tilespmem:s28+$0x1C0]  }
0x70: {  	v4 =	vld [tilespmem:s28+$0x1B0]  }
.Ltmp0:
0x71: {  	v5 =	vld [tilespmem:s28+$0x8180];
	(pc) =	sbr.rel @p0 .LBB2_3-.Ltmp0, $4  }
0x72: {  	v6 =	vld [tilespmem:s28+$0x1A0]  }
0x73: {  	v7 =	vld [tilespmem:s28+$0x4180]  }
0x74: {  	v8 =	vld [tilespmem:s28+$0x180]  }
0x75: {  	s29 =	sadd.s32 $0x200, s29;
	v9 =	vld [tilespmem:s28+$0x190]  }
0x76: {  	v10 =	vld [tilespmem:s28+$0x4190]  }
0x77: {  	v11 =	vld [tilespmem:s28+$0x41A0]  }
0x78: {  	v12 =	vld [tilespmem:s28+$0x8190]  }
0x79: {  	v13 =	vld [tilespmem:s28+$0x41B0]  }
0x7a: {  	v14 =	vld [tilespmem:s28+$0x81A0]  }
0x7b: {  	v54 =	vld [tilespmem:s28+$0x41C0];
	v7 =	vadd.f32 v7, v8;
	v53 =	vadd.f32 v10, v9  }
0x7c: {  	v55 =	vld [tilespmem:s28+$0x81B0];
	v6 =	vadd.f32 v11, v6  }
0x7d: {  	v57 =	vld [tilespmem:s28+$0x41D0];
	v5 =	vsub.f32 v7, v5;
	v56 =	vsub.f32 v53, v12  }
0x7e: {  	v58 =	vld [tilespmem:s28+$0x81C0];
	v4 =	vadd.f32 v13, v4  }
0x7f: {  	v59 =	vld [tilespmem:s28+$0x41E0];
	v5 =	vmul.f32 v5, v5;
	v6 =	vsub.f32 v6, v14;
	v7 =	vmul.f32 v56, v56  }
0x80: {  	v60 =	vld [tilespmem:s28+$0x81D0];
	v3 =	vadd.f32 v54, v3  }
0x81: {  	v61 =	vld [tilespmem:s28+$0x41F0];
	v4 =	vsub.f32 v4, v55;
	v6 =	vmul.f32 v6, v6;
	v5 =	vadd.f32 v7, v5  }
0x82: {  	v62 =	vld [tilespmem:s28+$0x81E0];
	v2 =	vadd.f32 v57, v2  }
0x83: {  	v3 =	vsub.f32 v3, v58;
	v4 =	vmul.f32 v4, v4;
	v5 =	vadd.f32 v6, v5  }
0x84: {  	v63 =	vld [tilespmem:s28+$0x81F0];
	v1 =	vadd.f32 v59, v1  }
0x85: {  	v2 =	vsub.f32 v2, v60;
	v3 =	vmul.f32 v3, v3;
	v4 =	vadd.f32 v4, v5  }
0x86: {  	v0 =	vadd.f32 v61, v0  }
0x87: {  	v1 =	vsub.f32 v1, v62;
	v2 =	vmul.f32 v2, v2;
	v3 =	vadd.f32 v3, v4;
	_ =	sdelay $0x1  }
0x88: {  	v0 =	vsub.f32 v0, v63;
	v1 =	vmul.f32 v1, v1;
	v2 =	vadd.f32 v2, v3;
	_ =	sdelay $0x1  }
0x89: {  	v0 =	vmul.f32 v0, v0;
	v1 =	vadd.f32 v1, v2;
	_ =	sdelay $0x1  }
0x8a: {  	s25 =	sadd.s32 $0x1, s25;
	v0 =	vadd.f32 v0, v1  }
0x8b: {  	s26 =	sadd.s32 $0x10, s26;
	s24 =	sshll.u32 s24, $0x8;
	p0 =	sne.s32 s25, $0x4  }
.Ltmp1:
0x8c: {  	s31 =	sadd.s32 s11, s24;
	s24 =	simm.s32 $0x0;
	[tilespmem:s26+$0x0] =	vst v0;
	(pc) =	sbr.rel @p0 .LBB2_2-.Ltmp1, $4  }
0x8d: {  	[hbm4b:s31+s24] =	stream.linear.scatter [tilespmem:s22], [sflag:$0x2], $0x800, $0x38;
	[tilespmem:$0xC980] =	vst v63  }
0x8e: {  	_ =	swait.ge [sflag:s15], $0x800  }
0x8f: {  	[sflag:s15] =	ssyncset.done $0x0  }
0x90: {  	[sflag:s15] =	ssyncadd.s32 $0xFFFFF800  }
0x91: {  	s25 =	simm.s32 $0x0  }
.LBB2_6:
0x92: {  	s26 =	sadd.s32 s13, s25  }
0x93: {  	s28 =	sshll.u32 s26, $0x4  }
0x94: {  	s29 =	sadd.s32 s7, s28  }
0x95: {  	[tilespmem:s24], [sflag:$0x2] =	stream.linear.gather [hbm4b:s29+s24], $0x80, $0x38;
	[tilespmem:$0xC980] =	vst v63  }
0x96: {  	_ =	swait.ge [sflag:s15], $0x80  }
0x97: {  	[sflag:s15] =	ssyncset.done $0x0  }
0x98: {  	s29 =	sadd.s32 s9, s28;
	[sflag:s15] =	ssyncadd.s32 $0xFFFFFF80  }
0x99: {  	[tilespmem:s16], [sflag:$0x2] =	stream.linear.gather [hbm4b:s29+s24], $0x80, $0x38;
	[tilespmem:$0xC980] =	vst v63  }
0x9a: {  	_ =	swait.ge [sflag:s15], $0x80  }
0x9b: {  	[sflag:s15] =	ssyncset.done $0x0  }
0x9c: {  	s28 =	sadd.s32 s10, s28;
	[sflag:s15] =	ssyncadd.s32 $0xFFFFFF80  }
0x9d: {  	[tilespmem:s17], [sflag:$0x2] =	stream.linear.gather [hbm4b:s28+s24], $0x80, $0x38;
	[tilespmem:$0xC980] =	vst v63  }
0x9e: {  	_ =	swait.ge [sflag:s15], $0x80  }
0x9f: {  	[sflag:s15] =	ssyncset.done $0x0  }
0xa0: {  	[sflag:s15] =	ssyncadd.s32 $0xFFFFFF80  }
0xa1: {  	[tilespmem:s18], [sflag:$0x1] =	stream.indirect.gather [hbm4b:s3+s16], $0x80, s24, s16, $0xb8;
	[tilespmem:$0xC980] =	vst v63  }
0xa2: {  	_ =	swait.ge [sflag:s19], $0x4000  }
0xa3: {  	[sflag:s19] =	ssyncset.done $0x0  }
0xa4: {  	[sflag:s19] =	ssyncadd.s32 $0xFFFFC000  }
0xa5: {  	[tilespmem:s20], [sflag:$0x1] =	stream.indirect.gather [hbm4b:s1+s16], $0x80, s16, s16, $0xb8;
	[tilespmem:$0xC980] =	vst v63  }
0xa6: {  	_ =	swait.ge [sflag:s19], $0x4000  }
0xa7: {  	[sflag:s19] =	ssyncset.done $0x0  }
0xa8: {  	[sflag:s19] =	ssyncadd.s32 $0xFFFFC000  }
0xa9: {  	[tilespmem:s21], [sflag:$0x1] =	stream.indirect.gather [hbm4b:s3+s16], $0x80, s17, s16, $0xb8;
	[tilespmem:$0xC980] =	vst v63  }
0xaa: {  	_ =	swait.ge [sflag:s19], $0x4000  }
0xab: {  	[sflag:s19] =	ssyncset.done $0x0  }
0xac: {  	s28 =	simm.s32 $0x0;
	[sflag:s19] =	ssyncadd.s32 $0xFFFFC000  }
0xad: {  	v0 =	vld [tilespmem:s28+$0x1F0]  }
0xae: {  	v1 =	vld [tilespmem:s28+$0x1E0]  }
0xaf: {  	v2 =	vld [tilespmem:s28+$0x1D0]  }
0xb0: {  	v3 =	vld [tilespmem:s28+$0x1C0]  }
0xb1: {  	v4 =	vld [tilespmem:s28+$0x1B0]  }
0xb2: {  	v5 =	vld [tilespmem:s28+$0x8180]  }
0xb3: {  	v6 =	vld [tilespmem:s28+$0x1A0]  }
0xb4: {  	v7 =	vld [tilespmem:s28+$0x4180]  }
0xb5: {  	v8 =	vld [tilespmem:s28+$0x180]  }
0xb6: {  	v9 =	vld [tilespmem:s28+$0x190]  }
0xb7: {  	v10 =	vld [tilespmem:s28+$0x4190]  }
0xb8: {  	v11 =	vld [tilespmem:s28+$0x41A0]  }
0xb9: {  	v12 =	vld [tilespmem:s28+$0x8190]  }
0xba: {  	v13 =	vld [tilespmem:s28+$0x41B0]  }
0xbb: {  	v14 =	vld [tilespmem:s28+$0x81A0]  }
0xbc: {  	v7 =	vadd.f32 v7, v8;
	v8 =	vadd.f32 v10, v9;
	v9 =	vld [tilespmem:s28+$0x41C0]  }
0xbd: {  	v6 =	vadd.f32 v11, v6;
	v10 =	vld [tilespmem:s28+$0x81B0]  }
0xbe: {  	v5 =	vsub.f32 v7, v5;
	v7 =	vsub.f32 v8, v12;
	v8 =	vld [tilespmem:s28+$0x41D0]  }
0xbf: {  	v4 =	vadd.f32 v13, v4;
	v11 =	vld [tilespmem:s28+$0x81C0]  }
0xc0: {  	v63 =	vld [tilespmem:s28+$0x41E0];
	v6 =	vsub.f32 v6, v14;
	v5 =	vmul.f32 v5, v5;
	v7 =	vmul.f32 v7, v7  }
0xc1: {  	v3 =	vadd.f32 v9, v3;
	v9 =	vld [tilespmem:s28+$0x81D0]  }
0xc2: {  	v6 =	vmul.f32 v6, v6;
	v4 =	vsub.f32 v4, v10;
	v5 =	vadd.f32 v7, v5;
	v7 =	vld [tilespmem:s28+$0x41F0]  }
0xc3: {  	v2 =	vadd.f32 v8, v2;
	v8 =	vld [tilespmem:s28+$0x81E0]  }
0xc4: {  	v4 =	vmul.f32 v4, v4;
	v3 =	vsub.f32 v3, v11;
	v5 =	vadd.f32 v6, v5  }
0xc5: {  	v1 =	vadd.f32 v63, v1;
	v6 =	vld [tilespmem:s28+$0x81F0]  }
0xc6: {  	v3 =	vmul.f32 v3, v3;
	v4 =	vadd.f32 v4, v5;
	v2 =	vsub.f32 v2, v9  }
0xc7: {  	v0 =	vadd.f32 v7, v0  }
0xc8: {  	v3 =	vadd.f32 v3, v4;
	v2 =	vmul.f32 v2, v2;
	v1 =	vsub.f32 v1, v8;
	_ =	sdelay $0x1  }
0xc9: {  	v0 =	vsub.f32 v0, v6;
	v2 =	vadd.f32 v2, v3;
	v1 =	vmul.f32 v1, v1;
	_ =	sdelay $0x1  }
0xca: {  	v0 =	vmul.f32 v0, v0;
	v1 =	vadd.f32 v1, v2;
	_ =	sdelay $0x1  }
0xcb: {  	v0 =	vadd.f32 v0, v1  }
0xcc: {  	s28 =	simm.s32 $0xC180  }
0xcd: {  	s29 =	simm.s32 $0x80;
	[tilespmem:s28+$0x0] =	vst v0  }
0xce: {  	v0 =	vld [tilespmem:s29+$0x1F0]  }
0xcf: {  	v1 =	vld [tilespmem:s29+$0x1E0]  }
0xd0: {  	v2 =	vld [tilespmem:s29+$0x1D0]  }
0xd1: {  	v3 =	vld [tilespmem:s29+$0x1C0]  }
0xd2: {  	v4 =	vld [tilespmem:s29+$0x1B0]  }
0xd3: {  	v5 =	vld [tilespmem:s29+$0x8180]  }
0xd4: {  	v6 =	vld [tilespmem:s29+$0x1A0]  }
0xd5: {  	v7 =	vld [tilespmem:s29+$0x4180]  }
0xd6: {  	v8 =	vld [tilespmem:s29+$0x180]  }
0xd7: {  	s30 =	simm.s32 $0x400;
	v9 =	vld [tilespmem:s29+$0x190]  }
.LBB2_7:
0xd8: {  	p0 =	sne.s32 s30, $0xFE00;
	v10 =	vld [tilespmem:s29+$0x4190]  }
0xd9: {  	v11 =	vld [tilespmem:s29+$0x41A0]  }
0xda: {  	v12 =	vld [tilespmem:s29+$0x8190]  }
0xdb: {  	v13 =	vld [tilespmem:s29+$0x41B0]  }
0xdc: {  	v14 =	vld [tilespmem:s29+$0x81A0]  }
0xdd: {  	v7 =	vadd.f32 v7, v8;
	v8 =	vadd.f32 v10, v9;
	v9 =	vld [tilespmem:s29+$0x41C0]  }
0xde: {  	v6 =	vadd.f32 v11, v6;
	v10 =	vld [tilespmem:s29+$0x81B0]  }
0xdf: {  	v5 =	vsub.f32 v7, v5;
	v7 =	vsub.f32 v8, v12;
	v8 =	vld [tilespmem:s29+$0x41D0]  }
0xe0: {  	v4 =	vadd.f32 v13, v4;
	v11 =	vld [tilespmem:s29+$0x81C0]  }
0xe1: {  	v5 =	vmul.f32 v5, v5;
	v7 =	vmul.f32 v7, v7;
	v6 =	vsub.f32 v6, v14;
	v12 =	vld [tilespmem:s29+$0x41E0]  }
0xe2: {  	v3 =	vadd.f32 v9, v3;
	v9 =	vld [tilespmem:s29+$0x81D0]  }
0xe3: {  	v5 =	vadd.f32 v7, v5;
	v6 =	vmul.f32 v6, v6;
	v4 =	vsub.f32 v4, v10;
	v7 =	vld [tilespmem:s29+$0x41F0]  }
0xe4: {  	v2 =	vadd.f32 v8, v2;
	v8 =	vld [tilespmem:s29+$0x81E0]  }
0xe5: {  	v5 =	vadd.f32 v6, v5;
	v4 =	vmul.f32 v4, v4;
	v3 =	vsub.f32 v3, v11  }
0xe6: {  	v1 =	vadd.f32 v12, v1;
	v6 =	vld [tilespmem:s29+$0x81F0]  }
0xe7: {  	v4 =	vadd.f32 v4, v5;
	v3 =	vmul.f32 v3, v3;
	v2 =	vsub.f32 v2, v9  }
0xe8: {  	v0 =	vadd.f32 v7, v0  }
0xe9: {  	v3 =	vadd.f32 v3, v4;
	v2 =	vmul.f32 v2, v2;
	v1 =	vsub.f32 v1, v8;
	_ =	sdelay $0x1  }
0xea: {  	v2 =	vadd.f32 v2, v3;
	v1 =	vmul.f32 v1, v1;
	v0 =	vsub.f32 v0, v6;
	_ =	sdelay $0x1  }
0xeb: {  	v1 =	vadd.f32 v1, v2;
	v0 =	vmul.f32 v0, v0;
	_ =	sdelay $0x1  }
0xec: {  	v0 =	vadd.f32 v0, v1  }
0xed: {  	s28 =	sadd.s32 $0x10, s28  }
0xee: {  	s29 =	sshra.s32 s30, $0x2;
	[tilespmem:s28+$0x0] =	vst v0  }
0xef: {  	v0 =	vld [tilespmem:s29+$0x1F0]  }
0xf0: {  	v1 =	vld [tilespmem:s29+$0x1E0]  }
0xf1: {  	v2 =	vld [tilespmem:s29+$0x1D0]  }
0xf2: {  	v3 =	vld [tilespmem:s29+$0x1C0]  }
0xf3: {  	v4 =	vld [tilespmem:s29+$0x1B0]  }
.Ltmp2:
0xf4: {  	v5 =	vld [tilespmem:s29+$0x8180];
	(pc) =	sbr.rel @p0 .LBB2_7-.Ltmp2, $4  }
0xf5: {  	v6 =	vld [tilespmem:s29+$0x1A0]  }
0xf6: {  	v7 =	vld [tilespmem:s29+$0x4180]  }
0xf7: {  	v8 =	vld [tilespmem:s29+$0x180]  }
0xf8: {  	s30 =	sadd.s32 $0x200, s30;
	v9 =	vld [tilespmem:s29+$0x190]  }
0xf9: {  	v10 =	vld [tilespmem:s29+$0x4190]  }
0xfa: {  	v11 =	vld [tilespmem:s29+$0x41A0]  }
0xfb: {  	v12 =	vld [tilespmem:s29+$0x8190]  }
0xfc: {  	v13 =	vld [tilespmem:s29+$0x41B0]  }
0xfd: {  	v14 =	vld [tilespmem:s29+$0x81A0]  }
0xfe: {  	v54 =	vld [tilespmem:s29+$0x41C0];
	v7 =	vadd.f32 v7, v8;
	v53 =	vadd.f32 v10, v9  }
0xff: {  	v55 =	vld [tilespmem:s29+$0x81B0];
	v6 =	vadd.f32 v11, v6  }
0x100: {  	v57 =	vld [tilespmem:s29+$0x41D0];
	v5 =	vsub.f32 v7, v5;
	v56 =	vsub.f32 v53, v12  }
0x101: {  	v58 =	vld [tilespmem:s29+$0x81C0];
	v4 =	vadd.f32 v13, v4  }
0x102: {  	v59 =	vld [tilespmem:s29+$0x41E0];
	v5 =	vmul.f32 v5, v5;
	v6 =	vsub.f32 v6, v14;
	v7 =	vmul.f32 v56, v56  }
0x103: {  	v60 =	vld [tilespmem:s29+$0x81D0];
	v3 =	vadd.f32 v54, v3  }
0x104: {  	v61 =	vld [tilespmem:s29+$0x41F0];
	v4 =	vsub.f32 v4, v55;
	v6 =	vmul.f32 v6, v6;
	v5 =	vadd.f32 v7, v5  }
0x105: {  	v62 =	vld [tilespmem:s29+$0x81E0];
	v2 =	vadd.f32 v57, v2  }
0x106: {  	v3 =	vsub.f32 v3, v58;
	v4 =	vmul.f32 v4, v4;
	v5 =	vadd.f32 v6, v5  }
0x107: {  	v63 =	vld [tilespmem:s29+$0x81F0];
	v1 =	vadd.f32 v59, v1  }
0x108: {  	v2 =	vsub.f32 v2, v60;
	v3 =	vmul.f32 v3, v3;
	v4 =	vadd.f32 v4, v5  }
0x109: {  	v0 =	vadd.f32 v61, v0  }
0x10a: {  	v1 =	vsub.f32 v1, v62;
	v2 =	vmul.f32 v2, v2;
	v3 =	vadd.f32 v3, v4;
	_ =	sdelay $0x1  }
0x10b: {  	v0 =	vsub.f32 v0, v63;
	v1 =	vmul.f32 v1, v1;
	v2 =	vadd.f32 v2, v3;
	_ =	sdelay $0x1  }
0x10c: {  	v0 =	vmul.f32 v0, v0;
	v1 =	vadd.f32 v1, v2;
	_ =	sdelay $0x1  }
0x10d: {  	s25 =	sadd.s32 $0x1, s25;
	v0 =	vadd.f32 v0, v1  }
0x10e: {  	s28 =	sadd.s32 $0x10, s28;
	s26 =	sshll.u32 s26, $0x8;
	p0 =	sne.s32 s25, $0x4  }
.Ltmp3:
0x10f: {  	s26 =	sadd.s32 s12, s26;
	[tilespmem:s28+$0x0] =	vst v0;
	(pc) =	sbr.rel @p0 .LBB2_6-.Ltmp3, $4  }
0x110: {  	[hbm4b:s26+s2] =	stream.linear.scatter [tilespmem:s22], [sflag:$0x2], $0x800, $0x38;
	[tilespmem:$0xC980] =	vst v63  }
0x111: {  	_ =	swait.ge [sflag:s15], $0x800  }
0x112: {  	[sflag:s15] =	ssyncset.done $0x0  }
0x113: {  	[sflag:s15] =	ssyncadd.s32 $0xFFFFF800  }
0x114: {  	s23 =	sadd.s32 $0x1, s23  }
0x115: {  	p0 =	sne.s32 s23, s14  }
.Ltmp4:
0x116: {  	_ = 	snop;
	(pc) =	sbr.rel @p0 .LBB2_1-.Ltmp4, $1  }
0x117: {  	_ =	sdelay $0x3  }
0x118: {  	_ =	sfence.sel $0x180000  }
0x119: {  	[bflag:$0x0] =	sbarrier.arrive $0xFFFF  }
0x11a: {  	p0 =	sne.s32 s8, $0x0;
	_ =	strace $0x9000004A  }
0x11b: {  	s0 =	sadd.s32 @!p0 $0x100000, s0;
	[bflag:$0x2] =	sbarrier.arrive $0xFFFF  }
0x11c: {  	[sflag:s0] =	ssyncadd.tile.s32 @!p0 $0x1;
	_ =	shalt  }
.Lfunc_end2:
_tile_overlayer_lowered:
.L_overlay_start_2:
0x11d: {  	(tag) =	ssettag $0x2  }
0x11e: {  	s0 =	rddreg [dreg:$0x0];
	s2 =	stileid.u32  }
0x11f: {  	s1 =	rddreg [dreg:$0x1];
	p0 =	sne.s32 s2, $0x0  }
0x120: {  	s3 =	rddreg [dreg:$0x2];
	[bflag:$0x3] =	sbarrier.arrive $0xFFFF;
	s2 =	simm.s32 @!p0 $0x1C02  }
0x121: {  	[timem:s3], [sflag:s2] =	dma.local @!p0 [hbm:s0], s1  }
0x122: {  	s0 =	simm.s32 @!p0 $0x2  }
0x123: {  	_ =	swait.ge @!p0 [sflag:s0], s1  }
0x124: {  	s1 =	ssub.s32 @!p0 $0x0, s1;
	[sflag:s0] =	ssyncset.done @!p0 $0x0  }
0x125: {  	[sflag:s0] =	ssyncadd.s32 @!p0 s1  }
0x126: {  	[bflag:$0x3] =	sbarrier.arrive $0xFFFF  }
0x127: {  	_ =	shalt  }

// kernel: kernel.7.cloned.1.call-start
scs
__scs_entry_jumppad:
0x0: {  	(pc) =	sbr.rel $0x88, $3  }
0x1: {  	(tag) =	ssettag $0x0;
	lr =	simm.s32 $0x1  }
0x2: {  	[smem:$0x3F9A] =	sst lr;
	_ =	strace $0xD0000000  }
0x3: {  	_ = 	snop  }
0x4: {  	_ = 	snop  }
0x5: {  	_ = 	snop  }
0x6: {  	_ = 	snop  }
0x7: {  	_ = 	snop  }
__scs_overlays_trampoline_lowered:
0x8: {  	[smem:$0x3FA9] =	sst s0  }
0x9: {  	[smem:$0x3FAA] =	sst s1  }
0xa: {  	[smem:$0x3FAB] =	sst s2  }
0xb: {  	[smem:$0x3FAC] =	sst s3  }
0xc: {  	[smem:$0x3FAD] =	sst s4  }
0xd: {  	[smem:$0x3FAE] =	sst s5  }
0xe: {  	[smem:$0x3FAF] =	sst s6  }
0xf: {  	[smem:$0x3FB0] =	sst s7  }
0x10: {  	[smem:$0x3FB1] =	sst s8  }
0x11: {  	[smem:$0x3FB2] =	sst s9;
	s0 =	simm.s32 @!p0 $0x0  }
0x12: {  	s1 =	sld [smem:$0x3F98];
	s0 =	simm.s32 @p0 $0x1  }
0x13: {  	[smem:$0x3FB3] =	sst s0;
	s0 =	simm.s32 @!p1 $0x0  }
0x14: {  	s2 =	sld [smem:$0x3F97];
	s0 =	simm.s32 @p1 $0x1  }
0x15: {  	[smem:$0x3FB4] =	sst s0;
	s0 =	simm.s32 @!p2 $0x0  }
0x16: {  	s3 =	sld [smem:$0x3FDB];
	s0 =	simm.s32 @p2 $0x1  }
0x17: {  	s4 =	simm.s32 $0x1BF5;
	[smem:$0x3FB6] =	sst s0  }
0x18: {  	s0 =	sld [smem:$0x3F99];
	_ =	swait.ge [sflag:s4], $0x0  }
0x19: {  	s7 =	sld [smem:$0x3F9A]  }
0x1a: {  	s8 =	sadd.s32 $0xFFFFE003, lr  }
0x1b: {  	s9 =	sadd.s32 $0xFFFFFEF7, lr;
	s5 =	simm.s32 $0xFFFFFFFF;
	p2 =	slt.u32 s8, $0xFFFFF086  }
0x1c: {  	p1 =	slt.u32 s9, $0xF7A;
	s5 =	simm.s32 @!p2 $0x0  }
0x1d: {  	s5 =	simm.s32 @p1 $0x1;
	p0 =	seq.s32 s7, s2  }
0x1e: {  	s7 =	smul.u32 @!p0 $0xF7A, s2;
	p2 =	seq.s32 @!p0 s5, $0x0  }
0x1f: {  	s9 =	smul.u32 $0xF7A, s1;
	s8 =	simm.s32 @!p0 $0x1BF5;
	p2 =	por !p2, p0  }
0x20: {  	[sflag:s8] =	ssyncset.s32 @!p0 $0xFFFFF086;
	s6 =	sadd.s32 @!p0 s3, s7;
	s7 =	simm.s32 @!p0 $0x108  }
0x21: {  	s3 =	sadd.s32 s3, s9;
	s6 =	sadd.s32 @!p0 $0x88, s6;
	s7 =	simm.s32 @p2 $0x1082  }
0x22: {  	[simem:s7], [sflag:s8] =	dma.local @!p0 [hbm:s6], $0xF7A  }
0x23: {  	s9 =	sor.u32 $0xD0000000, s2;
	s6 =	simm.s32 $0x108;
	_ =	swait.ge @!p0 [sflag:s8], $0x0  }
0x24: {  	s3 =	sadd.s32 $0x88, s3;
	s6 =	simm.s32 @!p1 $0x1082;
	[sflag:s4] =	ssyncset.s32 $0xFFFFF086  }
0x25: {  	[simem:s6], [sflag:s4] =	dma.local [hbm:s3], $0xF7A  }
0x26: {  	[smem:$0x3F9A] =	sst s1;
	(tag) =	ssettag s2;
	_ =	strace s9  }
0x27: {  	s1 =	sld [smem:$0x3FAA]  }
0x28: {  	s2 =	sld [smem:$0x3FAB]  }
0x29: {  	s4 =	sld [smem:$0x3FAD]  }
0x2a: {  	p0 =	seq.s32 s5, $0x0;
	s5 =	sld [smem:$0x3FAE]  }
0x2b: {  	s6 =	sld [smem:$0x3FAF]  }
0x2c: {  	s7 =	sld [smem:$0x3FB0]  }
0x2d: {  	s3 =	simm.s32 $0x108;
	s8 =	sld [smem:$0x3FB1]  }
0x2e: {  	s3 =	simm.s32 @!p0 $0x1082;
	s9 =	sld [smem:$0x3FB2]  }
0x2f: {  	lr =	sadd.s32 s0, s3;
	s0 =	sld [smem:$0x3FA9]  }
0x30: {  	s3 =	sld [smem:$0x3FAC]  }
0x31: {  	[smem:$0x3FB5] =	sst s10  }
0x32: {  	s10 =	sld [smem:$0x3FB3];
	_ =	sdelay $0x3  }
0x33: {  	p0 =	seq.s32 s10, $0x1;
	s10 =	sld [smem:$0x3FB5];
	_ =	sdelay $0x3  }
0x34: {  	[smem:$0x3FB5] =	sst s10  }
0x35: {  	s10 =	sld [smem:$0x3FB4];
	_ =	sdelay $0x3  }
0x36: {  	p1 =	seq.s32 s10, $0x1;
	s10 =	sld [smem:$0x3FB5];
	_ =	sdelay $0x3  }
0x37: {  	[smem:$0x3FB5] =	sst s10  }
0x38: {  	s10 =	sld [smem:$0x3FB6]  }
0x39: {  	_ = 	snop;
	(pc) =	sbr.ind lr, $3  }
0x3a: {  	_ = 	snop  }
0x3b: {  	_ = 	snop  }
0x3c: {  	p2 =	seq.s32 s10, $0x1;
	s10 =	sld [smem:$0x3FB5]  }
0x3d: {  	_ =	shalt  }
0x3e: {  	_ =	shalt  }
0x3f: {  	_ =	shalt  }
0x40: {  	_ =	shalt  }
0x41: {  	_ =	shalt  }
0x42: {  	_ =	shalt  }
0x43: {  	_ =	shalt  }
0x44: {  	_ =	shalt  }
0x45: {  	_ =	shalt  }
0x46: {  	_ =	shalt  }
0x47: {  	_ =	shalt  }
0x48: {  	_ =	shalt  }
0x49: {  	_ =	shalt  }
0x4a: {  	_ =	shalt  }
0x4b: {  	_ =	shalt  }
0x4c: {  	_ =	shalt  }
0x4d: {  	_ =	shalt  }
0x4e: {  	_ =	shalt  }
0x4f: {  	_ =	shalt  }
0x50: {  	_ =	shalt  }
0x51: {  	_ =	shalt  }
0x52: {  	_ =	shalt  }
0x53: {  	_ =	shalt  }
0x54: {  	_ =	shalt  }
0x55: {  	_ =	shalt  }
0x56: {  	_ =	shalt  }
0x57: {  	_ =	shalt  }
0x58: {  	_ =	shalt  }
0x59: {  	_ =	shalt  }
0x5a: {  	_ =	shalt  }
0x5b: {  	_ =	shalt  }
0x5c: {  	_ =	shalt  }
0x5d: {  	_ =	shalt  }
0x5e: {  	_ =	shalt  }
0x5f: {  	_ =	shalt  }
0x60: {  	_ =	shalt  }
0x61: {  	_ =	shalt  }
0x62: {  	_ =	shalt  }
0x63: {  	_ =	shalt  }
0x64: {  	_ =	shalt  }
0x65: {  	_ =	shalt  }
0x66: {  	_ =	shalt  }
0x67: {  	_ =	shalt  }
0x68: {  	_ =	shalt  }
0x69: {  	_ =	shalt  }
0x6a: {  	_ =	shalt  }
0x6b: {  	_ =	shalt  }
0x6c: {  	_ =	shalt  }
0x6d: {  	_ =	shalt  }
0x6e: {  	_ =	shalt  }
0x6f: {  	_ =	shalt  }
0x70: {  	_ =	shalt  }
0x71: {  	_ =	shalt  }
0x72: {  	_ =	shalt  }
0x73: {  	_ =	shalt  }
0x74: {  	_ =	shalt  }
0x75: {  	_ =	shalt  }
0x76: {  	_ =	shalt  }
0x77: {  	_ =	shalt  }
0x78: {  	_ =	shalt  }
0x79: {  	_ =	shalt  }
0x7a: {  	_ =	shalt  }
0x7b: {  	_ =	shalt  }
0x7c: {  	_ =	shalt  }
0x7d: {  	_ =	shalt  }
0x7e: {  	_ =	shalt  }
0x7f: {  	_ =	shalt  }
0x80: {  	_ =	shalt  }
0x81: {  	_ =	shalt  }
0x82: {  	_ =	shalt  }
0x83: {  	_ =	shalt  }
0x84: {  	_ =	shalt  }
0x85: {  	_ =	shalt  }
0x86: {  	_ =	shalt  }
0x87: {  	_ =	shalt  }
.Lfunc_end0:
.L_simem_size_0:
called_computation_lowered:
.L_overlay_start_0:
0x88: {  	s2 =	sld [smem:$0x3FD9]  }
0x89: {  	s3 =	sld [smem:$0x3FFE];
	_ =	sdelay $0x1  }
0x8a: {  	s1 =	srdreg.scid  }
0x8b: {  	s0 =	sand.u32 $0x1, s1  }
0x8c: {  	s17 =	sshll.u32 s0, $0xA;
	s2 =	sadd.s32 s3, s2  }
0x8d: {  	s2 =	sadd.s32 s2, s17  }
0x8e: {  	[smem:$0x3FC1] =	sst s2  }
0x8f: {  	_ = 	snop  }
0x90: {  	s2 =	sld [smem:$0x3FC3];
	(tm) =	ssettm $0x1  }
0x91: {  	s18 =	sld [smem:$0x3FFB];
	_ =	sdelay $0x3  }
0x92: {  	_ =	strace s18  }
0x93: {  	s3 =	sld [smem:$0x3FFC];
	_ =	sdelay $0x3  }
0x94: {  	_ =	strace s3  }
0x95: {  	s3 =	sld [smem:$0x3FFD];
	_ =	sdelay $0x3  }
0x96: {  	_ =	strace s3  }
0x97: {  	_ =	strace $0x8FFFFFFF  }
0x98: {  	s19 =	sld [smem:$0x3FDB];
	_ =	sdelay $0x1  }
0x99: {  	s4 =	simm.s32 $_scs_section_size  }
0x9a: {  	s5 =	simm.s32 $_size__tile_overlayer_lowered;
	s6 =	simm.s32 $_tile_overlayer_lowered  }
0x9b: {  	s22 =	simm.s32 $0x1BFF;
	s21 =	sshll.u32 s6, $0x1;
	s3 =	sadd.s32 s4, s19  }
0x9c: {  	s7 =	simm.s32 $0x0;
	s20 =	sshll.u32 s5, $0x1;
	s5 =	sadd.s32 s21, s3  }
0x9d: {  	[timem:s7], [sflag:s22] =	dma.local [hbm:s5], s20  }
0x9e: {  	_ =	swait.ge [sflag:s22], s20  }
0x9f: {  	s4 =	ssub.s32 $0x0, s20;
	[sflag:s22] =	ssyncset.done $0x0  }
0xa0: {  	[sflag:s22] =	ssyncadd.s32 s4;
	_ =	sdelay $0x1  }
0xa1: {  	s23 =	simm.s32 $0x1B8B  }
0xa2: {  	_ =	swait.ge [sflag:s23], $0x1  }
0xa3: {  	[sflag:s23] =	ssyncset.done $0x0  }
0xa4: {  	s25 =	simm.s32 $0x1B8E;
	s24 =	sld [smem:$0x3FFE];
	[sflag:s23] =	ssyncadd.s32 $0xFFFFFFFF  }
0xa5: {  	s26 =	simm.s32 $execute0_lowered;
	[smem:$0x3FD2] =	sst s25  }
0xa6: {  	s5 =	sshll.u32 s26, $0x1;
	_ =	strace $0x80000046;
	[dreg:$0x1] =	wrdreg $0xFFFFFFFF  }
0xa7: {  	s28 =	simm.s32 $_size_execute0_lowered;
	s3 =	sadd.s32 s3, s5;
	[dreg:$0x0] =	wrdreg $0x0  }
0xa8: {  	s5 =	sshll.u32 s28, $0x1;
	[dreg:$0x2] =	wrdreg s3  }
0xa9: {  	[dreg:$0x3] =	wrdreg s5  }
0xaa: {  	[dreg:$0x4] =	wrdreg $0xC0  }
0xab: {  	_ =	task [dreg:s7], $0x5FFFF  }
0xac: {  	[dreg:$0x1] =	wrdreg $0xFFFFFFFF  }
0xad: {  	[dreg:$0x0] =	wrdreg $0x60  }
0xae: {  	[dreg:$0x2] =	wrdreg s24  }
0xaf: {  	[dreg:$0x3] =	wrdreg s2  }
0xb0: {  	[dreg:$0x4] =	wrdreg $0x0  }
0xb1: {  	[dreg:$0x5] =	wrdreg $0x9  }
0xb2: {  	_ =	task.clear_ibuf [dreg:s7], $0x6FFFF;
	_ =	strace $0x90000046  }
0xb3: {  	s29 =	simm.s32 $0x9;
	_ =	strace $0x80000048  }
0xb4: {  	_ =	swait.ge [sflag:s29], $0x1  }
0xb5: {  	[sflag:s29] =	ssyncadd.s32 $0xFFFFFFFF  }
0xb6: {  	_ =	strace $0x90000048  }
0xb7: {  	_ =	sfence  }
0xb8: {  	s30 =	sld [smem:$0x0];
	_ =	sdelay $0x2  }
0xb9: {  	s31 =	sshll.u32 s1, $0xD;
	s1 =	sshrl.u32 s1, $0x2  }
0xba: {  	s3 =	sand.u32 $0x4000, s31;
	s1 =	sadd.s32 s1, s30  }
0xbb: {  	s0 =	sor.u32 s3, s0;
	s1 =	sshll.u32 s1, $0x11  }
0xbc: {  	s0 =	sor.u32 s1, s0  }
0xbd: {  	s0 =	sadd.s32 $0x8F2B, s0  }
0xbe: {  	[sflag:s0] =	ssyncadd.remote.s32 $0x1  }
0xbf: {  	_ =	sfence.sel $0xFFFF  }
0xc0: {  	[dreg:$0x0] =	wrdreg $0xFFFFFFFF;
	(pc) =	sbr.abs _section_cstart, $3  }
0xc1: {  	[dreg:$0x1] =	wrdreg $0xFFFFFFFF  }
0xc2: {  	_ =	task.clear_ibuf [dreg:s7], $0x2FFFF;
	_ =	strace $0x9FFFFFFF  }
0xc3: {  	(tm) =	ssettm $0x7FFFFFFF  }
tec
execute0_lowered:
.L_overlay_start_1:
0x0: {  	(tag) =	ssettag $0x1  }
0x1: {  	s6 =	rddreg [dreg:$0x0]  }
0x2: {  	s10 =	rddreg [dreg:$0x1]  }
0x3: {  	s1 =	rddreg [dreg:$0x2]  }
0x4: {  	s0 =	rddreg [dreg:$0x3];
	s3 =	simm.s32 $0x0;
	s2 =	srdreg.scid  }
0x5: {  	s14 =	simm.s32 $0x2;
	s15 =	simm.s32 $0x13880;
	s16 =	simm.s32 $0x13900  }
0x6: {  	s17 =	simm.s32 $0x13A00;
	s18 =	simm.s32 $0x80;
	s19 =	simm.s32 $0x13980  }
0x7: {  	s20 =	simm.s32 $0x13A80;
	s21 =	simm.s32 $0x1;
	s22 =	simm.s32 $0x0  }
0x8: {  	[smem:$0x7FF] =	sst s3;
	s5 =	sand.u32 $0x1, s2;
	s2 =	stileid.u32  }
0x9: {  	s7 =	smul.u32 $0x138800, s5;
	s4 =	sshll.u32 s2, $0x8;
	s8 =	sshll.u32 s5, $0x7  }
0xa: {  	s9 =	smul.u32 $0x13800, s2;
	_ =	strace $0x80000047;
	s29 =	ssub.s32 $0x2, s5  }
0xb: {  	p0 =	seq.s32 s2, $0xF;
	s5 =	simm.s32 $0x28;
	s30 =	smul.u32 $0x4E000, s2  }
0xc: {  	s8 =	sor.u32 s8, s4;
	s4 =	sadd.s32 $0x15200, s6;
	s31 =	sshrl.u32 s29, $0x1  }
0xd: {  	s5 =	simm.s32 @!p0 $0x27;
	p0 =	slt.u32 s2, $0x2;
	s11 =	sshrl.u32 s8, $0x3  }
0xe: {  	s7 =	sadd.s32 s9, s7;
	s9 =	sshrl.u32 s30, $0x2;
	s8 =	ssub.s32 s29, s31  }
0xf: {  	s12 =	sadd.s32 s11, s6;
	s7 =	sshrl.u32 s7, $0x3;
	s8 =	smax.u32 s8, $0x1  }
0x10: {  	s10 =	sadd.s32 s11, s10;
	s13 =	sadd.s32 s7, s6;
	s6 =	simm.s32 $0x4F  }
0x11: {  	s7 =	sadd.s32 s9, s1;
	s9 =	sadd.s32 $0x1600, s12;
	s11 =	sadd.s32 $0xB400, s12  }
0x12: {  	v0 =	vimm.f32 $0.0e+00;
	s6 =	simm.s32 @!p0 $0x4E;
	s12 =	sadd.s32 $0x14DA00, s13;
	s13 =	simm.s32 $0x17A80  }
.LBB2_1:
0x13: {  	[tilespmem:$0x17A80] =	vst v0  }
0x14: {  	[tilespmem:$0x17A90] =	vst v0  }
0x15: {  	[tilespmem:$0x17AA0] =	vst v0  }
0x16: {  	[tilespmem:$0x17AB0] =	vst v0  }
0x17: {  	[tilespmem:$0x17AC0] =	vst v0  }
0x18: {  	[tilespmem:$0x17AD0] =	vst v0  }
0x19: {  	[tilespmem:$0x17AE0] =	vst v0  }
0x1a: {  	[tilespmem:$0x17AF0] =	vst v0  }
0x1b: {  	[tilespmem:$0x17B00] =	vst v0  }
0x1c: {  	[tilespmem:$0x17B10] =	vst v0  }
0x1d: {  	[tilespmem:$0x17B20] =	vst v0  }
0x1e: {  	[tilespmem:$0x17B30] =	vst v0  }
0x1f: {  	[tilespmem:$0x17B40] =	vst v0  }
0x20: {  	[tilespmem:$0x17B50] =	vst v0  }
0x21: {  	[tilespmem:$0x17B60] =	vst v0  }
0x22: {  	[tilespmem:$0x17B70] =	vst v0  }
0x23: {  	[tilespmem:$0x17B80] =	vst v0  }
0x24: {  	[tilespmem:$0x17B90] =	vst v0  }
0x25: {  	[tilespmem:$0x17BA0] =	vst v0  }
0x26: {  	[tilespmem:$0x17BB0] =	vst v0  }
0x27: {  	[tilespmem:$0x17BC0] =	vst v0  }
0x28: {  	[tilespmem:$0x17BD0] =	vst v0  }
0x29: {  	[tilespmem:$0x17BE0] =	vst v0  }
0x2a: {  	[tilespmem:$0x17BF0] =	vst v0  }
0x2b: {  	[tilespmem:$0x17C00] =	vst v0  }
0x2c: {  	[tilespmem:$0x17C10] =	vst v0  }
0x2d: {  	[tilespmem:$0x17C20] =	vst v0  }
0x2e: {  	[tilespmem:$0x17C30] =	vst v0  }
0x2f: {  	[tilespmem:$0x17C40] =	vst v0  }
0x30: {  	[tilespmem:$0x17C50] =	vst v0  }
0x31: {  	[tilespmem:$0x17C60] =	vst v0  }
0x32: {  	[tilespmem:$0x17C70] =	vst v0  }
0x33: {  	[tilespmem:$0x17C80] =	vst v0  }
0x34: {  	[tilespmem:$0x17C90] =	vst v0  }
0x35: {  	[tilespmem:$0x17CA0] =	vst v0  }
0x36: {  	[tilespmem:$0x17CB0] =	vst v0  }
0x37: {  	[tilespmem:$0x17CC0] =	vst v0  }
0x38: {  	[tilespmem:$0x17CD0] =	vst v0  }
0x39: {  	[tilespmem:$0x17CE0] =	vst v0  }
0x3a: {  	[tilespmem:$0x17CF0] =	vst v0  }
0x3b: {  	[tilespmem:$0x17D00] =	vst v0  }
0x3c: {  	[tilespmem:$0x17D10] =	vst v0  }
0x3d: {  	[tilespmem:$0x17D20] =	vst v0  }
0x3e: {  	[tilespmem:$0x17D30] =	vst v0  }
0x3f: {  	[tilespmem:$0x17D40] =	vst v0  }
0x40: {  	[tilespmem:$0x17D50] =	vst v0  }
0x41: {  	[tilespmem:$0x17D60] =	vst v0  }
0x42: {  	[tilespmem:$0x17D70] =	vst v0  }
0x43: {  	[tilespmem:$0x17D80] =	vst v0  }
0x44: {  	[tilespmem:$0x17D90] =	vst v0  }
0x45: {  	[tilespmem:$0x17DA0] =	vst v0  }
0x46: {  	[tilespmem:$0x17DB0] =	vst v0  }
0x47: {  	[tilespmem:$0x17DC0] =	vst v0  }
0x48: {  	[tilespmem:$0x17DD0] =	vst v0  }
0x49: {  	[tilespmem:$0x17DE0] =	vst v0  }
0x4a: {  	[tilespmem:$0x17DF0] =	vst v0  }
0x4b: {  	[tilespmem:$0x17E00] =	vst v0  }
0x4c: {  	[tilespmem:$0x17E10] =	vst v0  }
0x4d: {  	[tilespmem:$0x17E20] =	vst v0  }
0x4e: {  	[tilespmem:$0x17E30] =	vst v0  }
0x4f: {  	[tilespmem:$0x17E40] =	vst v0  }
0x50: {  	[tilespmem:$0x17E50] =	vst v0  }
0x51: {  	[tilespmem:$0x17E60] =	vst v0  }
0x52: {  	[tilespmem:$0x17E70] =	vst v0  }
0x53: {  	[tilespmem:$0x17E80] =	vst v0  }
0x54: {  	[tilespmem:$0x17E90] =	vst v0  }
0x55: {  	[tilespmem:$0x17EA0] =	vst v0  }
0x56: {  	[tilespmem:$0x17EB0] =	vst v0  }
0x57: {  	[tilespmem:$0x17EC0] =	vst v0  }
0x58: {  	[tilespmem:$0x17ED0] =	vst v0  }
0x59: {  	[tilespmem:$0x17EE0] =	vst v0  }
0x5a: {  	[tilespmem:$0x17EF0] =	vst v0  }
0x5b: {  	[tilespmem:$0x17F00] =	vst v0  }
0x5c: {  	[tilespmem:$0x17F10] =	vst v0  }
0x5d: {  	[tilespmem:$0x17F20] =	vst v0  }
0x5e: {  	[tilespmem:$0x17F30] =	vst v0  }
0x5f: {  	[tilespmem:$0x17F40] =	vst v0  }
0x60: {  	[tilespmem:$0x17F50] =	vst v0  }
0x61: {  	[tilespmem:$0x17F60] =	vst v0  }
0x62: {  	[tilespmem:$0x17F70] =	vst v0  }
0x63: {  	[tilespmem:$0x17F80] =	vst v0  }
0x64: {  	[tilespmem:$0x17F90] =	vst v0  }
0x65: {  	[tilespmem:$0x17FA0] =	vst v0  }
0x66: {  	[tilespmem:$0x17FB0] =	vst v0  }
0x67: {  	[tilespmem:$0x17FC0] =	vst v0  }
0x68: {  	[tilespmem:$0x17FD0] =	vst v0  }
0x69: {  	[tilespmem:$0x17FE0] =	vst v0  }
0x6a: {  	[tilespmem:$0x17FF0] =	vst v0  }
0x6b: {  	[tilespmem:$0x18000] =	vst v0  }
0x6c: {  	[tilespmem:$0x18010] =	vst v0  }
0x6d: {  	[tilespmem:$0x18020] =	vst v0  }
0x6e: {  	[tilespmem:$0x18030] =	vst v0  }
0x6f: {  	[tilespmem:$0x18040] =	vst v0  }
0x70: {  	[tilespmem:$0x18050] =	vst v0  }
0x71: {  	[tilespmem:$0x18060] =	vst v0  }
0x72: {  	[tilespmem:$0x18070] =	vst v0  }
0x73: {  	[tilespmem:$0x18080] =	vst v0  }
0x74: {  	[tilespmem:$0x18090] =	vst v0  }
0x75: {  	[tilespmem:$0x180A0] =	vst v0  }
0x76: {  	[tilespmem:$0x180B0] =	vst v0  }
0x77: {  	[tilespmem:$0x180C0] =	vst v0  }
0x78: {  	[tilespmem:$0x180D0] =	vst v0  }
0x79: {  	[tilespmem:$0x180E0] =	vst v0  }
0x7a: {  	[tilespmem:$0x180F0] =	vst v0  }
0x7b: {  	[tilespmem:$0x18100] =	vst v0  }
0x7c: {  	[tilespmem:$0x18110] =	vst v0  }
0x7d: {  	[tilespmem:$0x18120] =	vst v0  }
0x7e: {  	[tilespmem:$0x18130] =	vst v0  }
0x7f: {  	[tilespmem:$0x18140] =	vst v0  }
0x80: {  	[tilespmem:$0x18150] =	vst v0  }
0x81: {  	[tilespmem:$0x18160] =	vst v0  }
0x82: {  	[tilespmem:$0x18170] =	vst v0  }
0x83: {  	[tilespmem:$0x18180] =	vst v0  }
0x84: {  	[tilespmem:$0x18190] =	vst v0  }
0x85: {  	[tilespmem:$0x181A0] =	vst v0  }
0x86: {  	[tilespmem:$0x181B0] =	vst v0  }
0x87: {  	[tilespmem:$0x181C0] =	vst v0  }
0x88: {  	[tilespmem:$0x181D0] =	vst v0  }
0x89: {  	[tilespmem:$0x181E0] =	vst v0  }
0x8a: {  	[tilespmem:$0x181F0] =	vst v0  }
0x8b: {  	[tilespmem:$0x18200] =	vst v0  }
0x8c: {  	[tilespmem:$0x18210] =	vst v0  }
0x8d: {  	[tilespmem:$0x18220] =	vst v0  }
0x8e: {  	[tilespmem:$0x18230] =	vst v0  }
0x8f: {  	[tilespmem:$0x18240] =	vst v0  }
0x90: {  	[tilespmem:$0x18250] =	vst v0;
	p0 =	sne.s32 s5, $0x1  }
.Ltmp0:
0x91: {  	[tilespmem:$0x18260] =	vst v0;
	(pc) =	sbr.rel @!p0 .LBB2_3-.Ltmp0, $4  }
0x92: {  	[tilespmem:$0x18270] =	vst v0  }
0x93: {  	[spmem:s7] =	stream.linear.scatter [tilespmem:s13], [sflag:$0x2], $0x800, $0x38;
	[tilespmem:$0x18280] =	vst v63  }
0x94: {  	_ =	swait.ge [sflag:s14], $0x800  }
0x95: {  	s23 =	sadd.s32 $0xFFFFFFFF, s5;
	s24 =	smov.u32 s7;
	[sflag:s14] =	ssyncset.done $0x0  }
.LBB2_2:
0x96: {  	p1 =	sne.s32 s23, $0x1;
	[sflag:s14] =	ssyncadd.s32 $0xFFFFF800;
	s24 =	sadd.s32 $0x800, s24  }
.Ltmp1:
0x97: {  	s23 =	sadd.s32 $0xFFFFFFFF, s23;
	(pc) =	sbr.rel @p1 .LBB2_2-.Ltmp1, $4  }
0x98: {  	_ = 	snop  }
0x99: {  	[spmem:s24] =	stream.linear.scatter [tilespmem:s13], [sflag:$0x2], $0x800, $0x38;
	[tilespmem:$0x18280] =	vst v63  }
0x9a: {  	_ =	swait.ge [sflag:s14], $0x800  }
0x9b: {  	[sflag:s14] =	ssyncset.done $0x0  }
.LBB2_3:
0x9c: {  	[sflag:s14] =	ssyncadd.s32 $0xFFFFF800  }
0x9d: {  	[bflag:$0x0] =	sbarrier.arrive $0xFFFF  }
0x9e: {  	[tilespmem:s15], [sflag:$0x2] =	stream.linear.gather [hbm4b:s11+s3], $0x80, $0x38;
	[tilespmem:$0x18280] =	vst v63  }
0x9f: {  	p1 =	sne.s32 s6, $0x1;
	_ =	swait.ge [sflag:s14], $0x80  }
.Ltmp2:
0xa0: {  	[sflag:s14] =	ssyncset.done $0x0;
	(pc) =	sbr.rel @!p1 .LBB2_5-.Ltmp2, $4  }
0xa1: {  	s23 =	sadd.s32 $0xFFFFFFFF, s6;
	[sflag:s14] =	ssyncadd.s32 $0xFFFFFF80  }
0xa2: {  	[tilespmem:s16], [sflag:$0x2] =	stream.linear.gather [hbm4b:s10+s3], $0x80, $0x38;
	[tilespmem:$0x18280] =	vst v63  }
0xa3: {  	s24 =	sadd.s32 $0x200, s11;
	s25 =	smov.u32 s9;
	_ =	swait.ge [sflag:s14], $0x80  }
0xa4: {  	s26 =	smov.u32 s10;
	s28 =	smov.u32 s9;
	[sflag:s14] =	ssyncset.done $0x0  }
.LBB2_4:
0xa5: {  	[sflag:s14] =	ssyncadd.s32 $0xFFFFFF80;
	s25 =	sadd.s32 $0x200, s25;
	s26 =	sadd.s32 $0x200, s26  }
0xa6: {  	[tilespmem:s17], [sflag:$0x2] =	stream.linear.gather [hbm4b:s28+s3], $0x80, $0x38;
	[tilespmem:$0x18280] =	vst v63  }
0xa7: {  	p1 =	sne.s32 s23, $0x1;
	s23 =	sadd.s32 $0xFFFFFFFF, s23;
	_ =	swait.ge [sflag:s14], $0x80  }
0xa8: {  	s28 =	smov.u32 s25;
	[sflag:s14] =	ssyncset.done $0x0  }
0xa9: {  	[sflag:s14] =	ssyncadd.s32 $0xFFFFFF80  }
0xaa: {  	v1 =	vld [tilespmem:$0x138C0]  }
0xab: {  	v2 =	vld [tilespmem:$0x13890]  }
0xac: {  	v3 =	vld [tilespmem:$0x138F0]  }
0xad: {  	v4 =	vld [tilespmem:$0x138E0]  }
0xae: {  	v5 =	vld [tilespmem:$0x138A0]  }
0xaf: {  	v6 =	vld [tilespmem:$0x13920]  }
0xb0: {  	v7 =	vld [tilespmem:$0x138B0]  }
0xb1: {  	v8 =	vld [tilespmem:$0x13930]  }
0xb2: {  	v9 =	vld [tilespmem:$0x13960]  }
0xb3: {  	v10 =	vld [tilespmem:$0x13970]  }
0xb4: {  	v11 =	vld [tilespmem:$0x13910];
	v6 =	vmul.u32 $0x2710, v6  }
0xb5: {  	v12 =	vld [tilespmem:$0x13940]  }
0xb6: {  	v5 =	vadd.s32 v5, v6;
	v6 =	vmul.u32 $0x2710, v8;
	v8 =	vld [tilespmem:$0x13950]  }
0xb7: {  	v13 =	vld [tilespmem:$0x13900];
	[tilespmem:$0x139A0] =	vst v5;
	v5 =	vmul.u32 $0x2710, v9  }
0xb8: {  	v6 =	vadd.s32 v7, v6;
	v7 =	vld [tilespmem:$0x138D0];
	v9 =	vmul.u32 $0x2710, v10  }
0xb9: {  	v10 =	vld [tilespmem:$0x13880];
	v11 =	vmul.u32 $0x2710, v11;
	[tilespmem:$0x139B0] =	vst v6;
	v4 =	vadd.s32 v4, v5  }
0xba: {  	v5 =	vmul.u32 $0x2710, v12;
	[tilespmem:$0x139E0] =	vst v4;
	v3 =	vadd.s32 v3, v9  }
0xbb: {  	v2 =	vadd.s32 v2, v11;
	v4 =	vmul.u32 $0x2710, v8;
	[tilespmem:$0x139F0] =	vst v3  }
0xbc: {  	v3 =	vmul.u32 $0x2710, v13;
	[tilespmem:$0x13990] =	vst v2;
	v1 =	vadd.s32 v1, v5  }
0xbd: {  	[tilespmem:$0x139C0] =	vst v1;
	v1 =	vadd.s32 v7, v4  }
0xbe: {  	v2 =	vadd.s32 v10, v3;
	[tilespmem:$0x139D0] =	vst v1  }
0xbf: {  	[tilespmem:$0x13980] =	vst v2  }
0xc0: {  	[tilespmem:s20], [sflag:$0x1] =	stream.indirect.gather [hbm4b:s4+s18], $0x80, s19, s18, $0xb8;
	[tilespmem:$0x18280] =	vst v63  }
0xc1: {  	_ =	swait.ge [sflag:s21], $0x4000  }
0xc2: {  	[sflag:s21] =	ssyncset.done $0x0  }
0xc3: {  	[sflag:s21] =	ssyncadd.s32 $0xFFFFC000  }
0xc4: {  	[spmem:s1] =	stream.indirect.scatter.add.f32 [tilespmem:s20], [sflag:$0x2], $0x80, s17, s18, $0xb8;
	[tilespmem:$0x18280] =	vst v63  }
0xc5: {  	_ =	swait.ge [sflag:s14], $0x4000  }
0xc6: {  	[sflag:s14] =	ssyncset.done $0x0  }
0xc7: {  	[sflag:s14] =	ssyncadd.s32 $0xFFFFC000  }
0xc8: {  	[tilespmem:s15], [sflag:$0x2] =	stream.linear.gather [hbm4b:s24+s3], $0x80, $0x38;
	[tilespmem:$0x18280] =	vst v63  }
0xc9: {  	_ =	swait.ge [sflag:s14], $0x80  }
.Ltmp3:
0xca: {  	[sflag:s14] =	ssyncset.done $0x0;
	(pc) =	sbr.rel @p1 .LBB2_4-.Ltmp3, $4  }
0xcb: {  	[sflag:s14] =	ssyncadd.s32 $0xFFFFFF80  }
0xcc: {  	[tilespmem:s16], [sflag:$0x2] =	stream.linear.gather [hbm4b:s26+s3], $0x80, $0x38;
	[tilespmem:$0x18280] =	vst v63  }
0xcd: {  	_ =	swait.ge [sflag:s14], $0x80  }
0xce: {  	s24 =	sadd.s32 $0x200, s24;
	[sflag:s14] =	ssyncset.done $0x0  }
.LBB2_5:
0xcf: {  	[sflag:s14] =	ssyncadd.s32 $0xFFFFFF80  }
0xd0: {  	[tilespmem:s17], [sflag:$0x2] =	stream.linear.gather [hbm4b:s28+s3], $0x80, $0x38;
	[tilespmem:$0x18280] =	vst v63  }
0xd1: {  	_ =	swait.ge [sflag:s14], $0x80  }
0xd2: {  	[sflag:s14] =	ssyncset.done $0x0  }
0xd3: {  	[sflag:s14] =	ssyncadd.s32 $0xFFFFFF80  }
0xd4: {  	v1 =	vld [tilespmem:$0x138C0]  }
0xd5: {  	v2 =	vld [tilespmem:$0x13890]  }
0xd6: {  	v3 =	vld [tilespmem:$0x138F0]  }
0xd7: {  	v4 =	vld [tilespmem:$0x138E0]  }
0xd8: {  	v5 =	vld [tilespmem:$0x138A0]  }
0xd9: {  	v6 =	vld [tilespmem:$0x13920]  }
0xda: {  	v7 =	vld [tilespmem:$0x138B0]  }
0xdb: {  	v8 =	vld [tilespmem:$0x13930]  }
0xdc: {  	v9 =	vld [tilespmem:$0x13960]  }
0xdd: {  	v10 =	vld [tilespmem:$0x13970]  }
0xde: {  	v11 =	vld [tilespmem:$0x13910]  }
0xdf: {  	v12 =	vld [tilespmem:$0x13940];
	v6 =	vmul.u32 $0x2710, v6  }
0xe0: {  	v13 =	vld [tilespmem:$0x13950];
	v8 =	vmul.u32 $0x2710, v8  }
0xe1: {  	v57 =	vld [tilespmem:$0x13900];
	v9 =	vmul.u32 $0x2710, v9;
	v5 =	vadd.s32 v5, v6  }
0xe2: {  	v59 =	vld [tilespmem:$0x138D0];
	v60 =	vmul.u32 $0x2710, v10;
	v58 =	vadd.s32 v7, v8;
	[tilespmem:$0x139A0] =	vst v5  }
0xe3: {  	v61 =	vld [tilespmem:$0x13880];
	v11 =	vmul.u32 $0x2710, v11;
	v4 =	vadd.s32 v4, v9;
	[tilespmem:$0x139B0] =	vst v58  }
0xe4: {  	v62 =	vmul.u32 $0x2710, v12;
	v3 =	vadd.s32 v3, v60;
	[tilespmem:$0x139E0] =	vst v4  }
0xe5: {  	v63 =	vmul.u32 $0x2710, v13;
	v2 =	vadd.s32 v2, v11;
	[tilespmem:$0x139F0] =	vst v3  }
0xe6: {  	v1 =	vadd.s32 v1, v62;
	v3 =	vmul.u32 $0x2710, v57;
	[tilespmem:$0x13990] =	vst v2  }
0xe7: {  	[tilespmem:$0x139C0] =	vst v1;
	v1 =	vadd.s32 v59, v63  }
0xe8: {  	[tilespmem:$0x139D0] =	vst v1;
	v2 =	vadd.s32 v61, v3  }
0xe9: {  	[tilespmem:$0x13980] =	vst v2  }
0xea: {  	[tilespmem:s20], [sflag:$0x1] =	stream.indirect.gather [hbm4b:s4+s18], $0x80, s19, s18, $0xb8;
	[tilespmem:$0x18280] =	vst v63  }
0xeb: {  	_ =	swait.ge [sflag:s21], $0x4000  }
0xec: {  	[sflag:s21] =	ssyncset.done $0x0  }
0xed: {  	[sflag:s21] =	ssyncadd.s32 $0xFFFFC000  }
0xee: {  	[spmem:s1] =	stream.indirect.scatter.add.f32 [tilespmem:s20], [sflag:$0x2], $0x80, s17, s18, $0xb8;
	[tilespmem:$0x18280] =	vst v63  }
0xef: {  	_ =	swait.ge [sflag:s14], $0x4000  }
.Ltmp4:
0xf0: {  	[sflag:s14] =	ssyncset.done $0x0;
	(pc) =	sbr.rel @!p0 .LBB2_7-.Ltmp4, $4  }
0xf1: {  	s23 =	sshll.u32 s2, $0x6;
	s24 =	sshrl.u32 s7, $0x3;
	[sflag:s14] =	ssyncadd.s32 $0xFFFFC000  }
0xf2: {  	s25 =	sadd.s32 $0x100, s12;
	s23 =	sor.u32 $0x1C02, s23;
	[bflag:$0x0] =	sbarrier.arrive $0xFFFF  }
0xf3: {  	[hbm:s12], [sflag:s23] =	dma.local [spmem:s24], $0x100  }
0xf4: {  	s26 =	smov.u32 s7;
	s24 =	sadd.s32 $0xFFFFFFFF, s5;
	_ =	swait.ge [sflag:s14], $0x100  }
.LBB2_6:
0xf5: {  	[sflag:s14] =	ssyncset.done $0x0;
	s26 =	sadd.s32 $0x800, s26;
	p0 =	sne.s32 s24, $0x1  }
.Ltmp5:
0xf6: {  	s28 =	sshrl.u32 s26, $0x3;
	[sflag:s14] =	ssyncadd.s32 $0xFFFFFF00;
	(pc) =	sbr.rel @p0 .LBB2_6-.Ltmp5, $3  }
0xf7: {  	[hbm:s25], [sflag:s23] =	dma.local [spmem:s28], $0x100  }
0xf8: {  	s24 =	sadd.s32 $0xFFFFFFFF, s24;
	_ =	sdelay $0x1  }
0xf9: {  	s25 =	sadd.s32 $0x100, s25;
	_ =	swait.ge [sflag:s14], $0x100  }
.LBB2_7:
0xfa: {  	s22 =	sadd.s32 $0x1, s22  }
0xfb: {  	p0 =	sne.s32 s22, s8  }
.Ltmp6:
0xfc: {  	_ = 	snop;
	(pc) =	sbr.rel @p0 .LBB2_1-.Ltmp6, $3  }
0xfd: {  	_ =	sdelay $0x1  }
0xfe: {  	[sflag:s14] =	ssyncset.done $0x0  }
0xff: {  	[sflag:s14] =	ssyncadd.s32 $0xFFFFFF00  }
0x100: {  	_ =	sfence.sel $0x180000  }
0x101: {  	[bflag:$0x0] =	sbarrier.arrive $0xFFFF  }
0x102: {  	p0 =	sne.s32 s2, $0x0;
	_ =	strace $0x90000047  }
0x103: {  	s0 =	sadd.s32 @!p0 $0x100000, s0;
	[bflag:$0x2] =	sbarrier.arrive $0xFFFF  }
0x104: {  	[sflag:s0] =	ssyncadd.tile.s32 @!p0 $0x1;
	_ =	shalt  }
.Lfunc_end2:
_tile_overlayer_lowered:
.L_overlay_start_2:
0x105: {  	(tag) =	ssettag $0x2  }
0x106: {  	s0 =	rddreg [dreg:$0x0];
	s2 =	stileid.u32  }
0x107: {  	s1 =	rddreg [dreg:$0x1];
	p0 =	sne.s32 s2, $0x0  }
0x108: {  	s3 =	rddreg [dreg:$0x2];
	[bflag:$0x3] =	sbarrier.arrive $0xFFFF;
	s2 =	simm.s32 @!p0 $0x1C02  }
0x109: {  	[timem:s3], [sflag:s2] =	dma.local @!p0 [hbm:s0], s1  }
0x10a: {  	s0 =	simm.s32 @!p0 $0x2  }
0x10b: {  	_ =	swait.ge @!p0 [sflag:s0], s1  }
0x10c: {  	s1 =	ssub.s32 @!p0 $0x0, s1;
	[sflag:s0] =	ssyncset.done @!p0 $0x0  }
0x10d: {  	[sflag:s0] =	ssyncadd.s32 @!p0 s1  }
0x10e: {  	[bflag:$0x3] =	sbarrier.arrive $0xFFFF  }
0x10f: {  	_ =	shalt  }

</sc_bundles>
